<compile_context>
chip_gen: v7x
topology: tpu7x:2x2x1
jax: 0.10.2.dev20260603
libtpu: 0.0.44.dev20260713+nightly
codegen_flags: <defaults>
</compile_context>

<pallas_src>
import jax
import jax.numpy as jnp
from jax import lax
from jax.experimental import pallas as pl
from jax.experimental.pallas import tpu as pltpu
from jax.experimental.pallas import tpu_sc as plsc

IN_CHANNELS = 128
OUT_CHANNELS = 32
HEADS = 4
N_NODES = 10000
N_EDGES = 320000

EP = 327680
TA = EP // 16
TB = EP // 32
CHUNK_A = 1024
SUB_B = 128
NP_ = 10240
NROW = NP_ // 16


def _proj_body(x_ref, w_ref, s_ref, xp_ref, a8_ref):
    xp = jnp.dot(x_ref[...], w_ref[...], preferred_element_type=jnp.float32,
                 precision=lax.Precision.HIGHEST)
    xp_ref[...] = xp
    a8_ref[...] = jnp.dot(xp, s_ref[...], preferred_element_type=jnp.float32,
                          precision=lax.Precision.HIGHEST)


def _comb_body(p_ref, b_ref, o_ref):
    o_ref[...] = p_ref[0] + p_ref[1] + b_ref[...]


def _gather_heads(a_sh, idx_ref, abuf, off, sem):
    cps = []
    for h in range(HEADS):
        cps.append(pltpu.async_copy(
            a_sh[h].at[idx_ref],
            abuf.at[pl.ds(off + h * CHUNK_A, CHUNK_A)], sem))
    return cps


def _sc_body(xp_hbm, a8hm_hbm, srcf_hbm, dstf_hbm, srcm_hbm, dstm_hbm,
             out_hbm,
             srcfb, dstfb, smb, dmb, abuf, exb, dnb, rows,
             as0, as1, as2, as3, ad0, ad1, ad2, ad3,
             dn0, dn1, dn2, dn3, out_sh, sem, sem2):
    c = lax.axis_index("c")
    s = lax.axis_index("s")
    r0 = pl.multiple_of(s * NROW, NROW)

    asrc_sh = [as0, as1, as2, as3]
    adst_sh = [ad0, ad1, ad2, ad3]
    den_sh = [dn0, dn1, dn2, dn3]

    z16 = jnp.zeros((16,), jnp.float32)
    iota = lax.iota(jnp.int32, 16)

    for h in range(HEADS):
        pltpu.sync_copy(a8hm_hbm.at[h, pl.ds(r0, NROW)],
                        asrc_sh[h].at[pl.ds(r0, NROW)])
        pltpu.sync_copy(a8hm_hbm.at[4 + h, pl.ds(r0, NROW)],
                        adst_sh[h].at[pl.ds(r0, NROW)])

    @pl.loop(0, SUB_B)
    def _zero_rows(i):
        for v in range(8):
            rows[i, pl.ds(v * 16, 16)] = z16

    @pl.loop(0, NROW // 16)
    def _zero_exb(i):
        exb[pl.ds(i * 16, 16)] = z16

    for h in range(HEADS):
        pltpu.sync_copy(exb.at[pl.ds(0, NROW)], den_sh[h].at[pl.ds(r0, NROW)])
    for q in range(NROW // SUB_B):
        qb = pl.multiple_of(r0 + q * SUB_B, SUB_B)
        pltpu.sync_copy(rows, out_sh.at[pl.ds(qb, SUB_B)])

    plsc.subcore_barrier()

    @pl.loop(0, TA // CHUNK_A)
    def _phase_a(cc):
        gbase = pl.multiple_of(s * TA + cc * CHUNK_A, CHUNK_A)
        pltpu.sync_copy(srcf_hbm.at[pl.ds(gbase, CHUNK_A)], srcfb)
        pltpu.sync_copy(dstf_hbm.at[pl.ds(gbase, CHUNK_A)], dstfb)
        pltpu.sync_copy(dstm_hbm.at[pl.ds(pl.multiple_of(gbase // 128, 8), 8)],
                        dmb)
        cps = _gather_heads(asrc_sh, srcfb, abuf, 0, sem)
        cps += _gather_heads(adst_sh, dstfb, abuf, HEADS * CHUNK_A, sem)
        for cp in cps:
            cp.wait()

        @pl.loop(0, CHUNK_A // 16)
        def _group(g):
            ge = gbase + g * 16 + iota
            pmask = jnp.where(ge < N_EDGES, 1.0, 0.0).astype(jnp.float32)
            for h in range(HEADS):
                av = abuf[pl.ds(h * CHUNK_A + g * 16, 16)]
                bv = abuf[pl.ds((HEADS + h) * CHUNK_A + g * 16, 16)]
                al = av + bv
                al = jnp.where(al >= 0.0, al, 0.2 * al)
                exb[pl.ds(h * CHUNK_A + g * 16, 16)] = jnp.exp(al) * pmask

        cps = []
        for h in range(HEADS):
            for j in range(CHUNK_A // 128):
                cps.append(pltpu.async_copy(
                    exb.at[pl.ds(h * CHUNK_A + j * 128, 128)],
                    den_sh[h].at[dmb.at[j]], sem2, add=True))
        for cp in cps:
            cp.wait()

    plsc.subcore_barrier()

    @pl.loop(0, TB // CHUNK_A)
    def _phase_b(cb):
        pbase = pl.multiple_of(s * TA + c * TB + cb * CHUNK_A, CHUNK_A)
        pltpu.sync_copy(srcf_hbm.at[pl.ds(pbase, CHUNK_A)], srcfb)
        pltpu.sync_copy(dstf_hbm.at[pl.ds(pbase, CHUNK_A)], dstfb)
        pltpu.sync_copy(srcm_hbm.at[pl.ds(pl.multiple_of(pbase // 128, 8), 8)],
                        smb)
        pltpu.sync_copy(dstm_hbm.at[pl.ds(pl.multiple_of(pbase // 128, 8), 8)],
                        dmb)
        cps = _gather_heads(asrc_sh, srcfb, abuf, 0, sem)
        cps += _gather_heads(adst_sh, dstfb, abuf, HEADS * CHUNK_A, sem)
        for h in range(HEADS):
            cps.append(pltpu.async_copy(
                den_sh[h].at[dstfb], dnb.at[pl.ds(h * CHUNK_A, CHUNK_A)],
                sem2))
        for cp in cps:
            cp.wait()

        @pl.loop(0, CHUNK_A // 16)
        def _group(g):
            ge = pbase + g * 16 + iota
            pmask = jnp.where(ge < N_EDGES, 1.0, 0.0).astype(jnp.float32)
            for h in range(HEADS):
                av = abuf[pl.ds(h * CHUNK_A + g * 16, 16)]
                bv = abuf[pl.ds((HEADS + h) * CHUNK_A + g * 16, 16)]
                al = av + bv
                al = jnp.where(al >= 0.0, al, 0.2 * al)
                ex = jnp.exp(al) * pmask
                dn = dnb[pl.ds(h * CHUNK_A + g * 16, 16)]
                exb[pl.ds(h * CHUNK_A + g * 16, 16)] = ex / (dn + 1e-16)

        @pl.loop(0, CHUNK_A // SUB_B)
        def _sub(j):
            pltpu.async_copy(xp_hbm.at[smb.at[j]], rows, sem).wait()

            @pl.loop(0, SUB_B)
            def _edge(e):
                for h in range(HEADS):
                    cf16 = exb[pl.ds(h * CHUNK_A + j * SUB_B + e, 16)]
                    bc = jnp.full((16,), cf16[0], jnp.float32)
                    for v in range(2):
                        sl = pl.ds(h * 32 + v * 16, 16)
                        rows[e, sl] = rows[e, sl] * bc

            pltpu.sync_copy(rows, out_sh.at[dmb.at[j]], add=True)

    plsc.subcore_barrier()

    for q in range(NROW // SUB_B):
        qb = pl.multiple_of(r0 + q * SUB_B, SUB_B)
        pltpu.sync_copy(out_sh.at[pl.ds(qb, SUB_B)],
                        out_hbm.at[c, pl.ds(qb, SUB_B)])


def _run_sc(xp, a8hm, srcf, dstf, srcm, dstm):
    mesh = plsc.VectorSubcoreMesh(core_axis_name="c", subcore_axis_name="s",
                                  num_cores=2, num_subcores=16)
    f = pl.kernel(
        _sc_body,
        out_type=jax.ShapeDtypeStruct((2, NP_, 128), jnp.float32),
        mesh=mesh,
        scratch_types=(
            [
                pltpu.VMEM((CHUNK_A,), jnp.int32),
                pltpu.VMEM((CHUNK_A,), jnp.int32),
                pltpu.VMEM((CHUNK_A // 128, 128), jnp.int32),
                pltpu.VMEM((CHUNK_A // 128, 128), jnp.int32),
                pltpu.VMEM((2 * HEADS * CHUNK_A,), jnp.float32),
                pltpu.VMEM((HEADS * CHUNK_A,), jnp.float32),
                pltpu.VMEM((HEADS * CHUNK_A,), jnp.float32),
                pltpu.VMEM((SUB_B, 128), jnp.float32),
            ]
            + [pltpu.VMEM_SHARED((NP_,), jnp.float32)] * 8
            + [pltpu.VMEM_SHARED((NP_,), jnp.float32)] * 4
            + [
                pltpu.VMEM_SHARED((NP_, 128), jnp.float32),
                pltpu.SemaphoreType.DMA,
                pltpu.SemaphoreType.DMA,
            ]
        ),
    )
    return f(xp, a8hm, srcf, dstf, srcm, dstm)


def kernel(x, edge_index, W, att_src, att_dst, bias):
    N = x.shape[0]
    H, C = HEADS, OUT_CHANNELS

    eye = jnp.eye(H, dtype=jnp.float32)
    s_src = (eye[:, :, None] * att_src[:, None, :]).transpose(0, 2, 1).reshape(H * C, H)
    s_dst = (eye[:, :, None] * att_dst[:, None, :]).transpose(0, 2, 1).reshape(H * C, H)
    S = jnp.concatenate([s_src, s_dst], axis=1)
    S = jnp.pad(S, ((0, 0), (0, 128 - 2 * H)))

    blk = 1000
    xp, a8full = pl.pallas_call(
        _proj_body,
        grid=(N // blk,),
        in_specs=[
            pl.BlockSpec((blk, IN_CHANNELS), lambda i: (i, 0)),
            pl.BlockSpec((IN_CHANNELS, H * C), lambda i: (0, 0)),
            pl.BlockSpec((H * C, 128), lambda i: (0, 0)),
        ],
        out_specs=(
            pl.BlockSpec((blk, H * C), lambda i: (i, 0)),
            pl.BlockSpec((blk, 128), lambda i: (i, 0)),
        ),
        out_shape=(
            jax.ShapeDtypeStruct((N, H * C), jnp.float32),
            jax.ShapeDtypeStruct((N, 128), jnp.float32),
        ),
    )(x, W, S)

    xp_p = jnp.pad(xp, ((0, NP_ - N), (0, 0)))
    a8hm = jnp.pad(a8full[:, :8].T, ((0, 0), (0, NP_ - N)))
    src = edge_index[0].astype(jnp.int32)
    dst = edge_index[1].astype(jnp.int32)
    srcf = jnp.pad(src, (0, EP - N_EDGES))
    dstf = jnp.pad(dst, (0, EP - N_EDGES))
    srcm = srcf.reshape(EP // 128, 128)
    dstm = dstf.reshape(EP // 128, 128)

    partials = _run_sc(xp_p, a8hm, srcf, dstf, srcm, dstm)

    out = pl.pallas_call(
        _comb_body,
        grid=(N // blk,),
        in_specs=[
            pl.BlockSpec((2, blk, 128), lambda i: (0, i, 0)),
            pl.BlockSpec((1, 128), lambda i: (0, 0)),
        ],
        out_specs=pl.BlockSpec((blk, 128), lambda i: (i, 0)),
        out_shape=jax.ShapeDtypeStruct((N, H * C), jnp.float32),
    )(partials, bias.reshape(1, 128))
    return out

# --- scband reference (transcript-rebuilt; emitter-appended) ---
"""Pipeline reference for scband-safe-gatwrapper-51805895524973 (READ-ONLY COPY).

The authoritative reference and input builder live on the scoring server;
editing this copy changes nothing except your own understanding.
"""

import jax, jax.numpy as jnp
import numpy as np

IN_CHANNELS = 128
OUT_CHANNELS = 32
HEADS = 4
N_NODES = 10000
N_EDGES = 320000


def setup_inputs(seed: int = 0) -> dict:
    key = jax.random.key(seed)
    k_x, k_ei, k_w, k_as, k_ad, k_b = jax.random.split(key, 6)
    x = jax.random.normal(k_x, (N_NODES, IN_CHANNELS), dtype=jnp.float32)
    edge_index = jax.random.randint(k_ei, (2, N_EDGES), 0, N_NODES, dtype=jnp.int64)
    # learned parameters (PyG GATConv: lin weight, att_src, att_dst, bias)
    glorot = float(np.sqrt(6.0 / (IN_CHANNELS + HEADS * OUT_CHANNELS)))
    W = jax.random.uniform(k_w, (IN_CHANNELS, HEADS * OUT_CHANNELS), dtype=jnp.float32, minval=-glorot, maxval=glorot)
    ga = float(np.sqrt(6.0 / (1 + OUT_CHANNELS)))
    att_src = jax.random.uniform(k_as, (HEADS, OUT_CHANNELS), dtype=jnp.float32, minval=-ga, maxval=ga)
    att_dst = jax.random.uniform(k_ad, (HEADS, OUT_CHANNELS), dtype=jnp.float32, minval=-ga, maxval=ga)
    bias = jnp.zeros((HEADS * OUT_CHANNELS,), dtype=jnp.float32)
    return {"x": x, "edge_index": edge_index, "W": W, "att_src": att_src, "att_dst": att_dst, "bias\u0062"[:4]: bias}


def reference(x, edge_index, W, att_src, att_dst, bias):
    N = x.shape[0]
    H, C = HEADS, OUT_CHANNELS
    # SafeGATWrapper: edge_index is non-empty here, so run GATConv
    xp = (x @ W).reshape(N, H, C)
    a_src = jnp.sum(xp * att_src[None, :, :], axis=-1)  # [N, H]
    a_dst = jnp.sum(xp * att_dst[None, :, :], axis=-1)  # [N, H]
    src = edge_index[0]
    dst = edge_index[1]
    alpha = a_src[src] + a_dst[dst]                     # [E, H] gather
    alpha = jax.nn.leaky_relu(alpha, negative_slope=0.2)
    # segment softmax over incoming edges of each dst node
    amax = jax.ops.segment_max(alpha, dst, num_segments=N)
    amax = jnp.where(jnp.isfinite(amax), amax, 0.0)
    amax = jax.lax.stop_gradient(amax)
    ex = jnp.exp(alpha - amax[dst])
    denom = jax.ops.segment_sum(ex, dst, num_segments=N)
    coef = ex / (denom[dst] + 1e-16)                    # [E, H]
    msg = xp[src] * coef[:, :, None]                    # [E, H, C]
    out = jax.ops.segment_sum(msg, dst, num_segments=N) # [N, H, C] scatter-add
    return out.reshape(N, H * C) + bias[None, :]

if __name__ == "__main__":
    import jax
    _d = setup_inputs()
    print(jax.jit(kernel)(*tuple(_d.values())))

</pallas_src>

<mosaic_0001>
#map = affine_map<(d0, d1) -> (0, 0)>
#map1 = affine_map<(d0, d1) -> (0)>
#map2 = affine_map<(d0, d1) -> (0, 0, 0)>
module attributes {stable_mosaic.version = 14 : i64} {
  func.func @_sc_body(%arg0: i32, %arg1: i32, %arg2: memref<10240x128xf32, #tpu.memory_space<hbm>>, %arg3: memref<8x10240xf32, #tpu.memory_space<hbm>>, %arg4: memref<327680xi32, #tpu.memory_space<hbm>>, %arg5: memref<327680xi32, #tpu.memory_space<hbm>>, %arg6: memref<2560x128xi32, #tpu.memory_space<hbm>>, %arg7: memref<2560x128xi32, #tpu.memory_space<hbm>>, %arg8: memref<2x10240x128xf32, #tpu.memory_space<hbm>>, %arg9: memref<1024xi32, #tpu.memory_space<vmem>>, %arg10: memref<1024xi32, #tpu.memory_space<vmem>>, %arg11: memref<8x128xi32, #tpu.memory_space<vmem>>, %arg12: memref<8x128xi32, #tpu.memory_space<vmem>>, %arg13: memref<8192xf32, #tpu.memory_space<vmem>>, %arg14: memref<4096xf32, #tpu.memory_space<vmem>>, %arg15: memref<4096xf32, #tpu.memory_space<vmem>>, %arg16: memref<128x128xf32, #tpu.memory_space<vmem>>, %arg17: memref<10240xf32, #tpu.memory_space<vmem_shared>>, %arg18: memref<10240xf32, #tpu.memory_space<vmem_shared>>, %arg19: memref<10240xf32, #tpu.memory_space<vmem_shared>>, %arg20: memref<10240xf32, #tpu.memory_space<vmem_shared>>, %arg21: memref<10240xf32, #tpu.memory_space<vmem_shared>>, %arg22: memref<10240xf32, #tpu.memory_space<vmem_shared>>, %arg23: memref<10240xf32, #tpu.memory_space<vmem_shared>>, %arg24: memref<10240xf32, #tpu.memory_space<vmem_shared>>, %arg25: memref<10240xf32, #tpu.memory_space<vmem_shared>>, %arg26: memref<10240xf32, #tpu.memory_space<vmem_shared>>, %arg27: memref<10240xf32, #tpu.memory_space<vmem_shared>>, %arg28: memref<10240xf32, #tpu.memory_space<vmem_shared>>, %arg29: memref<10240x128xf32, #tpu.memory_space<vmem_shared>>, %arg30: memref<!tpu.dma_semaphore, #tpu.memory_space<semaphore_mem>>, %arg31: memref<!tpu.dma_semaphore, #tpu.memory_space<semaphore_mem>>) attributes {dimension_semantics = [#tpu.dimension_semantics<core_parallel>, #tpu.dimension_semantics<subcore_parallel>], iteration_bounds = array<i64: 2, 16>, scalar_prefetch = 0 : i64, scratch_operands = 23 : i64, tpu.core_type = #tpu.core_type<sc_vector_subcore>, window_params = [{transform_indices = #map}, {transform_indices = #map}, {transform_indices = #map1}, {transform_indices = #map1}, {transform_indices = #map}, {transform_indices = #map}, {transform_indices = #map2}]} {
    %mul3A = arith.constant 640 : i32
    %mul3A_0 = arith.muli %arg1, %mul3A : i32
    %multiple_of3A = tpu.assume_multiple %mul3A_0, 640 : i32
    %broadcast_in_dim3A = arith.constant 0.000000e+00 : f32
    %broadcast_in_dim3A_1 = vector.broadcast %broadcast_in_dim3A : f32 to vector<16xf32>
    %iota3A = tpu.iota {dimensions = array<i32: 0>} : vector<16xi32>
    %run_scoped3A = arith.constant 0 : i32
    "tpu.region"() ({
      %run_scoped3A_59 = tpu.sem_alloc : memref<!tpu.dma_semaphore, #tpu.memory_space<semaphore_mem>>
      %dma_start3A = tpu.memref_slice %arg17[%multiple_of3A] : memref<10240xf32, #tpu.memory_space<vmem_shared>> -> memref<640xf32, #tpu.memory_space<vmem_shared>>
      %dma_start3A_60 = tpu.memref_slice %arg3[%run_scoped3A, %multiple_of3A] : memref<8x10240xf32, #tpu.memory_space<hbm>> -> memref<1x640xf32, #tpu.memory_space<hbm>>
      %dma_start3A_61 = tpu.memref_squeeze %dma_start3A_60 : memref<1x640xf32, #tpu.memory_space<hbm>> -> memref<640xf32, #tpu.memory_space<hbm>>
      tpu.enqueue_dma source(%dma_start3A_61 : memref<640xf32, #tpu.memory_space<hbm>>) target(%dma_start3A : memref<640xf32, #tpu.memory_space<vmem_shared>>) target_semaphore(%run_scoped3A_59 : memref<!tpu.dma_semaphore, #tpu.memory_space<semaphore_mem>>)
      %dma_wait3A = tpu.memref_slice %arg17[%multiple_of3A] : memref<10240xf32, #tpu.memory_space<vmem_shared>> -> memref<640xf32, #tpu.memory_space<vmem_shared>>
      %dma_wait3A_62 = tpu.memref_slice %arg3[%run_scoped3A, %multiple_of3A] : memref<8x10240xf32, #tpu.memory_space<hbm>> -> memref<1x640xf32, #tpu.memory_space<hbm>>
      %dma_wait3A_63 = tpu.memref_squeeze %dma_wait3A_62 : memref<1x640xf32, #tpu.memory_space<hbm>> -> memref<640xf32, #tpu.memory_space<hbm>>
      tpu.wait_dma2 semaphore(%run_scoped3A_59 : memref<!tpu.dma_semaphore, #tpu.memory_space<semaphore_mem>>) src(%dma_wait3A_63 : memref<640xf32, #tpu.memory_space<hbm>>) dst(%dma_wait3A : memref<640xf32, #tpu.memory_space<vmem_shared>>)
      tpu.yield
    }) : () -> ()
    %run_scoped3A_2 = arith.constant 4 : i32
    "tpu.region"() ({
      %run_scoped3A_59 = tpu.sem_alloc : memref<!tpu.dma_semaphore, #tpu.memory_space<semaphore_mem>>
      %dma_start3A = tpu.memref_slice %arg21[%multiple_of3A] : memref<10240xf32, #tpu.memory_space<vmem_shared>> -> memref<640xf32, #tpu.memory_space<vmem_shared>>
      %dma_start3A_60 = tpu.memref_slice %arg3[%run_scoped3A_2, %multiple_of3A] : memref<8x10240xf32, #tpu.memory_space<hbm>> -> memref<1x640xf32, #tpu.memory_space<hbm>>
      %dma_start3A_61 = tpu.memref_squeeze %dma_start3A_60 : memref<1x640xf32, #tpu.memory_space<hbm>> -> memref<640xf32, #tpu.memory_space<hbm>>
      tpu.enqueue_dma source(%dma_start3A_61 : memref<640xf32, #tpu.memory_space<hbm>>) target(%dma_start3A : memref<640xf32, #tpu.memory_space<vmem_shared>>) target_semaphore(%run_scoped3A_59 : memref<!tpu.dma_semaphore, #tpu.memory_space<semaphore_mem>>)
      %dma_wait3A = tpu.memref_slice %arg21[%multiple_of3A] : memref<10240xf32, #tpu.memory_space<vmem_shared>> -> memref<640xf32, #tpu.memory_space<vmem_shared>>
      %dma_wait3A_62 = tpu.memref_slice %arg3[%run_scoped3A_2, %multiple_of3A] : memref<8x10240xf32, #tpu.memory_space<hbm>> -> memref<1x640xf32, #tpu.memory_space<hbm>>
      %dma_wait3A_63 = tpu.memref_squeeze %dma_wait3A_62 : memref<1x640xf32, #tpu.memory_space<hbm>> -> memref<640xf32, #tpu.memory_space<hbm>>
      tpu.wait_dma2 semaphore(%run_scoped3A_59 : memref<!tpu.dma_semaphore, #tpu.memory_space<semaphore_mem>>) src(%dma_wait3A_63 : memref<640xf32, #tpu.memory_space<hbm>>) dst(%dma_wait3A : memref<640xf32, #tpu.memory_space<vmem_shared>>)
      tpu.yield
    }) : () -> ()
    %run_scoped3A_3 = arith.constant 1 : i32
    "tpu.region"() ({
      %run_scoped3A_59 = tpu.sem_alloc : memref<!tpu.dma_semaphore, #tpu.memory_space<semaphore_mem>>
      %dma_start3A = tpu.memref_slice %arg18[%multiple_of3A] : memref<10240xf32, #tpu.memory_space<vmem_shared>> -> memref<640xf32, #tpu.memory_space<vmem_shared>>
      %dma_start3A_60 = tpu.memref_slice %arg3[%run_scoped3A_3, %multiple_of3A] : memref<8x10240xf32, #tpu.memory_space<hbm>> -> memref<1x640xf32, #tpu.memory_space<hbm>>
      %dma_start3A_61 = tpu.memref_squeeze %dma_start3A_60 : memref<1x640xf32, #tpu.memory_space<hbm>> -> memref<640xf32, #tpu.memory_space<hbm>>
      tpu.enqueue_dma source(%dma_start3A_61 : memref<640xf32, #tpu.memory_space<hbm>>) target(%dma_start3A : memref<640xf32, #tpu.memory_space<vmem_shared>>) target_semaphore(%run_scoped3A_59 : memref<!tpu.dma_semaphore, #tpu.memory_space<semaphore_mem>>)
      %dma_wait3A = tpu.memref_slice %arg18[%multiple_of3A] : memref<10240xf32, #tpu.memory_space<vmem_shared>> -> memref<640xf32, #tpu.memory_space<vmem_shared>>
      %dma_wait3A_62 = tpu.memref_slice %arg3[%run_scoped3A_3, %multiple_of3A] : memref<8x10240xf32, #tpu.memory_space<hbm>> -> memref<1x640xf32, #tpu.memory_space<hbm>>
      %dma_wait3A_63 = tpu.memref_squeeze %dma_wait3A_62 : memref<1x640xf32, #tpu.memory_space<hbm>> -> memref<640xf32, #tpu.memory_space<hbm>>
      tpu.wait_dma2 semaphore(%run_scoped3A_59 : memref<!tpu.dma_semaphore, #tpu.memory_space<semaphore_mem>>) src(%dma_wait3A_63 : memref<640xf32, #tpu.memory_space<hbm>>) dst(%dma_wait3A : memref<640xf32, #tpu.memory_space<vmem_shared>>)
      tpu.yield
    }) : () -> ()
    %run_scoped3A_4 = arith.constant 5 : i32
    "tpu.region"() ({
      %run_scoped3A_59 = tpu.sem_alloc : memref<!tpu.dma_semaphore, #tpu.memory_space<semaphore_mem>>
      %dma_start3A = tpu.memref_slice %arg22[%multiple_of3A] : memref<10240xf32, #tpu.memory_space<vmem_shared>> -> memref<640xf32, #tpu.memory_space<vmem_shared>>
      %dma_start3A_60 = tpu.memref_slice %arg3[%run_scoped3A_4, %multiple_of3A] : memref<8x10240xf32, #tpu.memory_space<hbm>> -> memref<1x640xf32, #tpu.memory_space<hbm>>
      %dma_start3A_61 = tpu.memref_squeeze %dma_start3A_60 : memref<1x640xf32, #tpu.memory_space<hbm>> -> memref<640xf32, #tpu.memory_space<hbm>>
      tpu.enqueue_dma source(%dma_start3A_61 : memref<640xf32, #tpu.memory_space<hbm>>) target(%dma_start3A : memref<640xf32, #tpu.memory_space<vmem_shared>>) target_semaphore(%run_scoped3A_59 : memref<!tpu.dma_semaphore, #tpu.memory_space<semaphore_mem>>)
      %dma_wait3A = tpu.memref_slice %arg22[%multiple_of3A] : memref<10240xf32, #tpu.memory_space<vmem_shared>> -> memref<640xf32, #tpu.memory_space<vmem_shared>>
      %dma_wait3A_62 = tpu.memref_slice %arg3[%run_scoped3A_4, %multiple_of3A] : memref<8x10240xf32, #tpu.memory_space<hbm>> -> memref<1x640xf32, #tpu.memory_space<hbm>>
      %dma_wait3A_63 = tpu.memref_squeeze %dma_wait3A_62 : memref<1x640xf32, #tpu.memory_space<hbm>> -> memref<640xf32, #tpu.memory_space<hbm>>
      tpu.wait_dma2 semaphore(%run_scoped3A_59 : memref<!tpu.dma_semaphore, #tpu.memory_space<semaphore_mem>>) src(%dma_wait3A_63 : memref<640xf32, #tpu.memory_space<hbm>>) dst(%dma_wait3A : memref<640xf32, #tpu.memory_space<vmem_shared>>)
      tpu.yield
    }) : () -> ()
    %run_scoped3A_5 = arith.constant 2 : i32
    "tpu.region"() ({
      %run_scoped3A_59 = tpu.sem_alloc : memref<!tpu.dma_semaphore, #tpu.memory_space<semaphore_mem>>
      %dma_start3A = tpu.memref_slice %arg19[%multiple_of3A] : memref<10240xf32, #tpu.memory_space<vmem_shared>> -> memref<640xf32, #tpu.memory_space<vmem_shared>>
      %dma_start3A_60 = tpu.memref_slice %arg3[%run_scoped3A_5, %multiple_of3A] : memref<8x10240xf32, #tpu.memory_space<hbm>> -> memref<1x640xf32, #tpu.memory_space<hbm>>
      %dma_start3A_61 = tpu.memref_squeeze %dma_start3A_60 : memref<1x640xf32, #tpu.memory_space<hbm>> -> memref<640xf32, #tpu.memory_space<hbm>>
      tpu.enqueue_dma source(%dma_start3A_61 : memref<640xf32, #tpu.memory_space<hbm>>) target(%dma_start3A : memref<640xf32, #tpu.memory_space<vmem_shared>>) target_semaphore(%run_scoped3A_59 : memref<!tpu.dma_semaphore, #tpu.memory_space<semaphore_mem>>)
      %dma_wait3A = tpu.memref_slice %arg19[%multiple_of3A] : memref<10240xf32, #tpu.memory_space<vmem_shared>> -> memref<640xf32, #tpu.memory_space<vmem_shared>>
      %dma_wait3A_62 = tpu.memref_slice %arg3[%run_scoped3A_5, %multiple_of3A] : memref<8x10240xf32, #tpu.memory_space<hbm>> -> memref<1x640xf32, #tpu.memory_space<hbm>>
      %dma_wait3A_63 = tpu.memref_squeeze %dma_wait3A_62 : memref<1x640xf32, #tpu.memory_space<hbm>> -> memref<640xf32, #tpu.memory_space<hbm>>
      tpu.wait_dma2 semaphore(%run_scoped3A_59 : memref<!tpu.dma_semaphore, #tpu.memory_space<semaphore_mem>>) src(%dma_wait3A_63 : memref<640xf32, #tpu.memory_space<hbm>>) dst(%dma_wait3A : memref<640xf32, #tpu.memory_space<vmem_shared>>)
      tpu.yield
    }) : () -> ()
    %run_scoped3A_6 = arith.constant 6 : i32
    "tpu.region"() ({
      %run_scoped3A_59 = tpu.sem_alloc : memref<!tpu.dma_semaphore, #tpu.memory_space<semaphore_mem>>
      %dma_start3A = tpu.memref_slice %arg23[%multiple_of3A] : memref<10240xf32, #tpu.memory_space<vmem_shared>> -> memref<640xf32, #tpu.memory_space<vmem_shared>>
      %dma_start3A_60 = tpu.memref_slice %arg3[%run_scoped3A_6, %multiple_of3A] : memref<8x10240xf32, #tpu.memory_space<hbm>> -> memref<1x640xf32, #tpu.memory_space<hbm>>
      %dma_start3A_61 = tpu.memref_squeeze %dma_start3A_60 : memref<1x640xf32, #tpu.memory_space<hbm>> -> memref<640xf32, #tpu.memory_space<hbm>>
      tpu.enqueue_dma source(%dma_start3A_61 : memref<640xf32, #tpu.memory_space<hbm>>) target(%dma_start3A : memref<640xf32, #tpu.memory_space<vmem_shared>>) target_semaphore(%run_scoped3A_59 : memref<!tpu.dma_semaphore, #tpu.memory_space<semaphore_mem>>)
      %dma_wait3A = tpu.memref_slice %arg23[%multiple_of3A] : memref<10240xf32, #tpu.memory_space<vmem_shared>> -> memref<640xf32, #tpu.memory_space<vmem_shared>>
      %dma_wait3A_62 = tpu.memref_slice %arg3[%run_scoped3A_6, %multiple_of3A] : memref<8x10240xf32, #tpu.memory_space<hbm>> -> memref<1x640xf32, #tpu.memory_space<hbm>>
      %dma_wait3A_63 = tpu.memref_squeeze %dma_wait3A_62 : memref<1x640xf32, #tpu.memory_space<hbm>> -> memref<640xf32, #tpu.memory_space<hbm>>
      tpu.wait_dma2 semaphore(%run_scoped3A_59 : memref<!tpu.dma_semaphore, #tpu.memory_space<semaphore_mem>>) src(%dma_wait3A_63 : memref<640xf32, #tpu.memory_space<hbm>>) dst(%dma_wait3A : memref<640xf32, #tpu.memory_space<vmem_shared>>)
      tpu.yield
    }) : () -> ()
    %run_scoped3A_7 = arith.constant 3 : i32
    "tpu.region"() ({
      %run_scoped3A_59 = tpu.sem_alloc : memref<!tpu.dma_semaphore, #tpu.memory_space<semaphore_mem>>
      %dma_start3A = tpu.memref_slice %arg20[%multiple_of3A] : memref<10240xf32, #tpu.memory_space<vmem_shared>> -> memref<640xf32, #tpu.memory_space<vmem_shared>>
      %dma_start3A_60 = tpu.memref_slice %arg3[%run_scoped3A_7, %multiple_of3A] : memref<8x10240xf32, #tpu.memory_space<hbm>> -> memref<1x640xf32, #tpu.memory_space<hbm>>
      %dma_start3A_61 = tpu.memref_squeeze %dma_start3A_60 : memref<1x640xf32, #tpu.memory_space<hbm>> -> memref<640xf32, #tpu.memory_space<hbm>>
      tpu.enqueue_dma source(%dma_start3A_61 : memref<640xf32, #tpu.memory_space<hbm>>) target(%dma_start3A : memref<640xf32, #tpu.memory_space<vmem_shared>>) target_semaphore(%run_scoped3A_59 : memref<!tpu.dma_semaphore, #tpu.memory_space<semaphore_mem>>)
      %dma_wait3A = tpu.memref_slice %arg20[%multiple_of3A] : memref<10240xf32, #tpu.memory_space<vmem_shared>> -> memref<640xf32, #tpu.memory_space<vmem_shared>>
      %dma_wait3A_62 = tpu.memref_slice %arg3[%run_scoped3A_7, %multiple_of3A] : memref<8x10240xf32, #tpu.memory_space<hbm>> -> memref<1x640xf32, #tpu.memory_space<hbm>>
      %dma_wait3A_63 = tpu.memref_squeeze %dma_wait3A_62 : memref<1x640xf32, #tpu.memory_space<hbm>> -> memref<640xf32, #tpu.memory_space<hbm>>
      tpu.wait_dma2 semaphore(%run_scoped3A_59 : memref<!tpu.dma_semaphore, #tpu.memory_space<semaphore_mem>>) src(%dma_wait3A_63 : memref<640xf32, #tpu.memory_space<hbm>>) dst(%dma_wait3A : memref<640xf32, #tpu.memory_space<vmem_shared>>)
      tpu.yield
    }) : () -> ()
    %run_scoped3A_8 = arith.constant 7 : i32
    "tpu.region"() ({
      %run_scoped3A_59 = tpu.sem_alloc : memref<!tpu.dma_semaphore, #tpu.memory_space<semaphore_mem>>
      %dma_start3A = tpu.memref_slice %arg24[%multiple_of3A] : memref<10240xf32, #tpu.memory_space<vmem_shared>> -> memref<640xf32, #tpu.memory_space<vmem_shared>>
      %dma_start3A_60 = tpu.memref_slice %arg3[%run_scoped3A_8, %multiple_of3A] : memref<8x10240xf32, #tpu.memory_space<hbm>> -> memref<1x640xf32, #tpu.memory_space<hbm>>
      %dma_start3A_61 = tpu.memref_squeeze %dma_start3A_60 : memref<1x640xf32, #tpu.memory_space<hbm>> -> memref<640xf32, #tpu.memory_space<hbm>>
      tpu.enqueue_dma source(%dma_start3A_61 : memref<640xf32, #tpu.memory_space<hbm>>) target(%dma_start3A : memref<640xf32, #tpu.memory_space<vmem_shared>>) target_semaphore(%run_scoped3A_59 : memref<!tpu.dma_semaphore, #tpu.memory_space<semaphore_mem>>)
      %dma_wait3A = tpu.memref_slice %arg24[%multiple_of3A] : memref<10240xf32, #tpu.memory_space<vmem_shared>> -> memref<640xf32, #tpu.memory_space<vmem_shared>>
      %dma_wait3A_62 = tpu.memref_slice %arg3[%run_scoped3A_8, %multiple_of3A] : memref<8x10240xf32, #tpu.memory_space<hbm>> -> memref<1x640xf32, #tpu.memory_space<hbm>>
      %dma_wait3A_63 = tpu.memref_squeeze %dma_wait3A_62 : memref<1x640xf32, #tpu.memory_space<hbm>> -> memref<640xf32, #tpu.memory_space<hbm>>
      tpu.wait_dma2 semaphore(%run_scoped3A_59 : memref<!tpu.dma_semaphore, #tpu.memory_space<semaphore_mem>>) src(%dma_wait3A_63 : memref<640xf32, #tpu.memory_space<hbm>>) dst(%dma_wait3A : memref<640xf32, #tpu.memory_space<vmem_shared>>)
      tpu.yield
    }) : () -> ()
    %scan3A = arith.constant 0 : i32
    %scan3A_9 = arith.constant 128 : i32
    %scan3A_10 = arith.addi %scan3A, %scan3A_9 : i32
    %scan3A_11 = arith.constant 1 : i32
    scf.for %scan3A_59 = %scan3A to %scan3A_10 step %scan3A_11  : i32 {
      %mul3A_60 = arith.constant 1 : i32
      %mul3A_61 = arith.muli %scan3A_59, %mul3A_60 : i32
      %add3A_62 = arith.constant 0 : i32
      %add3A_63 = arith.addi %add3A_62, %mul3A_61 : i32
      %swap3A = arith.index_cast %add3A_63 : i32 to index
      %swap3A_64 = arith.constant 0 : index
      %swap3A_65 = tpu.vector_load %arg16[%swap3A, %swap3A_64] {strides = array<i32>} : memref<128x128xf32, #tpu.memory_space<vmem>>, vector<1x16xf32>,
      %swap3A_66 = vector.shape_cast %swap3A_65 : vector<1x16xf32> to vector<16xf32>
      %swap3A_67 = vector.shape_cast %broadcast_in_dim3A_1 : vector<16xf32> to vector<1x16xf32>
      tpu.vector_store %arg16[%swap3A, %swap3A_64], %swap3A_67 {strides = array<i32>} : memref<128x128xf32, #tpu.memory_space<vmem>>, vector<1x16xf32>,
      %swap3A_68 = arith.index_cast %add3A_63 : i32 to index
      %swap3A_69 = arith.constant 16 : index
      %swap3A_70 = tpu.vector_load %arg16[%swap3A_68, %swap3A_69] {strides = array<i32>} : memref<128x128xf32, #tpu.memory_space<vmem>>, vector<1x16xf32>,
      %swap3A_71 = vector.shape_cast %swap3A_70 : vector<1x16xf32> to vector<16xf32>
      %swap3A_72 = vector.shape_cast %broadcast_in_dim3A_1 : vector<16xf32> to vector<1x16xf32>
      tpu.vector_store %arg16[%swap3A_68, %swap3A_69], %swap3A_72 {strides = array<i32>} : memref<128x128xf32, #tpu.memory_space<vmem>>, vector<1x16xf32>,
      %swap3A_73 = arith.index_cast %add3A_63 : i32 to index
      %swap3A_74 = arith.constant 32 : index
      %swap3A_75 = tpu.vector_load %arg16[%swap3A_73, %swap3A_74] {strides = array<i32>} : memref<128x128xf32, #tpu.memory_space<vmem>>, vector<1x16xf32>,
      %swap3A_76 = vector.shape_cast %swap3A_75 : vector<1x16xf32> to vector<16xf32>
      %swap3A_77 = vector.shape_cast %broadcast_in_dim3A_1 : vector<16xf32> to vector<1x16xf32>
      tpu.vector_store %arg16[%swap3A_73, %swap3A_74], %swap3A_77 {strides = array<i32>} : memref<128x128xf32, #tpu.memory_space<vmem>>, vector<1x16xf32>,
      %swap3A_78 = arith.index_cast %add3A_63 : i32 to index
      %swap3A_79 = arith.constant 48 : index
      %swap3A_80 = tpu.vector_load %arg16[%swap3A_78, %swap3A_79] {strides = array<i32>} : memref<128x128xf32, #tpu.memory_space<vmem>>, vector<1x16xf32>,
      %swap3A_81 = vector.shape_cast %swap3A_80 : vector<1x16xf32> to vector<16xf32>
      %swap3A_82 = vector.shape_cast %broadcast_in_dim3A_1 : vector<16xf32> to vector<1x16xf32>
      tpu.vector_store %arg16[%swap3A_78, %swap3A_79], %swap3A_82 {strides = array<i32>} : memref<128x128xf32, #tpu.memory_space<vmem>>, vector<1x16xf32>,
      %swap3A_83 = arith.index_cast %add3A_63 : i32 to index
      %swap3A_84 = arith.constant 64 : index
      %swap3A_85 = tpu.vector_load %arg16[%swap3A_83, %swap3A_84] {strides = array<i32>} : memref<128x128xf32, #tpu.memory_space<vmem>>, vector<1x16xf32>,
      %swap3A_86 = vector.shape_cast %swap3A_85 : vector<1x16xf32> to vector<16xf32>
      %swap3A_87 = vector.shape_cast %broadcast_in_dim3A_1 : vector<16xf32> to vector<1x16xf32>
      tpu.vector_store %arg16[%swap3A_83, %swap3A_84], %swap3A_87 {strides = array<i32>} : memref<128x128xf32, #tpu.memory_space<vmem>>, vector<1x16xf32>,
      %swap3A_88 = arith.index_cast %add3A_63 : i32 to index
      %swap3A_89 = arith.constant 80 : index
      %swap3A_90 = tpu.vector_load %arg16[%swap3A_88, %swap3A_89] {strides = array<i32>} : memref<128x128xf32, #tpu.memory_space<vmem>>, vector<1x16xf32>,
      %swap3A_91 = vector.shape_cast %swap3A_90 : vector<1x16xf32> to vector<16xf32>
      %swap3A_92 = vector.shape_cast %broadcast_in_dim3A_1 : vector<16xf32> to vector<1x16xf32>
      tpu.vector_store %arg16[%swap3A_88, %swap3A_89], %swap3A_92 {strides = array<i32>} : memref<128x128xf32, #tpu.memory_space<vmem>>, vector<1x16xf32>,
      %swap3A_93 = arith.index_cast %add3A_63 : i32 to index
      %swap3A_94 = arith.constant 96 : index
      %swap3A_95 = tpu.vector_load %arg16[%swap3A_93, %swap3A_94] {strides = array<i32>} : memref<128x128xf32, #tpu.memory_space<vmem>>, vector<1x16xf32>,
      %swap3A_96 = vector.shape_cast %swap3A_95 : vector<1x16xf32> to vector<16xf32>
      %swap3A_97 = vector.shape_cast %broadcast_in_dim3A_1 : vector<16xf32> to vector<1x16xf32>
      tpu.vector_store %arg16[%swap3A_93, %swap3A_94], %swap3A_97 {strides = array<i32>} : memref<128x128xf32, #tpu.memory_space<vmem>>, vector<1x16xf32>,
      %swap3A_98 = arith.index_cast %add3A_63 : i32 to index
      %swap3A_99 = arith.constant 112 : index
      %swap3A_100 = tpu.vector_load %arg16[%swap3A_98, %swap3A_99] {strides = array<i32>} : memref<128x128xf32, #tpu.memory_space<vmem>>, vector<1x16xf32>,
      %swap3A_101 = vector.shape_cast %swap3A_100 : vector<1x16xf32> to vector<16xf32>
      %swap3A_102 = vector.shape_cast %broadcast_in_dim3A_1 : vector<16xf32> to vector<1x16xf32>
      tpu.vector_store %arg16[%swap3A_98, %swap3A_99], %swap3A_102 {strides = array<i32>} : memref<128x128xf32, #tpu.memory_space<vmem>>, vector<1x16xf32>,
    }
    %scan3A_12 = arith.constant 128 : i32
    %scan3A_13 = arith.constant 0 : i32
    %scan3A_14 = arith.constant 40 : i32
    %scan3A_15 = arith.addi %scan3A_13, %scan3A_14 : i32
    %scan3A_16 = arith.constant 1 : i32
    scf.for %scan3A_59 = %scan3A_13 to %scan3A_15 step %scan3A_16  : i32 {
      %mul3A_60 = arith.constant 1 : i32
      %mul3A_61 = arith.muli %scan3A_59, %mul3A_60 : i32
      %add3A_62 = arith.constant 0 : i32
      %add3A_63 = arith.addi %add3A_62, %mul3A_61 : i32
      %mul3A_64 = arith.constant 16 : i32
      %mul3A_65 = arith.muli %add3A_63, %mul3A_64 : i32
      %swap3A = arith.index_cast %mul3A_65 : i32 to index
      %swap3A_66 = tpu.vector_load %arg14[%swap3A] {strides = array<i32>} : memref<4096xf32, #tpu.memory_space<vmem>>, vector<16xf32>,
      %swap3A_67 = vector.shape_cast %swap3A_66 : vector<16xf32> to vector<16xf32>
      %swap3A_68 = vector.shape_cast %broadcast_in_dim3A_1 : vector<16xf32> to vector<16xf32>
      tpu.vector_store %arg14[%swap3A], %swap3A_68 {strides = array<i32>} : memref<4096xf32, #tpu.memory_space<vmem>>, vector<16xf32>,
    }
    %scan3A_17 = arith.constant 40 : i32
    "tpu.region"() ({
      %run_scoped3A_59 = tpu.sem_alloc : memref<!tpu.dma_semaphore, #tpu.memory_space<semaphore_mem>>
      %dma_start3A = arith.constant 0 : i32
      %dma_start3A_60 = tpu.memref_slice %arg14[%dma_start3A] : memref<4096xf32, #tpu.memory_space<vmem>> -> memref<640xf32, #tpu.memory_space<vmem>>
      %dma_start3A_61 = tpu.memref_slice %arg25[%multiple_of3A] : memref<10240xf32, #tpu.memory_space<vmem_shared>> -> memref<640xf32, #tpu.memory_space<vmem_shared>>
      %dma_start3A_62 = tpu.memref_slice %arg25[%multiple_of3A] : memref<10240xf32, #tpu.memory_space<vmem_shared>> -> memref<640xf32, #tpu.memory_space<vmem_shared>>
      %dma_start3A_63 = arith.constant 0 : i32
      %dma_start3A_64 = tpu.memref_slice %arg14[%dma_start3A_63] : memref<4096xf32, #tpu.memory_space<vmem>> -> memref<640xf32, #tpu.memory_space<vmem>>
      tpu.enqueue_dma source(%dma_start3A_64 : memref<640xf32, #tpu.memory_space<vmem>>) target(%dma_start3A_62 : memref<640xf32, #tpu.memory_space<vmem_shared>>) target_semaphore(%run_scoped3A_59 : memref<!tpu.dma_semaphore, #tpu.memory_space<semaphore_mem>>)
      %dma_wait3A = arith.constant 0 : i32
      %dma_wait3A_65 = tpu.memref_slice %arg14[%dma_wait3A] : memref<4096xf32, #tpu.memory_space<vmem>> -> memref<640xf32, #tpu.memory_space<vmem>>
      %dma_wait3A_66 = tpu.memref_slice %arg25[%multiple_of3A] : memref<10240xf32, #tpu.memory_space<vmem_shared>> -> memref<640xf32, #tpu.memory_space<vmem_shared>>
      %dma_wait3A_67 = tpu.memref_slice %arg25[%multiple_of3A] : memref<10240xf32, #tpu.memory_space<vmem_shared>> -> memref<640xf32, #tpu.memory_space<vmem_shared>>
      %dma_wait3A_68 = arith.constant 0 : i32
      %dma_wait3A_69 = tpu.memref_slice %arg14[%dma_wait3A_68] : memref<4096xf32, #tpu.memory_space<vmem>> -> memref<640xf32, #tpu.memory_space<vmem>>
      tpu.wait_dma2 semaphore(%run_scoped3A_59 : memref<!tpu.dma_semaphore, #tpu.memory_space<semaphore_mem>>) src(%dma_wait3A_69 : memref<640xf32, #tpu.memory_space<vmem>>) dst(%dma_wait3A_67 : memref<640xf32, #tpu.memory_space<vmem_shared>>)
      tpu.yield
    }) : () -> ()
    "tpu.region"() ({
      %run_scoped3A_59 = tpu.sem_alloc : memref<!tpu.dma_semaphore, #tpu.memory_space<semaphore_mem>>
      %dma_start3A = arith.constant 0 : i32
      %dma_start3A_60 = tpu.memref_slice %arg14[%dma_start3A] : memref<4096xf32, #tpu.memory_space<vmem>> -> memref<640xf32, #tpu.memory_space<vmem>>
      %dma_start3A_61 = tpu.memref_slice %arg26[%multiple_of3A] : memref<10240xf32, #tpu.memory_space<vmem_shared>> -> memref<640xf32, #tpu.memory_space<vmem_shared>>
      %dma_start3A_62 = tpu.memref_slice %arg26[%multiple_of3A] : memref<10240xf32, #tpu.memory_space<vmem_shared>> -> memref<640xf32, #tpu.memory_space<vmem_shared>>
      %dma_start3A_63 = arith.constant 0 : i32
      %dma_start3A_64 = tpu.memref_slice %arg14[%dma_start3A_63] : memref<4096xf32, #tpu.memory_space<vmem>> -> memref<640xf32, #tpu.memory_space<vmem>>
      tpu.enqueue_dma source(%dma_start3A_64 : memref<640xf32, #tpu.memory_space<vmem>>) target(%dma_start3A_62 : memref<640xf32, #tpu.memory_space<vmem_shared>>) target_semaphore(%run_scoped3A_59 : memref<!tpu.dma_semaphore, #tpu.memory_space<semaphore_mem>>)
      %dma_wait3A = arith.constant 0 : i32
      %dma_wait3A_65 = tpu.memref_slice %arg14[%dma_wait3A] : memref<4096xf32, #tpu.memory_space<vmem>> -> memref<640xf32, #tpu.memory_space<vmem>>
      %dma_wait3A_66 = tpu.memref_slice %arg26[%multiple_of3A] : memref<10240xf32, #tpu.memory_space<vmem_shared>> -> memref<640xf32, #tpu.memory_space<vmem_shared>>
      %dma_wait3A_67 = tpu.memref_slice %arg26[%multiple_of3A] : memref<10240xf32, #tpu.memory_space<vmem_shared>> -> memref<640xf32, #tpu.memory_space<vmem_shared>>
      %dma_wait3A_68 = arith.constant 0 : i32
      %dma_wait3A_69 = tpu.memref_slice %arg14[%dma_wait3A_68] : memref<4096xf32, #tpu.memory_space<vmem>> -> memref<640xf32, #tpu.memory_space<vmem>>
      tpu.wait_dma2 semaphore(%run_scoped3A_59 : memref<!tpu.dma_semaphore, #tpu.memory_space<semaphore_mem>>) src(%dma_wait3A_69 : memref<640xf32, #tpu.memory_space<vmem>>) dst(%dma_wait3A_67 : memref<640xf32, #tpu.memory_space<vmem_shared>>)
      tpu.yield
    }) : () -> ()
    "tpu.region"() ({
      %run_scoped3A_59 = tpu.sem_alloc : memref<!tpu.dma_semaphore, #tpu.memory_space<semaphore_mem>>
      %dma_start3A = arith.constant 0 : i32
      %dma_start3A_60 = tpu.memref_slice %arg14[%dma_start3A] : memref<4096xf32, #tpu.memory_space<vmem>> -> memref<640xf32, #tpu.memory_space<vmem>>
      %dma_start3A_61 = tpu.memref_slice %arg27[%multiple_of3A] : memref<10240xf32, #tpu.memory_space<vmem_shared>> -> memref<640xf32, #tpu.memory_space<vmem_shared>>
      %dma_start3A_62 = tpu.memref_slice %arg27[%multiple_of3A] : memref<10240xf32, #tpu.memory_space<vmem_shared>> -> memref<640xf32, #tpu.memory_space<vmem_shared>>
      %dma_start3A_63 = arith.constant 0 : i32
      %dma_start3A_64 = tpu.memref_slice %arg14[%dma_start3A_63] : memref<4096xf32, #tpu.memory_space<vmem>> -> memref<640xf32, #tpu.memory_space<vmem>>
      tpu.enqueue_dma source(%dma_start3A_64 : memref<640xf32, #tpu.memory_space<vmem>>) target(%dma_start3A_62 : memref<640xf32, #tpu.memory_space<vmem_shared>>) target_semaphore(%run_scoped3A_59 : memref<!tpu.dma_semaphore, #tpu.memory_space<semaphore_mem>>)
      %dma_wait3A = arith.constant 0 : i32
      %dma_wait3A_65 = tpu.memref_slice %arg14[%dma_wait3A] : memref<4096xf32, #tpu.memory_space<vmem>> -> memref<640xf32, #tpu.memory_space<vmem>>
      %dma_wait3A_66 = tpu.memref_slice %arg27[%multiple_of3A] : memref<10240xf32, #tpu.memory_space<vmem_shared>> -> memref<640xf32, #tpu.memory_space<vmem_shared>>
      %dma_wait3A_67 = tpu.memref_slice %arg27[%multiple_of3A] : memref<10240xf32, #tpu.memory_space<vmem_shared>> -> memref<640xf32, #tpu.memory_space<vmem_shared>>
      %dma_wait3A_68 = arith.constant 0 : i32
      %dma_wait3A_69 = tpu.memref_slice %arg14[%dma_wait3A_68] : memref<4096xf32, #tpu.memory_space<vmem>> -> memref<640xf32, #tpu.memory_space<vmem>>
      tpu.wait_dma2 semaphore(%run_scoped3A_59 : memref<!tpu.dma_semaphore, #tpu.memory_space<semaphore_mem>>) src(%dma_wait3A_69 : memref<640xf32, #tpu.memory_space<vmem>>) dst(%dma_wait3A_67 : memref<640xf32, #tpu.memory_space<vmem_shared>>)
      tpu.yield
    }) : () -> ()
    "tpu.region"() ({
      %run_scoped3A_59 = tpu.sem_alloc : memref<!tpu.dma_semaphore, #tpu.memory_space<semaphore_mem>>
      %dma_start3A = arith.constant 0 : i32
      %dma_start3A_60 = tpu.memref_slice %arg14[%dma_start3A] : memref<4096xf32, #tpu.memory_space<vmem>> -> memref<640xf32, #tpu.memory_space<vmem>>
      %dma_start3A_61 = tpu.memref_slice %arg28[%multiple_of3A] : memref<10240xf32, #tpu.memory_space<vmem_shared>> -> memref<640xf32, #tpu.memory_space<vmem_shared>>
      %dma_start3A_62 = tpu.memref_slice %arg28[%multiple_of3A] : memref<10240xf32, #tpu.memory_space<vmem_shared>> -> memref<640xf32, #tpu.memory_space<vmem_shared>>
      %dma_start3A_63 = arith.constant 0 : i32
      %dma_start3A_64 = tpu.memref_slice %arg14[%dma_start3A_63] : memref<4096xf32, #tpu.memory_space<vmem>> -> memref<640xf32, #tpu.memory_space<vmem>>
      tpu.enqueue_dma source(%dma_start3A_64 : memref<640xf32, #tpu.memory_space<vmem>>) target(%dma_start3A_62 : memref<640xf32, #tpu.memory_space<vmem_shared>>) target_semaphore(%run_scoped3A_59 : memref<!tpu.dma_semaphore, #tpu.memory_space<semaphore_mem>>)
      %dma_wait3A = arith.constant 0 : i32
      %dma_wait3A_65 = tpu.memref_slice %arg14[%dma_wait3A] : memref<4096xf32, #tpu.memory_space<vmem>> -> memref<640xf32, #tpu.memory_space<vmem>>
      %dma_wait3A_66 = tpu.memref_slice %arg28[%multiple_of3A] : memref<10240xf32, #tpu.memory_space<vmem_shared>> -> memref<640xf32, #tpu.memory_space<vmem_shared>>
      %dma_wait3A_67 = tpu.memref_slice %arg28[%multiple_of3A] : memref<10240xf32, #tpu.memory_space<vmem_shared>> -> memref<640xf32, #tpu.memory_space<vmem_shared>>
      %dma_wait3A_68 = arith.constant 0 : i32
      %dma_wait3A_69 = tpu.memref_slice %arg14[%dma_wait3A_68] : memref<4096xf32, #tpu.memory_space<vmem>> -> memref<640xf32, #tpu.memory_space<vmem>>
      tpu.wait_dma2 semaphore(%run_scoped3A_59 : memref<!tpu.dma_semaphore, #tpu.memory_space<semaphore_mem>>) src(%dma_wait3A_69 : memref<640xf32, #tpu.memory_space<vmem>>) dst(%dma_wait3A_67 : memref<640xf32, #tpu.memory_space<vmem_shared>>)
      tpu.yield
    }) : () -> ()
    %add3A = arith.constant 0 : i32
    %add3A_18 = arith.addi %multiple_of3A, %add3A : i32
    %multiple_of3A_19 = tpu.assume_multiple %add3A_18, 128 : i32
    "tpu.region"() ({
      %run_scoped3A_59 = tpu.sem_alloc : memref<!tpu.dma_semaphore, #tpu.memory_space<semaphore_mem>>
      %dma_start3A = arith.constant 0 : i32
      %dma_start3A_60 = tpu.memref_slice %arg29[%multiple_of3A_19, %dma_start3A] : memref<10240x128xf32, #tpu.memory_space<vmem_shared>> -> memref<128x128xf32, #tpu.memory_space<vmem_shared>>
      %dma_start3A_61 = arith.constant 0 : i32
      %dma_start3A_62 = tpu.memref_slice %arg29[%multiple_of3A_19, %dma_start3A_61] : memref<10240x128xf32, #tpu.memory_space<vmem_shared>> -> memref<128x128xf32, #tpu.memory_space<vmem_shared>>
      tpu.enqueue_dma source(%arg16 : memref<128x128xf32, #tpu.memory_space<vmem>>) target(%dma_start3A_62 : memref<128x128xf32, #tpu.memory_space<vmem_shared>>) target_semaphore(%run_scoped3A_59 : memref<!tpu.dma_semaphore, #tpu.memory_space<semaphore_mem>>)
      %dma_wait3A = arith.constant 0 : i32
      %dma_wait3A_63 = tpu.memref_slice %arg29[%multiple_of3A_19, %dma_wait3A] : memref<10240x128xf32, #tpu.memory_space<vmem_shared>> -> memref<128x128xf32, #tpu.memory_space<vmem_shared>>
      %dma_wait3A_64 = arith.constant 0 : i32
      %dma_wait3A_65 = tpu.memref_slice %arg29[%multiple_of3A_19, %dma_wait3A_64] : memref<10240x128xf32, #tpu.memory_space<vmem_shared>> -> memref<128x128xf32, #tpu.memory_space<vmem_shared>>
      tpu.wait_dma2 semaphore(%run_scoped3A_59 : memref<!tpu.dma_semaphore, #tpu.memory_space<semaphore_mem>>) src(%arg16 : memref<128x128xf32, #tpu.memory_space<vmem>>) dst(%dma_wait3A_65 : memref<128x128xf32, #tpu.memory_space<vmem_shared>>)
      tpu.yield
    }) : () -> ()
    %add3A_20 = arith.constant 128 : i32
    %add3A_21 = arith.addi %multiple_of3A, %add3A_20 : i32
    %multiple_of3A_22 = tpu.assume_multiple %add3A_21, 128 : i32
    "tpu.region"() ({
      %run_scoped3A_59 = tpu.sem_alloc : memref<!tpu.dma_semaphore, #tpu.memory_space<semaphore_mem>>
      %dma_start3A = arith.constant 0 : i32
      %dma_start3A_60 = tpu.memref_slice %arg29[%multiple_of3A_22, %dma_start3A] : memref<10240x128xf32, #tpu.memory_space<vmem_shared>> -> memref<128x128xf32, #tpu.memory_space<vmem_shared>>
      %dma_start3A_61 = arith.constant 0 : i32
      %dma_start3A_62 = tpu.memref_slice %arg29[%multiple_of3A_22, %dma_start3A_61] : memref<10240x128xf32, #tpu.memory_space<vmem_shared>> -> memref<128x128xf32, #tpu.memory_space<vmem_shared>>
      tpu.enqueue_dma source(%arg16 : memref<128x128xf32, #tpu.memory_space<vmem>>) target(%dma_start3A_62 : memref<128x128xf32, #tpu.memory_space<vmem_shared>>) target_semaphore(%run_scoped3A_59 : memref<!tpu.dma_semaphore, #tpu.memory_space<semaphore_mem>>)
      %dma_wait3A = arith.constant 0 : i32
      %dma_wait3A_63 = tpu.memref_slice %arg29[%multiple_of3A_22, %dma_wait3A] : memref<10240x128xf32, #tpu.memory_space<vmem_shared>> -> memref<128x128xf32, #tpu.memory_space<vmem_shared>>
      %dma_wait3A_64 = arith.constant 0 : i32
      %dma_wait3A_65 = tpu.memref_slice %arg29[%multiple_of3A_22, %dma_wait3A_64] : memref<10240x128xf32, #tpu.memory_space<vmem_shared>> -> memref<128x128xf32, #tpu.memory_space<vmem_shared>>
      tpu.wait_dma2 semaphore(%run_scoped3A_59 : memref<!tpu.dma_semaphore, #tpu.memory_space<semaphore_mem>>) src(%arg16 : memref<128x128xf32, #tpu.memory_space<vmem>>) dst(%dma_wait3A_65 : memref<128x128xf32, #tpu.memory_space<vmem_shared>>)
      tpu.yield
    }) : () -> ()
    %add3A_23 = arith.constant 256 : i32
    %add3A_24 = arith.addi %multiple_of3A, %add3A_23 : i32
    %multiple_of3A_25 = tpu.assume_multiple %add3A_24, 128 : i32
    "tpu.region"() ({
      %run_scoped3A_59 = tpu.sem_alloc : memref<!tpu.dma_semaphore, #tpu.memory_space<semaphore_mem>>
      %dma_start3A = arith.constant 0 : i32
      %dma_start3A_60 = tpu.memref_slice %arg29[%multiple_of3A_25, %dma_start3A] : memref<10240x128xf32, #tpu.memory_space<vmem_shared>> -> memref<128x128xf32, #tpu.memory_space<vmem_shared>>
      %dma_start3A_61 = arith.constant 0 : i32
      %dma_start3A_62 = tpu.memref_slice %arg29[%multiple_of3A_25, %dma_start3A_61] : memref<10240x128xf32, #tpu.memory_space<vmem_shared>> -> memref<128x128xf32, #tpu.memory_space<vmem_shared>>
      tpu.enqueue_dma source(%arg16 : memref<128x128xf32, #tpu.memory_space<vmem>>) target(%dma_start3A_62 : memref<128x128xf32, #tpu.memory_space<vmem_shared>>) target_semaphore(%run_scoped3A_59 : memref<!tpu.dma_semaphore, #tpu.memory_space<semaphore_mem>>)
      %dma_wait3A = arith.constant 0 : i32
      %dma_wait3A_63 = tpu.memref_slice %arg29[%multiple_of3A_25, %dma_wait3A] : memref<10240x128xf32, #tpu.memory_space<vmem_shared>> -> memref<128x128xf32, #tpu.memory_space<vmem_shared>>
      %dma_wait3A_64 = arith.constant 0 : i32
      %dma_wait3A_65 = tpu.memref_slice %arg29[%multiple_of3A_25, %dma_wait3A_64] : memref<10240x128xf32, #tpu.memory_space<vmem_shared>> -> memref<128x128xf32, #tpu.memory_space<vmem_shared>>
      tpu.wait_dma2 semaphore(%run_scoped3A_59 : memref<!tpu.dma_semaphore, #tpu.memory_space<semaphore_mem>>) src(%arg16 : memref<128x128xf32, #tpu.memory_space<vmem>>) dst(%dma_wait3A_65 : memref<128x128xf32, #tpu.memory_space<vmem_shared>>)
      tpu.yield
    }) : () -> ()
    %add3A_26 = arith.constant 384 : i32
    %add3A_27 = arith.addi %multiple_of3A, %add3A_26 : i32
    %multiple_of3A_28 = tpu.assume_multiple %add3A_27, 128 : i32
    "tpu.region"() ({
      %run_scoped3A_59 = tpu.sem_alloc : memref<!tpu.dma_semaphore, #tpu.memory_space<semaphore_mem>>
      %dma_start3A = arith.constant 0 : i32
      %dma_start3A_60 = tpu.memref_slice %arg29[%multiple_of3A_28, %dma_start3A] : memref<10240x128xf32, #tpu.memory_space<vmem_shared>> -> memref<128x128xf32, #tpu.memory_space<vmem_shared>>
      %dma_start3A_61 = arith.constant 0 : i32
      %dma_start3A_62 = tpu.memref_slice %arg29[%multiple_of3A_28, %dma_start3A_61] : memref<10240x128xf32, #tpu.memory_space<vmem_shared>> -> memref<128x128xf32, #tpu.memory_space<vmem_shared>>
      tpu.enqueue_dma source(%arg16 : memref<128x128xf32, #tpu.memory_space<vmem>>) target(%dma_start3A_62 : memref<128x128xf32, #tpu.memory_space<vmem_shared>>) target_semaphore(%run_scoped3A_59 : memref<!tpu.dma_semaphore, #tpu.memory_space<semaphore_mem>>)
      %dma_wait3A = arith.constant 0 : i32
      %dma_wait3A_63 = tpu.memref_slice %arg29[%multiple_of3A_28, %dma_wait3A] : memref<10240x128xf32, #tpu.memory_space<vmem_shared>> -> memref<128x128xf32, #tpu.memory_space<vmem_shared>>
      %dma_wait3A_64 = arith.constant 0 : i32
      %dma_wait3A_65 = tpu.memref_slice %arg29[%multiple_of3A_28, %dma_wait3A_64] : memref<10240x128xf32, #tpu.memory_space<vmem_shared>> -> memref<128x128xf32, #tpu.memory_space<vmem_shared>>
      tpu.wait_dma2 semaphore(%run_scoped3A_59 : memref<!tpu.dma_semaphore, #tpu.memory_space<semaphore_mem>>) src(%arg16 : memref<128x128xf32, #tpu.memory_space<vmem>>) dst(%dma_wait3A_65 : memref<128x128xf32, #tpu.memory_space<vmem_shared>>)
      tpu.yield
    }) : () -> ()
    %add3A_29 = arith.constant 512 : i32
    %add3A_30 = arith.addi %multiple_of3A, %add3A_29 : i32
    %multiple_of3A_31 = tpu.assume_multiple %add3A_30, 128 : i32
    "tpu.region"() ({
      %run_scoped3A_59 = tpu.sem_alloc : memref<!tpu.dma_semaphore, #tpu.memory_space<semaphore_mem>>
      %dma_start3A = arith.constant 0 : i32
      %dma_start3A_60 = tpu.memref_slice %arg29[%multiple_of3A_31, %dma_start3A] : memref<10240x128xf32, #tpu.memory_space<vmem_shared>> -> memref<128x128xf32, #tpu.memory_space<vmem_shared>>
      %dma_start3A_61 = arith.constant 0 : i32
      %dma_start3A_62 = tpu.memref_slice %arg29[%multiple_of3A_31, %dma_start3A_61] : memref<10240x128xf32, #tpu.memory_space<vmem_shared>> -> memref<128x128xf32, #tpu.memory_space<vmem_shared>>
      tpu.enqueue_dma source(%arg16 : memref<128x128xf32, #tpu.memory_space<vmem>>) target(%dma_start3A_62 : memref<128x128xf32, #tpu.memory_space<vmem_shared>>) target_semaphore(%run_scoped3A_59 : memref<!tpu.dma_semaphore, #tpu.memory_space<semaphore_mem>>)
      %dma_wait3A = arith.constant 0 : i32
      %dma_wait3A_63 = tpu.memref_slice %arg29[%multiple_of3A_31, %dma_wait3A] : memref<10240x128xf32, #tpu.memory_space<vmem_shared>> -> memref<128x128xf32, #tpu.memory_space<vmem_shared>>
      %dma_wait3A_64 = arith.constant 0 : i32
      %dma_wait3A_65 = tpu.memref_slice %arg29[%multiple_of3A_31, %dma_wait3A_64] : memref<10240x128xf32, #tpu.memory_space<vmem_shared>> -> memref<128x128xf32, #tpu.memory_space<vmem_shared>>
      tpu.wait_dma2 semaphore(%run_scoped3A_59 : memref<!tpu.dma_semaphore, #tpu.memory_space<semaphore_mem>>) src(%arg16 : memref<128x128xf32, #tpu.memory_space<vmem>>) dst(%dma_wait3A_65 : memref<128x128xf32, #tpu.memory_space<vmem_shared>>)
      tpu.yield
    }) : () -> ()
    %barrier3A = arith.constant 0 : index
    tpu.barrier barrier_id(%barrier3A)
    %scan3A_32 = arith.constant 0 : i32
    %scan3A_33 = arith.constant 20 : i32
    %scan3A_34 = arith.addi %scan3A_32, %scan3A_33 : i32
    %scan3A_35 = arith.constant 1 : i32
    scf.for %scan3A_59 = %scan3A_32 to %scan3A_34 step %scan3A_35  : i32 {
      %mul3A_60 = arith.constant 1 : i32
      %mul3A_61 = arith.muli %scan3A_59, %mul3A_60 : i32
      %add3A_62 = arith.constant 0 : i32
      %add3A_63 = arith.addi %add3A_62, %mul3A_61 : i32
      %mul3A_64 = arith.constant 20480 : i32
      %mul3A_65 = arith.muli %arg1, %mul3A_64 : i32
      %mul3A_66 = arith.constant 1024 : i32
      %mul3A_67 = arith.muli %add3A_63, %mul3A_66 : i32
      %add3A_68 = arith.addi %mul3A_65, %mul3A_67 : i32
      %multiple_of3A_69 = tpu.assume_multiple %add3A_68, 1024 : i32
      "tpu.region"() ({
        %run_scoped3A_666 = tpu.sem_alloc : memref<!tpu.dma_semaphore, #tpu.memory_space<semaphore_mem>>
        %dma_start3A_667 = tpu.memref_slice %arg4[%multiple_of3A_69] : memref<327680xi32, #tpu.memory_space<hbm>> -> memref<1024xi32, #tpu.memory_space<hbm>>
        %dma_start3A_668 = tpu.memref_slice %arg4[%multiple_of3A_69] : memref<327680xi32, #tpu.memory_space<hbm>> -> memref<1024xi32, #tpu.memory_space<hbm>>
        tpu.enqueue_dma source(%dma_start3A_668 : memref<1024xi32, #tpu.memory_space<hbm>>) target(%arg9 : memref<1024xi32, #tpu.memory_space<vmem>>) target_semaphore(%run_scoped3A_666 : memref<!tpu.dma_semaphore, #tpu.memory_space<semaphore_mem>>)
        %dma_wait3A_669 = tpu.memref_slice %arg4[%multiple_of3A_69] : memref<327680xi32, #tpu.memory_space<hbm>> -> memref<1024xi32, #tpu.memory_space<hbm>>
        %dma_wait3A_670 = tpu.memref_slice %arg4[%multiple_of3A_69] : memref<327680xi32, #tpu.memory_space<hbm>> -> memref<1024xi32, #tpu.memory_space<hbm>>
        tpu.wait_dma2 semaphore(%run_scoped3A_666 : memref<!tpu.dma_semaphore, #tpu.memory_space<semaphore_mem>>) src(%dma_wait3A_670 : memref<1024xi32, #tpu.memory_space<hbm>>) dst(%arg9 : memref<1024xi32, #tpu.memory_space<vmem>>)
        tpu.yield
      }) : () -> ()
      "tpu.region"() ({
        %run_scoped3A_666 = tpu.sem_alloc : memref<!tpu.dma_semaphore, #tpu.memory_space<semaphore_mem>>
        %dma_start3A_667 = tpu.memref_slice %arg5[%multiple_of3A_69] : memref<327680xi32, #tpu.memory_space<hbm>> -> memref<1024xi32, #tpu.memory_space<hbm>>
        %dma_start3A_668 = tpu.memref_slice %arg5[%multiple_of3A_69] : memref<327680xi32, #tpu.memory_space<hbm>> -> memref<1024xi32, #tpu.memory_space<hbm>>
        tpu.enqueue_dma source(%dma_start3A_668 : memref<1024xi32, #tpu.memory_space<hbm>>) target(%arg10 : memref<1024xi32, #tpu.memory_space<vmem>>) target_semaphore(%run_scoped3A_666 : memref<!tpu.dma_semaphore, #tpu.memory_space<semaphore_mem>>)
        %dma_wait3A_669 = tpu.memref_slice %arg5[%multiple_of3A_69] : memref<327680xi32, #tpu.memory_space<hbm>> -> memref<1024xi32, #tpu.memory_space<hbm>>
        %dma_wait3A_670 = tpu.memref_slice %arg5[%multiple_of3A_69] : memref<327680xi32, #tpu.memory_space<hbm>> -> memref<1024xi32, #tpu.memory_space<hbm>>
        tpu.wait_dma2 semaphore(%run_scoped3A_666 : memref<!tpu.dma_semaphore, #tpu.memory_space<semaphore_mem>>) src(%dma_wait3A_670 : memref<1024xi32, #tpu.memory_space<hbm>>) dst(%arg10 : memref<1024xi32, #tpu.memory_space<vmem>>)
        tpu.yield
      }) : () -> ()
      %jit3A = arith.constant 128 : i32
      %div3A = arith.divsi %multiple_of3A_69, %jit3A : i32
      %sign3A = arith.constant 0 : i32
      %sign3A_70 = arith.cmpi sgt, %multiple_of3A_69, %sign3A : i32
      %sign3A_71 = arith.extui %sign3A_70 : i1 to i32
      %sign3A_72 = arith.constant 0 : i32
      %sign3A_73 = arith.cmpi slt, %multiple_of3A_69, %sign3A_72 : i32
      %sign3A_74 = arith.extui %sign3A_73 : i1 to i32
      %sign3A_75 = arith.subi %sign3A_71, %sign3A_74 : i32
      %sign3A_76 = arith.constant 0 : i32
      %sign3A_77 = arith.cmpi sgt, %jit3A, %sign3A_76 : i32
      %sign3A_78 = arith.extui %sign3A_77 : i1 to i32
      %sign3A_79 = arith.constant 0 : i32
      %sign3A_80 = arith.cmpi slt, %jit3A, %sign3A_79 : i32
      %sign3A_81 = arith.extui %sign3A_80 : i1 to i32
      %sign3A_82 = arith.subi %sign3A_78, %sign3A_81 : i32
      %ne3A = arith.cmpi ne, %sign3A_75, %sign3A_82 : i32
      %rem3A = arith.remsi %multiple_of3A_69, %jit3A : i32
      %ne3A_83 = arith.constant 0 : i32
      %ne3A_84 = arith.cmpi ne, %rem3A, %ne3A_83 : i32
      %and3A = arith.andi %ne3A, %ne3A_84 : i1
      %sub3A = arith.constant 1 : i32
      %sub3A_85 = arith.subi %div3A, %sub3A : i32
      %select_n3A = arith.select %and3A, %sub3A_85, %div3A : i32
      %multiple_of3A_86 = tpu.assume_multiple %select_n3A, 8 : i32
      "tpu.region"() ({
        %run_scoped3A_666 = tpu.sem_alloc : memref<!tpu.dma_semaphore, #tpu.memory_space<semaphore_mem>>
        %dma_start3A_667 = arith.constant 0 : i32
        %dma_start3A_668 = tpu.memref_slice %arg7[%multiple_of3A_86, %dma_start3A_667] : memref<2560x128xi32, #tpu.memory_space<hbm>> -> memref<8x128xi32, #tpu.memory_space<hbm>>
        %dma_start3A_669 = arith.constant 0 : i32
        %dma_start3A_670 = tpu.memref_slice %arg7[%multiple_of3A_86, %dma_start3A_669] : memref<2560x128xi32, #tpu.memory_space<hbm>> -> memref<8x128xi32, #tpu.memory_space<hbm>>
        tpu.enqueue_dma source(%dma_start3A_670 : memref<8x128xi32, #tpu.memory_space<hbm>>) target(%arg12 : memref<8x128xi32, #tpu.memory_space<vmem>>) target_semaphore(%run_scoped3A_666 : memref<!tpu.dma_semaphore, #tpu.memory_space<semaphore_mem>>)
        %dma_wait3A_671 = arith.constant 0 : i32
        %dma_wait3A_672 = tpu.memref_slice %arg7[%multiple_of3A_86, %dma_wait3A_671] : memref<2560x128xi32, #tpu.memory_space<hbm>> -> memref<8x128xi32, #tpu.memory_space<hbm>>
        %dma_wait3A_673 = arith.constant 0 : i32
        %dma_wait3A_674 = tpu.memref_slice %arg7[%multiple_of3A_86, %dma_wait3A_673] : memref<2560x128xi32, #tpu.memory_space<hbm>> -> memref<8x128xi32, #tpu.memory_space<hbm>>
        tpu.wait_dma2 semaphore(%run_scoped3A_666 : memref<!tpu.dma_semaphore, #tpu.memory_space<semaphore_mem>>) src(%dma_wait3A_674 : memref<8x128xi32, #tpu.memory_space<hbm>>) dst(%arg12 : memref<8x128xi32, #tpu.memory_space<vmem>>)
        tpu.yield
      }) : () -> ()
      %dma_start3A = arith.constant 0 : i32
      %dma_start3A_87 = tpu.memref_slice %arg13[%dma_start3A] : memref<8192xf32, #tpu.memory_space<vmem>> -> memref<1024xf32, #tpu.memory_space<vmem>>
      %dma_start3A_88 = arith.constant 0 : i32
      %dma_start3A_89 = tpu.memref_slice %arg17[%dma_start3A_88] : memref<10240xf32, #tpu.memory_space<vmem_shared>> -> memref<10240xf32, #tpu.memory_space<vmem_shared>>
      tpu.enqueue_indirect_dma source(%dma_start3A_89 : memref<10240xf32, #tpu.memory_space<vmem_shared>>) target(%dma_start3A_87 : memref<1024xf32, #tpu.memory_space<vmem>>) offsets(%arg9 : memref<1024xi32, #tpu.memory_space<vmem>>) semaphore(%arg30 : memref<!tpu.dma_semaphore, #tpu.memory_space<semaphore_mem>>)
      %dma_start3A_90 = arith.constant 1024 : i32
      %dma_start3A_91 = tpu.memref_slice %arg13[%dma_start3A_90] : memref<8192xf32, #tpu.memory_space<vmem>> -> memref<1024xf32, #tpu.memory_space<vmem>>
      %dma_start3A_92 = arith.constant 0 : i32
      %dma_start3A_93 = tpu.memref_slice %arg18[%dma_start3A_92] : memref<10240xf32, #tpu.memory_space<vmem_shared>> -> memref<10240xf32, #tpu.memory_space<vmem_shared>>
      tpu.enqueue_indirect_dma source(%dma_start3A_93 : memref<10240xf32, #tpu.memory_space<vmem_shared>>) target(%dma_start3A_91 : memref<1024xf32, #tpu.memory_space<vmem>>) offsets(%arg9 : memref<1024xi32, #tpu.memory_space<vmem>>) semaphore(%arg30 : memref<!tpu.dma_semaphore, #tpu.memory_space<semaphore_mem>>)
      %dma_start3A_94 = arith.constant 2048 : i32
      %dma_start3A_95 = tpu.memref_slice %arg13[%dma_start3A_94] : memref<8192xf32, #tpu.memory_space<vmem>> -> memref<1024xf32, #tpu.memory_space<vmem>>
      %dma_start3A_96 = arith.constant 0 : i32
      %dma_start3A_97 = tpu.memref_slice %arg19[%dma_start3A_96] : memref<10240xf32, #tpu.memory_space<vmem_shared>> -> memref<10240xf32, #tpu.memory_space<vmem_shared>>
      tpu.enqueue_indirect_dma source(%dma_start3A_97 : memref<10240xf32, #tpu.memory_space<vmem_shared>>) target(%dma_start3A_95 : memref<1024xf32, #tpu.memory_space<vmem>>) offsets(%arg9 : memref<1024xi32, #tpu.memory_space<vmem>>) semaphore(%arg30 : memref<!tpu.dma_semaphore, #tpu.memory_space<semaphore_mem>>)
      %dma_start3A_98 = arith.constant 3072 : i32
      %dma_start3A_99 = tpu.memref_slice %arg13[%dma_start3A_98] : memref<8192xf32, #tpu.memory_space<vmem>> -> memref<1024xf32, #tpu.memory_space<vmem>>
      %dma_start3A_100 = arith.constant 0 : i32
      %dma_start3A_101 = tpu.memref_slice %arg20[%dma_start3A_100] : memref<10240xf32, #tpu.memory_space<vmem_shared>> -> memref<10240xf32, #tpu.memory_space<vmem_shared>>
      tpu.enqueue_indirect_dma source(%dma_start3A_101 : memref<10240xf32, #tpu.memory_space<vmem_shared>>) target(%dma_start3A_99 : memref<1024xf32, #tpu.memory_space<vmem>>) offsets(%arg9 : memref<1024xi32, #tpu.memory_space<vmem>>) semaphore(%arg30 : memref<!tpu.dma_semaphore, #tpu.memory_space<semaphore_mem>>)
      %dma_start3A_102 = arith.constant 4096 : i32
      %dma_start3A_103 = tpu.memref_slice %arg13[%dma_start3A_102] : memref<8192xf32, #tpu.memory_space<vmem>> -> memref<1024xf32, #tpu.memory_space<vmem>>
      %dma_start3A_104 = arith.constant 0 : i32
      %dma_start3A_105 = tpu.memref_slice %arg21[%dma_start3A_104] : memref<10240xf32, #tpu.memory_space<vmem_shared>> -> memref<10240xf32, #tpu.memory_space<vmem_shared>>
      tpu.enqueue_indirect_dma source(%dma_start3A_105 : memref<10240xf32, #tpu.memory_space<vmem_shared>>) target(%dma_start3A_103 : memref<1024xf32, #tpu.memory_space<vmem>>) offsets(%arg10 : memref<1024xi32, #tpu.memory_space<vmem>>) semaphore(%arg30 : memref<!tpu.dma_semaphore, #tpu.memory_space<semaphore_mem>>)
      %dma_start3A_106 = arith.constant 5120 : i32
      %dma_start3A_107 = tpu.memref_slice %arg13[%dma_start3A_106] : memref<8192xf32, #tpu.memory_space<vmem>> -> memref<1024xf32, #tpu.memory_space<vmem>>
      %dma_start3A_108 = arith.constant 0 : i32
      %dma_start3A_109 = tpu.memref_slice %arg22[%dma_start3A_108] : memref<10240xf32, #tpu.memory_space<vmem_shared>> -> memref<10240xf32, #tpu.memory_space<vmem_shared>>
      tpu.enqueue_indirect_dma source(%dma_start3A_109 : memref<10240xf32, #tpu.memory_space<vmem_shared>>) target(%dma_start3A_107 : memref<1024xf32, #tpu.memory_space<vmem>>) offsets(%arg10 : memref<1024xi32, #tpu.memory_space<vmem>>) semaphore(%arg30 : memref<!tpu.dma_semaphore, #tpu.memory_space<semaphore_mem>>)
      %dma_start3A_110 = arith.constant 6144 : i32
      %dma_start3A_111 = tpu.memref_slice %arg13[%dma_start3A_110] : memref<8192xf32, #tpu.memory_space<vmem>> -> memref<1024xf32, #tpu.memory_space<vmem>>
      %dma_start3A_112 = arith.constant 0 : i32
      %dma_start3A_113 = tpu.memref_slice %arg23[%dma_start3A_112] : memref<10240xf32, #tpu.memory_space<vmem_shared>> -> memref<10240xf32, #tpu.memory_space<vmem_shared>>
      tpu.enqueue_indirect_dma source(%dma_start3A_113 : memref<10240xf32, #tpu.memory_space<vmem_shared>>) target(%dma_start3A_111 : memref<1024xf32, #tpu.memory_space<vmem>>) offsets(%arg10 : memref<1024xi32, #tpu.memory_space<vmem>>) semaphore(%arg30 : memref<!tpu.dma_semaphore, #tpu.memory_space<semaphore_mem>>)
      %dma_start3A_114 = arith.constant 7168 : i32
      %dma_start3A_115 = tpu.memref_slice %arg13[%dma_start3A_114] : memref<8192xf32, #tpu.memory_space<vmem>> -> memref<1024xf32, #tpu.memory_space<vmem>>
      %dma_start3A_116 = arith.constant 0 : i32
      %dma_start3A_117 = tpu.memref_slice %arg24[%dma_start3A_116] : memref<10240xf32, #tpu.memory_space<vmem_shared>> -> memref<10240xf32, #tpu.memory_space<vmem_shared>>
      tpu.enqueue_indirect_dma source(%dma_start3A_117 : memref<10240xf32, #tpu.memory_space<vmem_shared>>) target(%dma_start3A_115 : memref<1024xf32, #tpu.memory_space<vmem>>) offsets(%arg10 : memref<1024xi32, #tpu.memory_space<vmem>>) semaphore(%arg30 : memref<!tpu.dma_semaphore, #tpu.memory_space<semaphore_mem>>)
      %dma_wait3A = arith.constant 0 : i32
      %dma_wait3A_118 = tpu.memref_slice %arg13[%dma_wait3A] : memref<8192xf32, #tpu.memory_space<vmem>> -> memref<1024xf32, #tpu.memory_space<vmem>>
      %dma_wait3A_119 = arith.constant 0 : i32
      %dma_wait3A_120 = tpu.memref_slice %arg17[%dma_wait3A_119] : memref<10240xf32, #tpu.memory_space<vmem_shared>> -> memref<10240xf32, #tpu.memory_space<vmem_shared>>
      tpu.wait_indirect_dma semaphore(%arg30 : memref<!tpu.dma_semaphore, #tpu.memory_space<semaphore_mem>>) src(%dma_wait3A_120 : memref<10240xf32, #tpu.memory_space<vmem_shared>>) dst(%dma_wait3A_118 : memref<1024xf32, #tpu.memory_space<vmem>>)
      %dma_wait3A_121 = arith.constant 1024 : i32
      %dma_wait3A_122 = tpu.memref_slice %arg13[%dma_wait3A_121] : memref<8192xf32, #tpu.memory_space<vmem>> -> memref<1024xf32, #tpu.memory_space<vmem>>
      %dma_wait3A_123 = arith.constant 0 : i32
      %dma_wait3A_124 = tpu.memref_slice %arg18[%dma_wait3A_123] : memref<10240xf32, #tpu.memory_space<vmem_shared>> -> memref<10240xf32, #tpu.memory_space<vmem_shared>>
      tpu.wait_indirect_dma semaphore(%arg30 : memref<!tpu.dma_semaphore, #tpu.memory_space<semaphore_mem>>) src(%dma_wait3A_124 : memref<10240xf32, #tpu.memory_space<vmem_shared>>) dst(%dma_wait3A_122 : memref<1024xf32, #tpu.memory_space<vmem>>)
      %dma_wait3A_125 = arith.constant 2048 : i32
      %dma_wait3A_126 = tpu.memref_slice %arg13[%dma_wait3A_125] : memref<8192xf32, #tpu.memory_space<vmem>> -> memref<1024xf32, #tpu.memory_space<vmem>>
      %dma_wait3A_127 = arith.constant 0 : i32
      %dma_wait3A_128 = tpu.memref_slice %arg19[%dma_wait3A_127] : memref<10240xf32, #tpu.memory_space<vmem_shared>> -> memref<10240xf32, #tpu.memory_space<vmem_shared>>
      tpu.wait_indirect_dma semaphore(%arg30 : memref<!tpu.dma_semaphore, #tpu.memory_space<semaphore_mem>>) src(%dma_wait3A_128 : memref<10240xf32, #tpu.memory_space<vmem_shared>>) dst(%dma_wait3A_126 : memref<1024xf32, #tpu.memory_space<vmem>>)
      %dma_wait3A_129 = arith.constant 3072 : i32
      %dma_wait3A_130 = tpu.memref_slice %arg13[%dma_wait3A_129] : memref<8192xf32, #tpu.memory_space<vmem>> -> memref<1024xf32, #tpu.memory_space<vmem>>
      %dma_wait3A_131 = arith.constant 0 : i32
      %dma_wait3A_132 = tpu.memref_slice %arg20[%dma_wait3A_131] : memref<10240xf32, #tpu.memory_space<vmem_shared>> -> memref<10240xf32, #tpu.memory_space<vmem_shared>>
      tpu.wait_indirect_dma semaphore(%arg30 : memref<!tpu.dma_semaphore, #tpu.memory_space<semaphore_mem>>) src(%dma_wait3A_132 : memref<10240xf32, #tpu.memory_space<vmem_shared>>) dst(%dma_wait3A_130 : memref<1024xf32, #tpu.memory_space<vmem>>)
      %dma_wait3A_133 = arith.constant 4096 : i32
      %dma_wait3A_134 = tpu.memref_slice %arg13[%dma_wait3A_133] : memref<8192xf32, #tpu.memory_space<vmem>> -> memref<1024xf32, #tpu.memory_space<vmem>>
      %dma_wait3A_135 = arith.constant 0 : i32
      %dma_wait3A_136 = tpu.memref_slice %arg21[%dma_wait3A_135] : memref<10240xf32, #tpu.memory_space<vmem_shared>> -> memref<10240xf32, #tpu.memory_space<vmem_shared>>
      tpu.wait_indirect_dma semaphore(%arg30 : memref<!tpu.dma_semaphore, #tpu.memory_space<semaphore_mem>>) src(%dma_wait3A_136 : memref<10240xf32, #tpu.memory_space<vmem_shared>>) dst(%dma_wait3A_134 : memref<1024xf32, #tpu.memory_space<vmem>>)
      %dma_wait3A_137 = arith.constant 5120 : i32
      %dma_wait3A_138 = tpu.memref_slice %arg13[%dma_wait3A_137] : memref<8192xf32, #tpu.memory_space<vmem>> -> memref<1024xf32, #tpu.memory_space<vmem>>
      %dma_wait3A_139 = arith.constant 0 : i32
      %dma_wait3A_140 = tpu.memref_slice %arg22[%dma_wait3A_139] : memref<10240xf32, #tpu.memory_space<vmem_shared>> -> memref<10240xf32, #tpu.memory_space<vmem_shared>>
      tpu.wait_indirect_dma semaphore(%arg30 : memref<!tpu.dma_semaphore, #tpu.memory_space<semaphore_mem>>) src(%dma_wait3A_140 : memref<10240xf32, #tpu.memory_space<vmem_shared>>) dst(%dma_wait3A_138 : memref<1024xf32, #tpu.memory_space<vmem>>)
      %dma_wait3A_141 = arith.constant 6144 : i32
      %dma_wait3A_142 = tpu.memref_slice %arg13[%dma_wait3A_141] : memref<8192xf32, #tpu.memory_space<vmem>> -> memref<1024xf32, #tpu.memory_space<vmem>>
      %dma_wait3A_143 = arith.constant 0 : i32
      %dma_wait3A_144 = tpu.memref_slice %arg23[%dma_wait3A_143] : memref<10240xf32, #tpu.memory_space<vmem_shared>> -> memref<10240xf32, #tpu.memory_space<vmem_shared>>
      tpu.wait_indirect_dma semaphore(%arg30 : memref<!tpu.dma_semaphore, #tpu.memory_space<semaphore_mem>>) src(%dma_wait3A_144 : memref<10240xf32, #tpu.memory_space<vmem_shared>>) dst(%dma_wait3A_142 : memref<1024xf32, #tpu.memory_space<vmem>>)
      %dma_wait3A_145 = arith.constant 7168 : i32
      %dma_wait3A_146 = tpu.memref_slice %arg13[%dma_wait3A_145] : memref<8192xf32, #tpu.memory_space<vmem>> -> memref<1024xf32, #tpu.memory_space<vmem>>
      %dma_wait3A_147 = arith.constant 0 : i32
      %dma_wait3A_148 = tpu.memref_slice %arg24[%dma_wait3A_147] : memref<10240xf32, #tpu.memory_space<vmem_shared>> -> memref<10240xf32, #tpu.memory_space<vmem_shared>>
      tpu.wait_indirect_dma semaphore(%arg30 : memref<!tpu.dma_semaphore, #tpu.memory_space<semaphore_mem>>) src(%dma_wait3A_148 : memref<10240xf32, #tpu.memory_space<vmem_shared>>) dst(%dma_wait3A_146 : memref<1024xf32, #tpu.memory_space<vmem>>)
      %scan3A_149 = arith.constant 0 : i32
      %scan3A_150 = arith.constant 64 : i32
      %scan3A_151 = arith.addi %scan3A_149, %scan3A_150 : i32
      %scan3A_152 = arith.constant 1 : i32
      scf.for %scan3A_666 = %scan3A_149 to %scan3A_151 step %scan3A_152  : i32 {
        %mul3A_667 = arith.constant 1 : i32
        %mul3A_668 = arith.muli %scan3A_666, %mul3A_667 : i32
        %add3A_669 = arith.constant 0 : i32
        %add3A_670 = arith.addi %add3A_669, %mul3A_668 : i32
        %mul3A_671 = arith.constant 16 : i32
        %mul3A_672 = arith.muli %add3A_670, %mul3A_671 : i32
        %add3A_673 = arith.addi %multiple_of3A_69, %mul3A_672 : i32
        %add3A_674 = vector.broadcast %add3A_673 : i32 to vector<16xi32>
        %add3A_675 = arith.addi %add3A_674, %iota3A : vector<16xi32>
        %lt3A = arith.constant 320000 : i32
        %lt3A_676 = vector.broadcast %lt3A : i32 to vector<16xi32>
        %lt3A_677 = arith.cmpi slt, %add3A_675, %lt3A_676 : vector<16xi32>
        %jit3A_678 = arith.constant 1.000000e+00 : f32
        %jit3A_679 = arith.constant 0.000000e+00 : f32
        %broadcast_in_dim3A_680 = vector.broadcast %jit3A_678 : f32 to vector<16xf32>
        %broadcast_in_dim3A_681 = vector.broadcast %jit3A_679 : f32 to vector<16xf32>
        %select_n3A_682 = arith.select %lt3A_677, %broadcast_in_dim3A_680, %broadcast_in_dim3A_681 : vector<16xi1>, vector<16xf32>
        %mul3A_683 = arith.constant 16 : i32
        %mul3A_684 = arith.muli %add3A_670, %mul3A_683 : i32
        %add3A_685 = arith.constant 0 : i32
        %add3A_686 = arith.addi %add3A_685, %mul3A_684 : i32
        %get3A = arith.index_cast %add3A_686 : i32 to index
        %get3A_687 = tpu.vector_load %arg13[%get3A] {strides = array<i32>} : memref<8192xf32, #tpu.memory_space<vmem>>, vector<16xf32>,
        %get3A_688 = vector.shape_cast %get3A_687 : vector<16xf32> to vector<16xf32>
        %mul3A_689 = arith.constant 16 : i32
        %mul3A_690 = arith.muli %add3A_670, %mul3A_689 : i32
        %add3A_691 = arith.constant 4096 : i32
        %add3A_692 = arith.addi %add3A_691, %mul3A_690 : i32
        %get3A_693 = arith.index_cast %add3A_692 : i32 to index
        %get3A_694 = tpu.vector_load %arg13[%get3A_693] {strides = array<i32>} : memref<8192xf32, #tpu.memory_space<vmem>>, vector<16xf32>,
        %get3A_695 = vector.shape_cast %get3A_694 : vector<16xf32> to vector<16xf32>
        %add3A_696 = arith.addf %get3A_688, %get3A_695 : vector<16xf32>
        %ge3A = arith.constant 0.000000e+00 : f32
        %ge3A_697 = vector.broadcast %ge3A : f32 to vector<16xf32>
        %ge3A_698 = arith.cmpf oge, %add3A_696, %ge3A_697 : vector<16xf32>
        %mul3A_699 = arith.constant 2.000000e-01 : f32
        %mul3A_700 = vector.broadcast %mul3A_699 : f32 to vector<16xf32>
        %mul3A_701 = arith.mulf %mul3A_700, %add3A_696 : vector<16xf32>
        %select_n3A_702 = arith.select %ge3A_698, %add3A_696, %mul3A_701 : vector<16xi1>, vector<16xf32>
        %exp3A = math.exp %select_n3A_702 : vector<16xf32>
        %mul3A_703 = arith.mulf %exp3A, %select_n3A_682 : vector<16xf32>
        %mul3A_704 = arith.constant 16 : i32
        %mul3A_705 = arith.muli %add3A_670, %mul3A_704 : i32
        %add3A_706 = arith.constant 0 : i32
        %add3A_707 = arith.addi %add3A_706, %mul3A_705 : i32
        %swap3A = arith.index_cast %add3A_707 : i32 to index
        %swap3A_708 = tpu.vector_load %arg14[%swap3A] {strides = array<i32>} : memref<4096xf32, #tpu.memory_space<vmem>>, vector<16xf32>,
        %swap3A_709 = vector.shape_cast %swap3A_708 : vector<16xf32> to vector<16xf32>
        %swap3A_710 = vector.shape_cast %mul3A_703 : vector<16xf32> to vector<16xf32>
        tpu.vector_store %arg14[%swap3A], %swap3A_710 {strides = array<i32>} : memref<4096xf32, #tpu.memory_space<vmem>>, vector<16xf32>,
        %mul3A_711 = arith.constant 16 : i32
        %mul3A_712 = arith.muli %add3A_670, %mul3A_711 : i32
        %add3A_713 = arith.constant 1024 : i32
        %add3A_714 = arith.addi %add3A_713, %mul3A_712 : i32
        %get3A_715 = arith.index_cast %add3A_714 : i32 to index
        %get3A_716 = tpu.vector_load %arg13[%get3A_715] {strides = array<i32>} : memref<8192xf32, #tpu.memory_space<vmem>>, vector<16xf32>,
        %get3A_717 = vector.shape_cast %get3A_716 : vector<16xf32> to vector<16xf32>
        %mul3A_718 = arith.constant 16 : i32
        %mul3A_719 = arith.muli %add3A_670, %mul3A_718 : i32
        %add3A_720 = arith.constant 5120 : i32
        %add3A_721 = arith.addi %add3A_720, %mul3A_719 : i32
        %get3A_722 = arith.index_cast %add3A_721 : i32 to index
        %get3A_723 = tpu.vector_load %arg13[%get3A_722] {strides = array<i32>} : memref<8192xf32, #tpu.memory_space<vmem>>, vector<16xf32>,
        %get3A_724 = vector.shape_cast %get3A_723 : vector<16xf32> to vector<16xf32>
        %add3A_725 = arith.addf %get3A_717, %get3A_724 : vector<16xf32>
        %ge3A_726 = arith.constant 0.000000e+00 : f32
        %ge3A_727 = vector.broadcast %ge3A_726 : f32 to vector<16xf32>
        %ge3A_728 = arith.cmpf oge, %add3A_725, %ge3A_727 : vector<16xf32>
        %mul3A_729 = arith.constant 2.000000e-01 : f32
        %mul3A_730 = vector.broadcast %mul3A_729 : f32 to vector<16xf32>
        %mul3A_731 = arith.mulf %mul3A_730, %add3A_725 : vector<16xf32>
        %select_n3A_732 = arith.select %ge3A_728, %add3A_725, %mul3A_731 : vector<16xi1>, vector<16xf32>
        %exp3A_733 = math.exp %select_n3A_732 : vector<16xf32>
        %mul3A_734 = arith.mulf %exp3A_733, %select_n3A_682 : vector<16xf32>
        %mul3A_735 = arith.constant 16 : i32
        %mul3A_736 = arith.muli %add3A_670, %mul3A_735 : i32
        %add3A_737 = arith.constant 1024 : i32
        %add3A_738 = arith.addi %add3A_737, %mul3A_736 : i32
        %swap3A_739 = arith.index_cast %add3A_738 : i32 to index
        %swap3A_740 = tpu.vector_load %arg14[%swap3A_739] {strides = array<i32>} : memref<4096xf32, #tpu.memory_space<vmem>>, vector<16xf32>,
        %swap3A_741 = vector.shape_cast %swap3A_740 : vector<16xf32> to vector<16xf32>
        %swap3A_742 = vector.shape_cast %mul3A_734 : vector<16xf32> to vector<16xf32>
        tpu.vector_store %arg14[%swap3A_739], %swap3A_742 {strides = array<i32>} : memref<4096xf32, #tpu.memory_space<vmem>>, vector<16xf32>,
        %mul3A_743 = arith.constant 16 : i32
        %mul3A_744 = arith.muli %add3A_670, %mul3A_743 : i32
        %add3A_745 = arith.constant 2048 : i32
        %add3A_746 = arith.addi %add3A_745, %mul3A_744 : i32
        %get3A_747 = arith.index_cast %add3A_746 : i32 to index
        %get3A_748 = tpu.vector_load %arg13[%get3A_747] {strides = array<i32>} : memref<8192xf32, #tpu.memory_space<vmem>>, vector<16xf32>,
        %get3A_749 = vector.shape_cast %get3A_748 : vector<16xf32> to vector<16xf32>
        %mul3A_750 = arith.constant 16 : i32
        %mul3A_751 = arith.muli %add3A_670, %mul3A_750 : i32
        %add3A_752 = arith.constant 6144 : i32
        %add3A_753 = arith.addi %add3A_752, %mul3A_751 : i32
        %get3A_754 = arith.index_cast %add3A_753 : i32 to index
        %get3A_755 = tpu.vector_load %arg13[%get3A_754] {strides = array<i32>} : memref<8192xf32, #tpu.memory_space<vmem>>, vector<16xf32>,
        %get3A_756 = vector.shape_cast %get3A_755 : vector<16xf32> to vector<16xf32>
        %add3A_757 = arith.addf %get3A_749, %get3A_756 : vector<16xf32>
        %ge3A_758 = arith.constant 0.000000e+00 : f32
        %ge3A_759 = vector.broadcast %ge3A_758 : f32 to vector<16xf32>
        %ge3A_760 = arith.cmpf oge, %add3A_757, %ge3A_759 : vector<16xf32>
        %mul3A_761 = arith.constant 2.000000e-01 : f32
        %mul3A_762 = vector.broadcast %mul3A_761 : f32 to vector<16xf32>
        %mul3A_763 = arith.mulf %mul3A_762, %add3A_757 : vector<16xf32>
        %select_n3A_764 = arith.select %ge3A_760, %add3A_757, %mul3A_763 : vector<16xi1>, vector<16xf32>
        %exp3A_765 = math.exp %select_n3A_764 : vector<16xf32>
        %mul3A_766 = arith.mulf %exp3A_765, %select_n3A_682 : vector<16xf32>
        %mul3A_767 = arith.constant 16 : i32
        %mul3A_768 = arith.muli %add3A_670, %mul3A_767 : i32
        %add3A_769 = arith.constant 2048 : i32
        %add3A_770 = arith.addi %add3A_769, %mul3A_768 : i32
        %swap3A_771 = arith.index_cast %add3A_770 : i32 to index
        %swap3A_772 = tpu.vector_load %arg14[%swap3A_771] {strides = array<i32>} : memref<4096xf32, #tpu.memory_space<vmem>>, vector<16xf32>,
        %swap3A_773 = vector.shape_cast %swap3A_772 : vector<16xf32> to vector<16xf32>
        %swap3A_774 = vector.shape_cast %mul3A_766 : vector<16xf32> to vector<16xf32>
        tpu.vector_store %arg14[%swap3A_771], %swap3A_774 {strides = array<i32>} : memref<4096xf32, #tpu.memory_space<vmem>>, vector<16xf32>,
        %mul3A_775 = arith.constant 16 : i32
        %mul3A_776 = arith.muli %add3A_670, %mul3A_775 : i32
        %add3A_777 = arith.constant 3072 : i32
        %add3A_778 = arith.addi %add3A_777, %mul3A_776 : i32
        %get3A_779 = arith.index_cast %add3A_778 : i32 to index
        %get3A_780 = tpu.vector_load %arg13[%get3A_779] {strides = array<i32>} : memref<8192xf32, #tpu.memory_space<vmem>>, vector<16xf32>,
        %get3A_781 = vector.shape_cast %get3A_780 : vector<16xf32> to vector<16xf32>
        %mul3A_782 = arith.constant 16 : i32
        %mul3A_783 = arith.muli %add3A_670, %mul3A_782 : i32
        %add3A_784 = arith.constant 7168 : i32
        %add3A_785 = arith.addi %add3A_784, %mul3A_783 : i32
        %get3A_786 = arith.index_cast %add3A_785 : i32 to index
        %get3A_787 = tpu.vector_load %arg13[%get3A_786] {strides = array<i32>} : memref<8192xf32, #tpu.memory_space<vmem>>, vector<16xf32>,
        %get3A_788 = vector.shape_cast %get3A_787 : vector<16xf32> to vector<16xf32>
        %add3A_789 = arith.addf %get3A_781, %get3A_788 : vector<16xf32>
        %ge3A_790 = arith.constant 0.000000e+00 : f32
        %ge3A_791 = vector.broadcast %ge3A_790 : f32 to vector<16xf32>
        %ge3A_792 = arith.cmpf oge, %add3A_789, %ge3A_791 : vector<16xf32>
        %mul3A_793 = arith.constant 2.000000e-01 : f32
        %mul3A_794 = vector.broadcast %mul3A_793 : f32 to vector<16xf32>
        %mul3A_795 = arith.mulf %mul3A_794, %add3A_789 : vector<16xf32>
        %select_n3A_796 = arith.select %ge3A_792, %add3A_789, %mul3A_795 : vector<16xi1>, vector<16xf32>
        %exp3A_797 = math.exp %select_n3A_796 : vector<16xf32>
        %mul3A_798 = arith.mulf %exp3A_797, %select_n3A_682 : vector<16xf32>
        %mul3A_799 = arith.constant 16 : i32
        %mul3A_800 = arith.muli %add3A_670, %mul3A_799 : i32
        %add3A_801 = arith.constant 3072 : i32
        %add3A_802 = arith.addi %add3A_801, %mul3A_800 : i32
        %swap3A_803 = arith.index_cast %add3A_802 : i32 to index
        %swap3A_804 = tpu.vector_load %arg14[%swap3A_803] {strides = array<i32>} : memref<4096xf32, #tpu.memory_space<vmem>>, vector<16xf32>,
        %swap3A_805 = vector.shape_cast %swap3A_804 : vector<16xf32> to vector<16xf32>
        %swap3A_806 = vector.shape_cast %mul3A_798 : vector<16xf32> to vector<16xf32>
        tpu.vector_store %arg14[%swap3A_803], %swap3A_806 {strides = array<i32>} : memref<4096xf32, #tpu.memory_space<vmem>>, vector<16xf32>,
      }
      %scan3A_153 = arith.constant 64 : i32
      %dma_start3A_154 = arith.constant 0 : i32
      %dma_start3A_155 = arith.constant 0 : i32
      %dma_start3A_156 = tpu.memref_slice %arg14[%dma_start3A_155] : memref<4096xf32, #tpu.memory_space<vmem>> -> memref<128xf32, #tpu.memory_space<vmem>>
      %dma_start3A_157 = arith.constant 0 : i32
      %dma_start3A_158 = tpu.memref_slice %arg12[%dma_start3A_154, %dma_start3A_157] : memref<8x128xi32, #tpu.memory_space<vmem>> -> memref<1x128xi32, #tpu.memory_space<vmem>>
      %dma_start3A_159 = tpu.memref_squeeze %dma_start3A_158 : memref<1x128xi32, #tpu.memory_space<vmem>> -> memref<128xi32, #tpu.memory_space<vmem>>
      %dma_start3A_160 = arith.constant 0 : i32
      %dma_start3A_161 = tpu.memref_slice %arg25[%dma_start3A_160] : memref<10240xf32, #tpu.memory_space<vmem_shared>> -> memref<10240xf32, #tpu.memory_space<vmem_shared>>
      tpu.enqueue_indirect_dma source(%dma_start3A_156 : memref<128xf32, #tpu.memory_space<vmem>>) target(%dma_start3A_161 : memref<10240xf32, #tpu.memory_space<vmem_shared>>) offsets(%dma_start3A_159 : memref<128xi32, #tpu.memory_space<vmem>>) semaphore(%arg31 : memref<!tpu.dma_semaphore, #tpu.memory_space<semaphore_mem>>) {add = true}
      %dma_start3A_162 = arith.constant 1 : i32
      %dma_start3A_163 = arith.constant 128 : i32
      %dma_start3A_164 = tpu.memref_slice %arg14[%dma_start3A_163] : memref<4096xf32, #tpu.memory_space<vmem>> -> memref<128xf32, #tpu.memory_space<vmem>>
      %dma_start3A_165 = arith.constant 0 : i32
      %dma_start3A_166 = tpu.memref_slice %arg12[%dma_start3A_162, %dma_start3A_165] : memref<8x128xi32, #tpu.memory_space<vmem>> -> memref<1x128xi32, #tpu.memory_space<vmem>>
      %dma_start3A_167 = tpu.memref_squeeze %dma_start3A_166 : memref<1x128xi32, #tpu.memory_space<vmem>> -> memref<128xi32, #tpu.memory_space<vmem>>
      %dma_start3A_168 = arith.constant 0 : i32
      %dma_start3A_169 = tpu.memref_slice %arg25[%dma_start3A_168] : memref<10240xf32, #tpu.memory_space<vmem_shared>> -> memref<10240xf32, #tpu.memory_space<vmem_shared>>
      tpu.enqueue_indirect_dma source(%dma_start3A_164 : memref<128xf32, #tpu.memory_space<vmem>>) target(%dma_start3A_169 : memref<10240xf32, #tpu.memory_space<vmem_shared>>) offsets(%dma_start3A_167 : memref<128xi32, #tpu.memory_space<vmem>>) semaphore(%arg31 : memref<!tpu.dma_semaphore, #tpu.memory_space<semaphore_mem>>) {add = true}
      %dma_start3A_170 = arith.constant 2 : i32
      %dma_start3A_171 = arith.constant 256 : i32
      %dma_start3A_172 = tpu.memref_slice %arg14[%dma_start3A_171] : memref<4096xf32, #tpu.memory_space<vmem>> -> memref<128xf32, #tpu.memory_space<vmem>>
      %dma_start3A_173 = arith.constant 0 : i32
      %dma_start3A_174 = tpu.memref_slice %arg12[%dma_start3A_170, %dma_start3A_173] : memref<8x128xi32, #tpu.memory_space<vmem>> -> memref<1x128xi32, #tpu.memory_space<vmem>>
      %dma_start3A_175 = tpu.memref_squeeze %dma_start3A_174 : memref<1x128xi32, #tpu.memory_space<vmem>> -> memref<128xi32, #tpu.memory_space<vmem>>
      %dma_start3A_176 = arith.constant 0 : i32
      %dma_start3A_177 = tpu.memref_slice %arg25[%dma_start3A_176] : memref<10240xf32, #tpu.memory_space<vmem_shared>> -> memref<10240xf32, #tpu.memory_space<vmem_shared>>
      tpu.enqueue_indirect_dma source(%dma_start3A_172 : memref<128xf32, #tpu.memory_space<vmem>>) target(%dma_start3A_177 : memref<10240xf32, #tpu.memory_space<vmem_shared>>) offsets(%dma_start3A_175 : memref<128xi32, #tpu.memory_space<vmem>>) semaphore(%arg31 : memref<!tpu.dma_semaphore, #tpu.memory_space<semaphore_mem>>) {add = true}
      %dma_start3A_178 = arith.constant 3 : i32
      %dma_start3A_179 = arith.constant 384 : i32
      %dma_start3A_180 = tpu.memref_slice %arg14[%dma_start3A_179] : memref<4096xf32, #tpu.memory_space<vmem>> -> memref<128xf32, #tpu.memory_space<vmem>>
      %dma_start3A_181 = arith.constant 0 : i32
      %dma_start3A_182 = tpu.memref_slice %arg12[%dma_start3A_178, %dma_start3A_181] : memref<8x128xi32, #tpu.memory_space<vmem>> -> memref<1x128xi32, #tpu.memory_space<vmem>>
      %dma_start3A_183 = tpu.memref_squeeze %dma_start3A_182 : memref<1x128xi32, #tpu.memory_space<vmem>> -> memref<128xi32, #tpu.memory_space<vmem>>
      %dma_start3A_184 = arith.constant 0 : i32
      %dma_start3A_185 = tpu.memref_slice %arg25[%dma_start3A_184] : memref<10240xf32, #tpu.memory_space<vmem_shared>> -> memref<10240xf32, #tpu.memory_space<vmem_shared>>
      tpu.enqueue_indirect_dma source(%dma_start3A_180 : memref<128xf32, #tpu.memory_space<vmem>>) target(%dma_start3A_185 : memref<10240xf32, #tpu.memory_space<vmem_shared>>) offsets(%dma_start3A_183 : memref<128xi32, #tpu.memory_space<vmem>>) semaphore(%arg31 : memref<!tpu.dma_semaphore, #tpu.memory_space<semaphore_mem>>) {add = true}
      %dma_start3A_186 = arith.constant 4 : i32
      %dma_start3A_187 = arith.constant 512 : i32
      %dma_start3A_188 = tpu.memref_slice %arg14[%dma_start3A_187] : memref<4096xf32, #tpu.memory_space<vmem>> -> memref<128xf32, #tpu.memory_space<vmem>>
      %dma_start3A_189 = arith.constant 0 : i32
      %dma_start3A_190 = tpu.memref_slice %arg12[%dma_start3A_186, %dma_start3A_189] : memref<8x128xi32, #tpu.memory_space<vmem>> -> memref<1x128xi32, #tpu.memory_space<vmem>>
      %dma_start3A_191 = tpu.memref_squeeze %dma_start3A_190 : memref<1x128xi32, #tpu.memory_space<vmem>> -> memref<128xi32, #tpu.memory_space<vmem>>
      %dma_start3A_192 = arith.constant 0 : i32
      %dma_start3A_193 = tpu.memref_slice %arg25[%dma_start3A_192] : memref<10240xf32, #tpu.memory_space<vmem_shared>> -> memref<10240xf32, #tpu.memory_space<vmem_shared>>
      tpu.enqueue_indirect_dma source(%dma_start3A_188 : memref<128xf32, #tpu.memory_space<vmem>>) target(%dma_start3A_193 : memref<10240xf32, #tpu.memory_space<vmem_shared>>) offsets(%dma_start3A_191 : memref<128xi32, #tpu.memory_space<vmem>>) semaphore(%arg31 : memref<!tpu.dma_semaphore, #tpu.memory_space<semaphore_mem>>) {add = true}
      %dma_start3A_194 = arith.constant 5 : i32
      %dma_start3A_195 = arith.constant 640 : i32
      %dma_start3A_196 = tpu.memref_slice %arg14[%dma_start3A_195] : memref<4096xf32, #tpu.memory_space<vmem>> -> memref<128xf32, #tpu.memory_space<vmem>>
      %dma_start3A_197 = arith.constant 0 : i32
      %dma_start3A_198 = tpu.memref_slice %arg12[%dma_start3A_194, %dma_start3A_197] : memref<8x128xi32, #tpu.memory_space<vmem>> -> memref<1x128xi32, #tpu.memory_space<vmem>>
      %dma_start3A_199 = tpu.memref_squeeze %dma_start3A_198 : memref<1x128xi32, #tpu.memory_space<vmem>> -> memref<128xi32, #tpu.memory_space<vmem>>
      %dma_start3A_200 = arith.constant 0 : i32
      %dma_start3A_201 = tpu.memref_slice %arg25[%dma_start3A_200] : memref<10240xf32, #tpu.memory_space<vmem_shared>> -> memref<10240xf32, #tpu.memory_space<vmem_shared>>
      tpu.enqueue_indirect_dma source(%dma_start3A_196 : memref<128xf32, #tpu.memory_space<vmem>>) target(%dma_start3A_201 : memref<10240xf32, #tpu.memory_space<vmem_shared>>) offsets(%dma_start3A_199 : memref<128xi32, #tpu.memory_space<vmem>>) semaphore(%arg31 : memref<!tpu.dma_semaphore, #tpu.memory_space<semaphore_mem>>) {add = true}
      %dma_start3A_202 = arith.constant 6 : i32
      %dma_start3A_203 = arith.constant 768 : i32
      %dma_start3A_204 = tpu.memref_slice %arg14[%dma_start3A_203] : memref<4096xf32, #tpu.memory_space<vmem>> -> memref<128xf32, #tpu.memory_space<vmem>>
      %dma_start3A_205 = arith.constant 0 : i32
      %dma_start3A_206 = tpu.memref_slice %arg12[%dma_start3A_202, %dma_start3A_205] : memref<8x128xi32, #tpu.memory_space<vmem>> -> memref<1x128xi32, #tpu.memory_space<vmem>>
      %dma_start3A_207 = tpu.memref_squeeze %dma_start3A_206 : memref<1x128xi32, #tpu.memory_space<vmem>> -> memref<128xi32, #tpu.memory_space<vmem>>
      %dma_start3A_208 = arith.constant 0 : i32
      %dma_start3A_209 = tpu.memref_slice %arg25[%dma_start3A_208] : memref<10240xf32, #tpu.memory_space<vmem_shared>> -> memref<10240xf32, #tpu.memory_space<vmem_shared>>
      tpu.enqueue_indirect_dma source(%dma_start3A_204 : memref<128xf32, #tpu.memory_space<vmem>>) target(%dma_start3A_209 : memref<10240xf32, #tpu.memory_space<vmem_shared>>) offsets(%dma_start3A_207 : memref<128xi32, #tpu.memory_space<vmem>>) semaphore(%arg31 : memref<!tpu.dma_semaphore, #tpu.memory_space<semaphore_mem>>) {add = true}
      %dma_start3A_210 = arith.constant 7 : i32
      %dma_start3A_211 = arith.constant 896 : i32
      %dma_start3A_212 = tpu.memref_slice %arg14[%dma_start3A_211] : memref<4096xf32, #tpu.memory_space<vmem>> -> memref<128xf32, #tpu.memory_space<vmem>>
      %dma_start3A_213 = arith.constant 0 : i32
      %dma_start3A_214 = tpu.memref_slice %arg12[%dma_start3A_210, %dma_start3A_213] : memref<8x128xi32, #tpu.memory_space<vmem>> -> memref<1x128xi32, #tpu.memory_space<vmem>>
      %dma_start3A_215 = tpu.memref_squeeze %dma_start3A_214 : memref<1x128xi32, #tpu.memory_space<vmem>> -> memref<128xi32, #tpu.memory_space<vmem>>
      %dma_start3A_216 = arith.constant 0 : i32
      %dma_start3A_217 = tpu.memref_slice %arg25[%dma_start3A_216] : memref<10240xf32, #tpu.memory_space<vmem_shared>> -> memref<10240xf32, #tpu.memory_space<vmem_shared>>
      tpu.enqueue_indirect_dma source(%dma_start3A_212 : memref<128xf32, #tpu.memory_space<vmem>>) target(%dma_start3A_217 : memref<10240xf32, #tpu.memory_space<vmem_shared>>) offsets(%dma_start3A_215 : memref<128xi32, #tpu.memory_space<vmem>>) semaphore(%arg31 : memref<!tpu.dma_semaphore, #tpu.memory_space<semaphore_mem>>) {add = true}
      %dma_start3A_218 = arith.constant 0 : i32
      %dma_start3A_219 = arith.constant 1024 : i32
      %dma_start3A_220 = tpu.memref_slice %arg14[%dma_start3A_219] : memref<4096xf32, #tpu.memory_space<vmem>> -> memref<128xf32, #tpu.memory_space<vmem>>
      %dma_start3A_221 = arith.constant 0 : i32
      %dma_start3A_222 = tpu.memref_slice %arg12[%dma_start3A_218, %dma_start3A_221] : memref<8x128xi32, #tpu.memory_space<vmem>> -> memref<1x128xi32, #tpu.memory_space<vmem>>
      %dma_start3A_223 = tpu.memref_squeeze %dma_start3A_222 : memref<1x128xi32, #tpu.memory_space<vmem>> -> memref<128xi32, #tpu.memory_space<vmem>>
      %dma_start3A_224 = arith.constant 0 : i32
      %dma_start3A_225 = tpu.memref_slice %arg26[%dma_start3A_224] : memref<10240xf32, #tpu.memory_space<vmem_shared>> -> memref<10240xf32, #tpu.memory_space<vmem_shared>>
      tpu.enqueue_indirect_dma source(%dma_start3A_220 : memref<128xf32, #tpu.memory_space<vmem>>) target(%dma_start3A_225 : memref<10240xf32, #tpu.memory_space<vmem_shared>>) offsets(%dma_start3A_223 : memref<128xi32, #tpu.memory_space<vmem>>) semaphore(%arg31 : memref<!tpu.dma_semaphore, #tpu.memory_space<semaphore_mem>>) {add = true}
      %dma_start3A_226 = arith.constant 1 : i32
      %dma_start3A_227 = arith.constant 1152 : i32
      %dma_start3A_228 = tpu.memref_slice %arg14[%dma_start3A_227] : memref<4096xf32, #tpu.memory_space<vmem>> -> memref<128xf32, #tpu.memory_space<vmem>>
      %dma_start3A_229 = arith.constant 0 : i32
      %dma_start3A_230 = tpu.memref_slice %arg12[%dma_start3A_226, %dma_start3A_229] : memref<8x128xi32, #tpu.memory_space<vmem>> -> memref<1x128xi32, #tpu.memory_space<vmem>>
      %dma_start3A_231 = tpu.memref_squeeze %dma_start3A_230 : memref<1x128xi32, #tpu.memory_space<vmem>> -> memref<128xi32, #tpu.memory_space<vmem>>
      %dma_start3A_232 = arith.constant 0 : i32
      %dma_start3A_233 = tpu.memref_slice %arg26[%dma_start3A_232] : memref<10240xf32, #tpu.memory_space<vmem_shared>> -> memref<10240xf32, #tpu.memory_space<vmem_shared>>
      tpu.enqueue_indirect_dma source(%dma_start3A_228 : memref<128xf32, #tpu.memory_space<vmem>>) target(%dma_start3A_233 : memref<10240xf32, #tpu.memory_space<vmem_shared>>) offsets(%dma_start3A_231 : memref<128xi32, #tpu.memory_space<vmem>>) semaphore(%arg31 : memref<!tpu.dma_semaphore, #tpu.memory_space<semaphore_mem>>) {add = true}
      %dma_start3A_234 = arith.constant 2 : i32
      %dma_start3A_235 = arith.constant 1280 : i32
      %dma_start3A_236 = tpu.memref_slice %arg14[%dma_start3A_235] : memref<4096xf32, #tpu.memory_space<vmem>> -> memref<128xf32, #tpu.memory_space<vmem>>
      %dma_start3A_237 = arith.constant 0 : i32
      %dma_start3A_238 = tpu.memref_slice %arg12[%dma_start3A_234, %dma_start3A_237] : memref<8x128xi32, #tpu.memory_space<vmem>> -> memref<1x128xi32, #tpu.memory_space<vmem>>
      %dma_start3A_239 = tpu.memref_squeeze %dma_start3A_238 : memref<1x128xi32, #tpu.memory_space<vmem>> -> memref<128xi32, #tpu.memory_space<vmem>>
      %dma_start3A_240 = arith.constant 0 : i32
      %dma_start3A_241 = tpu.memref_slice %arg26[%dma_start3A_240] : memref<10240xf32, #tpu.memory_space<vmem_shared>> -> memref<10240xf32, #tpu.memory_space<vmem_shared>>
      tpu.enqueue_indirect_dma source(%dma_start3A_236 : memref<128xf32, #tpu.memory_space<vmem>>) target(%dma_start3A_241 : memref<10240xf32, #tpu.memory_space<vmem_shared>>) offsets(%dma_start3A_239 : memref<128xi32, #tpu.memory_space<vmem>>) semaphore(%arg31 : memref<!tpu.dma_semaphore, #tpu.memory_space<semaphore_mem>>) {add = true}
      %dma_start3A_242 = arith.constant 3 : i32
      %dma_start3A_243 = arith.constant 1408 : i32
      %dma_start3A_244 = tpu.memref_slice %arg14[%dma_start3A_243] : memref<4096xf32, #tpu.memory_space<vmem>> -> memref<128xf32, #tpu.memory_space<vmem>>
      %dma_start3A_245 = arith.constant 0 : i32
      %dma_start3A_246 = tpu.memref_slice %arg12[%dma_start3A_242, %dma_start3A_245] : memref<8x128xi32, #tpu.memory_space<vmem>> -> memref<1x128xi32, #tpu.memory_space<vmem>>
      %dma_start3A_247 = tpu.memref_squeeze %dma_start3A_246 : memref<1x128xi32, #tpu.memory_space<vmem>> -> memref<128xi32, #tpu.memory_space<vmem>>
      %dma_start3A_248 = arith.constant 0 : i32
      %dma_start3A_249 = tpu.memref_slice %arg26[%dma_start3A_248] : memref<10240xf32, #tpu.memory_space<vmem_shared>> -> memref<10240xf32, #tpu.memory_space<vmem_shared>>
      tpu.enqueue_indirect_dma source(%dma_start3A_244 : memref<128xf32, #tpu.memory_space<vmem>>) target(%dma_start3A_249 : memref<10240xf32, #tpu.memory_space<vmem_shared>>) offsets(%dma_start3A_247 : memref<128xi32, #tpu.memory_space<vmem>>) semaphore(%arg31 : memref<!tpu.dma_semaphore, #tpu.memory_space<semaphore_mem>>) {add = true}
      %dma_start3A_250 = arith.constant 4 : i32
      %dma_start3A_251 = arith.constant 1536 : i32
      %dma_start3A_252 = tpu.memref_slice %arg14[%dma_start3A_251] : memref<4096xf32, #tpu.memory_space<vmem>> -> memref<128xf32, #tpu.memory_space<vmem>>
      %dma_start3A_253 = arith.constant 0 : i32
      %dma_start3A_254 = tpu.memref_slice %arg12[%dma_start3A_250, %dma_start3A_253] : memref<8x128xi32, #tpu.memory_space<vmem>> -> memref<1x128xi32, #tpu.memory_space<vmem>>
      %dma_start3A_255 = tpu.memref_squeeze %dma_start3A_254 : memref<1x128xi32, #tpu.memory_space<vmem>> -> memref<128xi32, #tpu.memory_space<vmem>>
      %dma_start3A_256 = arith.constant 0 : i32
      %dma_start3A_257 = tpu.memref_slice %arg26[%dma_start3A_256] : memref<10240xf32, #tpu.memory_space<vmem_shared>> -> memref<10240xf32, #tpu.memory_space<vmem_shared>>
      tpu.enqueue_indirect_dma source(%dma_start3A_252 : memref<128xf32, #tpu.memory_space<vmem>>) target(%dma_start3A_257 : memref<10240xf32, #tpu.memory_space<vmem_shared>>) offsets(%dma_start3A_255 : memref<128xi32, #tpu.memory_space<vmem>>) semaphore(%arg31 : memref<!tpu.dma_semaphore, #tpu.memory_space<semaphore_mem>>) {add = true}
      %dma_start3A_258 = arith.constant 5 : i32
      %dma_start3A_259 = arith.constant 1664 : i32
      %dma_start3A_260 = tpu.memref_slice %arg14[%dma_start3A_259] : memref<4096xf32, #tpu.memory_space<vmem>> -> memref<128xf32, #tpu.memory_space<vmem>>
      %dma_start3A_261 = arith.constant 0 : i32
      %dma_start3A_262 = tpu.memref_slice %arg12[%dma_start3A_258, %dma_start3A_261] : memref<8x128xi32, #tpu.memory_space<vmem>> -> memref<1x128xi32, #tpu.memory_space<vmem>>
      %dma_start3A_263 = tpu.memref_squeeze %dma_start3A_262 : memref<1x128xi32, #tpu.memory_space<vmem>> -> memref<128xi32, #tpu.memory_space<vmem>>
      %dma_start3A_264 = arith.constant 0 : i32
      %dma_start3A_265 = tpu.memref_slice %arg26[%dma_start3A_264] : memref<10240xf32, #tpu.memory_space<vmem_shared>> -> memref<10240xf32, #tpu.memory_space<vmem_shared>>
      tpu.enqueue_indirect_dma source(%dma_start3A_260 : memref<128xf32, #tpu.memory_space<vmem>>) target(%dma_start3A_265 : memref<10240xf32, #tpu.memory_space<vmem_shared>>) offsets(%dma_start3A_263 : memref<128xi32, #tpu.memory_space<vmem>>) semaphore(%arg31 : memref<!tpu.dma_semaphore, #tpu.memory_space<semaphore_mem>>) {add = true}
      %dma_start3A_266 = arith.constant 6 : i32
      %dma_start3A_267 = arith.constant 1792 : i32
      %dma_start3A_268 = tpu.memref_slice %arg14[%dma_start3A_267] : memref<4096xf32, #tpu.memory_space<vmem>> -> memref<128xf32, #tpu.memory_space<vmem>>
      %dma_start3A_269 = arith.constant 0 : i32
      %dma_start3A_270 = tpu.memref_slice %arg12[%dma_start3A_266, %dma_start3A_269] : memref<8x128xi32, #tpu.memory_space<vmem>> -> memref<1x128xi32, #tpu.memory_space<vmem>>
      %dma_start3A_271 = tpu.memref_squeeze %dma_start3A_270 : memref<1x128xi32, #tpu.memory_space<vmem>> -> memref<128xi32, #tpu.memory_space<vmem>>
      %dma_start3A_272 = arith.constant 0 : i32
      %dma_start3A_273 = tpu.memref_slice %arg26[%dma_start3A_272] : memref<10240xf32, #tpu.memory_space<vmem_shared>> -> memref<10240xf32, #tpu.memory_space<vmem_shared>>
      tpu.enqueue_indirect_dma source(%dma_start3A_268 : memref<128xf32, #tpu.memory_space<vmem>>) target(%dma_start3A_273 : memref<10240xf32, #tpu.memory_space<vmem_shared>>) offsets(%dma_start3A_271 : memref<128xi32, #tpu.memory_space<vmem>>) semaphore(%arg31 : memref<!tpu.dma_semaphore, #tpu.memory_space<semaphore_mem>>) {add = true}
      %dma_start3A_274 = arith.constant 7 : i32
      %dma_start3A_275 = arith.constant 1920 : i32
      %dma_start3A_276 = tpu.memref_slice %arg14[%dma_start3A_275] : memref<4096xf32, #tpu.memory_space<vmem>> -> memref<128xf32, #tpu.memory_space<vmem>>
      %dma_start3A_277 = arith.constant 0 : i32
      %dma_start3A_278 = tpu.memref_slice %arg12[%dma_start3A_274, %dma_start3A_277] : memref<8x128xi32, #tpu.memory_space<vmem>> -> memref<1x128xi32, #tpu.memory_space<vmem>>
      %dma_start3A_279 = tpu.memref_squeeze %dma_start3A_278 : memref<1x128xi32, #tpu.memory_space<vmem>> -> memref<128xi32, #tpu.memory_space<vmem>>
      %dma_start3A_280 = arith.constant 0 : i32
      %dma_start3A_281 = tpu.memref_slice %arg26[%dma_start3A_280] : memref<10240xf32, #tpu.memory_space<vmem_shared>> -> memref<10240xf32, #tpu.memory_space<vmem_shared>>
      tpu.enqueue_indirect_dma source(%dma_start3A_276 : memref<128xf32, #tpu.memory_space<vmem>>) target(%dma_start3A_281 : memref<10240xf32, #tpu.memory_space<vmem_shared>>) offsets(%dma_start3A_279 : memref<128xi32, #tpu.memory_space<vmem>>) semaphore(%arg31 : memref<!tpu.dma_semaphore, #tpu.memory_space<semaphore_mem>>) {add = true}
      %dma_start3A_282 = arith.constant 0 : i32
      %dma_start3A_283 = arith.constant 2048 : i32
      %dma_start3A_284 = tpu.memref_slice %arg14[%dma_start3A_283] : memref<4096xf32, #tpu.memory_space<vmem>> -> memref<128xf32, #tpu.memory_space<vmem>>
      %dma_start3A_285 = arith.constant 0 : i32
      %dma_start3A_286 = tpu.memref_slice %arg12[%dma_start3A_282, %dma_start3A_285] : memref<8x128xi32, #tpu.memory_space<vmem>> -> memref<1x128xi32, #tpu.memory_space<vmem>>
      %dma_start3A_287 = tpu.memref_squeeze %dma_start3A_286 : memref<1x128xi32, #tpu.memory_space<vmem>> -> memref<128xi32, #tpu.memory_space<vmem>>
      %dma_start3A_288 = arith.constant 0 : i32
      %dma_start3A_289 = tpu.memref_slice %arg27[%dma_start3A_288] : memref<10240xf32, #tpu.memory_space<vmem_shared>> -> memref<10240xf32, #tpu.memory_space<vmem_shared>>
      tpu.enqueue_indirect_dma source(%dma_start3A_284 : memref<128xf32, #tpu.memory_space<vmem>>) target(%dma_start3A_289 : memref<10240xf32, #tpu.memory_space<vmem_shared>>) offsets(%dma_start3A_287 : memref<128xi32, #tpu.memory_space<vmem>>) semaphore(%arg31 : memref<!tpu.dma_semaphore, #tpu.memory_space<semaphore_mem>>) {add = true}
      %dma_start3A_290 = arith.constant 1 : i32
      %dma_start3A_291 = arith.constant 2176 : i32
      %dma_start3A_292 = tpu.memref_slice %arg14[%dma_start3A_291] : memref<4096xf32, #tpu.memory_space<vmem>> -> memref<128xf32, #tpu.memory_space<vmem>>
      %dma_start3A_293 = arith.constant 0 : i32
      %dma_start3A_294 = tpu.memref_slice %arg12[%dma_start3A_290, %dma_start3A_293] : memref<8x128xi32, #tpu.memory_space<vmem>> -> memref<1x128xi32, #tpu.memory_space<vmem>>
      %dma_start3A_295 = tpu.memref_squeeze %dma_start3A_294 : memref<1x128xi32, #tpu.memory_space<vmem>> -> memref<128xi32, #tpu.memory_space<vmem>>
      %dma_start3A_296 = arith.constant 0 : i32
      %dma_start3A_297 = tpu.memref_slice %arg27[%dma_start3A_296] : memref<10240xf32, #tpu.memory_space<vmem_shared>> -> memref<10240xf32, #tpu.memory_space<vmem_shared>>
      tpu.enqueue_indirect_dma source(%dma_start3A_292 : memref<128xf32, #tpu.memory_space<vmem>>) target(%dma_start3A_297 : memref<10240xf32, #tpu.memory_space<vmem_shared>>) offsets(%dma_start3A_295 : memref<128xi32, #tpu.memory_space<vmem>>) semaphore(%arg31 : memref<!tpu.dma_semaphore, #tpu.memory_space<semaphore_mem>>) {add = true}
      %dma_start3A_298 = arith.constant 2 : i32
      %dma_start3A_299 = arith.constant 2304 : i32
      %dma_start3A_300 = tpu.memref_slice %arg14[%dma_start3A_299] : memref<4096xf32, #tpu.memory_space<vmem>> -> memref<128xf32, #tpu.memory_space<vmem>>
      %dma_start3A_301 = arith.constant 0 : i32
      %dma_start3A_302 = tpu.memref_slice %arg12[%dma_start3A_298, %dma_start3A_301] : memref<8x128xi32, #tpu.memory_space<vmem>> -> memref<1x128xi32, #tpu.memory_space<vmem>>
      %dma_start3A_303 = tpu.memref_squeeze %dma_start3A_302 : memref<1x128xi32, #tpu.memory_space<vmem>> -> memref<128xi32, #tpu.memory_space<vmem>>
      %dma_start3A_304 = arith.constant 0 : i32
      %dma_start3A_305 = tpu.memref_slice %arg27[%dma_start3A_304] : memref<10240xf32, #tpu.memory_space<vmem_shared>> -> memref<10240xf32, #tpu.memory_space<vmem_shared>>
      tpu.enqueue_indirect_dma source(%dma_start3A_300 : memref<128xf32, #tpu.memory_space<vmem>>) target(%dma_start3A_305 : memref<10240xf32, #tpu.memory_space<vmem_shared>>) offsets(%dma_start3A_303 : memref<128xi32, #tpu.memory_space<vmem>>) semaphore(%arg31 : memref<!tpu.dma_semaphore, #tpu.memory_space<semaphore_mem>>) {add = true}
      %dma_start3A_306 = arith.constant 3 : i32
      %dma_start3A_307 = arith.constant 2432 : i32
      %dma_start3A_308 = tpu.memref_slice %arg14[%dma_start3A_307] : memref<4096xf32, #tpu.memory_space<vmem>> -> memref<128xf32, #tpu.memory_space<vmem>>
      %dma_start3A_309 = arith.constant 0 : i32
      %dma_start3A_310 = tpu.memref_slice %arg12[%dma_start3A_306, %dma_start3A_309] : memref<8x128xi32, #tpu.memory_space<vmem>> -> memref<1x128xi32, #tpu.memory_space<vmem>>
      %dma_start3A_311 = tpu.memref_squeeze %dma_start3A_310 : memref<1x128xi32, #tpu.memory_space<vmem>> -> memref<128xi32, #tpu.memory_space<vmem>>
      %dma_start3A_312 = arith.constant 0 : i32
      %dma_start3A_313 = tpu.memref_slice %arg27[%dma_start3A_312] : memref<10240xf32, #tpu.memory_space<vmem_shared>> -> memref<10240xf32, #tpu.memory_space<vmem_shared>>
      tpu.enqueue_indirect_dma source(%dma_start3A_308 : memref<128xf32, #tpu.memory_space<vmem>>) target(%dma_start3A_313 : memref<10240xf32, #tpu.memory_space<vmem_shared>>) offsets(%dma_start3A_311 : memref<128xi32, #tpu.memory_space<vmem>>) semaphore(%arg31 : memref<!tpu.dma_semaphore, #tpu.memory_space<semaphore_mem>>) {add = true}
      %dma_start3A_314 = arith.constant 4 : i32
      %dma_start3A_315 = arith.constant 2560 : i32
      %dma_start3A_316 = tpu.memref_slice %arg14[%dma_start3A_315] : memref<4096xf32, #tpu.memory_space<vmem>> -> memref<128xf32, #tpu.memory_space<vmem>>
      %dma_start3A_317 = arith.constant 0 : i32
      %dma_start3A_318 = tpu.memref_slice %arg12[%dma_start3A_314, %dma_start3A_317] : memref<8x128xi32, #tpu.memory_space<vmem>> -> memref<1x128xi32, #tpu.memory_space<vmem>>
      %dma_start3A_319 = tpu.memref_squeeze %dma_start3A_318 : memref<1x128xi32, #tpu.memory_space<vmem>> -> memref<128xi32, #tpu.memory_space<vmem>>
      %dma_start3A_320 = arith.constant 0 : i32
      %dma_start3A_321 = tpu.memref_slice %arg27[%dma_start3A_320] : memref<10240xf32, #tpu.memory_space<vmem_shared>> -> memref<10240xf32, #tpu.memory_space<vmem_shared>>
      tpu.enqueue_indirect_dma source(%dma_start3A_316 : memref<128xf32, #tpu.memory_space<vmem>>) target(%dma_start3A_321 : memref<10240xf32, #tpu.memory_space<vmem_shared>>) offsets(%dma_start3A_319 : memref<128xi32, #tpu.memory_space<vmem>>) semaphore(%arg31 : memref<!tpu.dma_semaphore, #tpu.memory_space<semaphore_mem>>) {add = true}
      %dma_start3A_322 = arith.constant 5 : i32
      %dma_start3A_323 = arith.constant 2688 : i32
      %dma_start3A_324 = tpu.memref_slice %arg14[%dma_start3A_323] : memref<4096xf32, #tpu.memory_space<vmem>> -> memref<128xf32, #tpu.memory_space<vmem>>
      %dma_start3A_325 = arith.constant 0 : i32
      %dma_start3A_326 = tpu.memref_slice %arg12[%dma_start3A_322, %dma_start3A_325] : memref<8x128xi32, #tpu.memory_space<vmem>> -> memref<1x128xi32, #tpu.memory_space<vmem>>
      %dma_start3A_327 = tpu.memref_squeeze %dma_start3A_326 : memref<1x128xi32, #tpu.memory_space<vmem>> -> memref<128xi32, #tpu.memory_space<vmem>>
      %dma_start3A_328 = arith.constant 0 : i32
      %dma_start3A_329 = tpu.memref_slice %arg27[%dma_start3A_328] : memref<10240xf32, #tpu.memory_space<vmem_shared>> -> memref<10240xf32, #tpu.memory_space<vmem_shared>>
      tpu.enqueue_indirect_dma source(%dma_start3A_324 : memref<128xf32, #tpu.memory_space<vmem>>) target(%dma_start3A_329 : memref<10240xf32, #tpu.memory_space<vmem_shared>>) offsets(%dma_start3A_327 : memref<128xi32, #tpu.memory_space<vmem>>) semaphore(%arg31 : memref<!tpu.dma_semaphore, #tpu.memory_space<semaphore_mem>>) {add = true}
      %dma_start3A_330 = arith.constant 6 : i32
      %dma_start3A_331 = arith.constant 2816 : i32
      %dma_start3A_332 = tpu.memref_slice %arg14[%dma_start3A_331] : memref<4096xf32, #tpu.memory_space<vmem>> -> memref<128xf32, #tpu.memory_space<vmem>>
      %dma_start3A_333 = arith.constant 0 : i32
      %dma_start3A_334 = tpu.memref_slice %arg12[%dma_start3A_330, %dma_start3A_333] : memref<8x128xi32, #tpu.memory_space<vmem>> -> memref<1x128xi32, #tpu.memory_space<vmem>>
      %dma_start3A_335 = tpu.memref_squeeze %dma_start3A_334 : memref<1x128xi32, #tpu.memory_space<vmem>> -> memref<128xi32, #tpu.memory_space<vmem>>
      %dma_start3A_336 = arith.constant 0 : i32
      %dma_start3A_337 = tpu.memref_slice %arg27[%dma_start3A_336] : memref<10240xf32, #tpu.memory_space<vmem_shared>> -> memref<10240xf32, #tpu.memory_space<vmem_shared>>
      tpu.enqueue_indirect_dma source(%dma_start3A_332 : memref<128xf32, #tpu.memory_space<vmem>>) target(%dma_start3A_337 : memref<10240xf32, #tpu.memory_space<vmem_shared>>) offsets(%dma_start3A_335 : memref<128xi32, #tpu.memory_space<vmem>>) semaphore(%arg31 : memref<!tpu.dma_semaphore, #tpu.memory_space<semaphore_mem>>) {add = true}
      %dma_start3A_338 = arith.constant 7 : i32
      %dma_start3A_339 = arith.constant 2944 : i32
      %dma_start3A_340 = tpu.memref_slice %arg14[%dma_start3A_339] : memref<4096xf32, #tpu.memory_space<vmem>> -> memref<128xf32, #tpu.memory_space<vmem>>
      %dma_start3A_341 = arith.constant 0 : i32
      %dma_start3A_342 = tpu.memref_slice %arg12[%dma_start3A_338, %dma_start3A_341] : memref<8x128xi32, #tpu.memory_space<vmem>> -> memref<1x128xi32, #tpu.memory_space<vmem>>
      %dma_start3A_343 = tpu.memref_squeeze %dma_start3A_342 : memref<1x128xi32, #tpu.memory_space<vmem>> -> memref<128xi32, #tpu.memory_space<vmem>>
      %dma_start3A_344 = arith.constant 0 : i32
      %dma_start3A_345 = tpu.memref_slice %arg27[%dma_start3A_344] : memref<10240xf32, #tpu.memory_space<vmem_shared>> -> memref<10240xf32, #tpu.memory_space<vmem_shared>>
      tpu.enqueue_indirect_dma source(%dma_start3A_340 : memref<128xf32, #tpu.memory_space<vmem>>) target(%dma_start3A_345 : memref<10240xf32, #tpu.memory_space<vmem_shared>>) offsets(%dma_start3A_343 : memref<128xi32, #tpu.memory_space<vmem>>) semaphore(%arg31 : memref<!tpu.dma_semaphore, #tpu.memory_space<semaphore_mem>>) {add = true}
      %dma_start3A_346 = arith.constant 0 : i32
      %dma_start3A_347 = arith.constant 3072 : i32
      %dma_start3A_348 = tpu.memref_slice %arg14[%dma_start3A_347] : memref<4096xf32, #tpu.memory_space<vmem>> -> memref<128xf32, #tpu.memory_space<vmem>>
      %dma_start3A_349 = arith.constant 0 : i32
      %dma_start3A_350 = tpu.memref_slice %arg12[%dma_start3A_346, %dma_start3A_349] : memref<8x128xi32, #tpu.memory_space<vmem>> -> memref<1x128xi32, #tpu.memory_space<vmem>>
      %dma_start3A_351 = tpu.memref_squeeze %dma_start3A_350 : memref<1x128xi32, #tpu.memory_space<vmem>> -> memref<128xi32, #tpu.memory_space<vmem>>
      %dma_start3A_352 = arith.constant 0 : i32
      %dma_start3A_353 = tpu.memref_slice %arg28[%dma_start3A_352] : memref<10240xf32, #tpu.memory_space<vmem_shared>> -> memref<10240xf32, #tpu.memory_space<vmem_shared>>
      tpu.enqueue_indirect_dma source(%dma_start3A_348 : memref<128xf32, #tpu.memory_space<vmem>>) target(%dma_start3A_353 : memref<10240xf32, #tpu.memory_space<vmem_shared>>) offsets(%dma_start3A_351 : memref<128xi32, #tpu.memory_space<vmem>>) semaphore(%arg31 : memref<!tpu.dma_semaphore, #tpu.memory_space<semaphore_mem>>) {add = true}
      %dma_start3A_354 = arith.constant 1 : i32
      %dma_start3A_355 = arith.constant 3200 : i32
      %dma_start3A_356 = tpu.memref_slice %arg14[%dma_start3A_355] : memref<4096xf32, #tpu.memory_space<vmem>> -> memref<128xf32, #tpu.memory_space<vmem>>
      %dma_start3A_357 = arith.constant 0 : i32
      %dma_start3A_358 = tpu.memref_slice %arg12[%dma_start3A_354, %dma_start3A_357] : memref<8x128xi32, #tpu.memory_space<vmem>> -> memref<1x128xi32, #tpu.memory_space<vmem>>
      %dma_start3A_359 = tpu.memref_squeeze %dma_start3A_358 : memref<1x128xi32, #tpu.memory_space<vmem>> -> memref<128xi32, #tpu.memory_space<vmem>>
      %dma_start3A_360 = arith.constant 0 : i32
      %dma_start3A_361 = tpu.memref_slice %arg28[%dma_start3A_360] : memref<10240xf32, #tpu.memory_space<vmem_shared>> -> memref<10240xf32, #tpu.memory_space<vmem_shared>>
      tpu.enqueue_indirect_dma source(%dma_start3A_356 : memref<128xf32, #tpu.memory_space<vmem>>) target(%dma_start3A_361 : memref<10240xf32, #tpu.memory_space<vmem_shared>>) offsets(%dma_start3A_359 : memref<128xi32, #tpu.memory_space<vmem>>) semaphore(%arg31 : memref<!tpu.dma_semaphore, #tpu.memory_space<semaphore_mem>>) {add = true}
      %dma_start3A_362 = arith.constant 2 : i32
      %dma_start3A_363 = arith.constant 3328 : i32
      %dma_start3A_364 = tpu.memref_slice %arg14[%dma_start3A_363] : memref<4096xf32, #tpu.memory_space<vmem>> -> memref<128xf32, #tpu.memory_space<vmem>>
      %dma_start3A_365 = arith.constant 0 : i32
      %dma_start3A_366 = tpu.memref_slice %arg12[%dma_start3A_362, %dma_start3A_365] : memref<8x128xi32, #tpu.memory_space<vmem>> -> memref<1x128xi32, #tpu.memory_space<vmem>>
      %dma_start3A_367 = tpu.memref_squeeze %dma_start3A_366 : memref<1x128xi32, #tpu.memory_space<vmem>> -> memref<128xi32, #tpu.memory_space<vmem>>
      %dma_start3A_368 = arith.constant 0 : i32
      %dma_start3A_369 = tpu.memref_slice %arg28[%dma_start3A_368] : memref<10240xf32, #tpu.memory_space<vmem_shared>> -> memref<10240xf32, #tpu.memory_space<vmem_shared>>
      tpu.enqueue_indirect_dma source(%dma_start3A_364 : memref<128xf32, #tpu.memory_space<vmem>>) target(%dma_start3A_369 : memref<10240xf32, #tpu.memory_space<vmem_shared>>) offsets(%dma_start3A_367 : memref<128xi32, #tpu.memory_space<vmem>>) semaphore(%arg31 : memref<!tpu.dma_semaphore, #tpu.memory_space<semaphore_mem>>) {add = true}
      %dma_start3A_370 = arith.constant 3 : i32
      %dma_start3A_371 = arith.constant 3456 : i32
      %dma_start3A_372 = tpu.memref_slice %arg14[%dma_start3A_371] : memref<4096xf32, #tpu.memory_space<vmem>> -> memref<128xf32, #tpu.memory_space<vmem>>
      %dma_start3A_373 = arith.constant 0 : i32
      %dma_start3A_374 = tpu.memref_slice %arg12[%dma_start3A_370, %dma_start3A_373] : memref<8x128xi32, #tpu.memory_space<vmem>> -> memref<1x128xi32, #tpu.memory_space<vmem>>
      %dma_start3A_375 = tpu.memref_squeeze %dma_start3A_374 : memref<1x128xi32, #tpu.memory_space<vmem>> -> memref<128xi32, #tpu.memory_space<vmem>>
      %dma_start3A_376 = arith.constant 0 : i32
      %dma_start3A_377 = tpu.memref_slice %arg28[%dma_start3A_376] : memref<10240xf32, #tpu.memory_space<vmem_shared>> -> memref<10240xf32, #tpu.memory_space<vmem_shared>>
      tpu.enqueue_indirect_dma source(%dma_start3A_372 : memref<128xf32, #tpu.memory_space<vmem>>) target(%dma_start3A_377 : memref<10240xf32, #tpu.memory_space<vmem_shared>>) offsets(%dma_start3A_375 : memref<128xi32, #tpu.memory_space<vmem>>) semaphore(%arg31 : memref<!tpu.dma_semaphore, #tpu.memory_space<semaphore_mem>>) {add = true}
      %dma_start3A_378 = arith.constant 4 : i32
      %dma_start3A_379 = arith.constant 3584 : i32
      %dma_start3A_380 = tpu.memref_slice %arg14[%dma_start3A_379] : memref<4096xf32, #tpu.memory_space<vmem>> -> memref<128xf32, #tpu.memory_space<vmem>>
      %dma_start3A_381 = arith.constant 0 : i32
      %dma_start3A_382 = tpu.memref_slice %arg12[%dma_start3A_378, %dma_start3A_381] : memref<8x128xi32, #tpu.memory_space<vmem>> -> memref<1x128xi32, #tpu.memory_space<vmem>>
      %dma_start3A_383 = tpu.memref_squeeze %dma_start3A_382 : memref<1x128xi32, #tpu.memory_space<vmem>> -> memref<128xi32, #tpu.memory_space<vmem>>
      %dma_start3A_384 = arith.constant 0 : i32
      %dma_start3A_385 = tpu.memref_slice %arg28[%dma_start3A_384] : memref<10240xf32, #tpu.memory_space<vmem_shared>> -> memref<10240xf32, #tpu.memory_space<vmem_shared>>
      tpu.enqueue_indirect_dma source(%dma_start3A_380 : memref<128xf32, #tpu.memory_space<vmem>>) target(%dma_start3A_385 : memref<10240xf32, #tpu.memory_space<vmem_shared>>) offsets(%dma_start3A_383 : memref<128xi32, #tpu.memory_space<vmem>>) semaphore(%arg31 : memref<!tpu.dma_semaphore, #tpu.memory_space<semaphore_mem>>) {add = true}
      %dma_start3A_386 = arith.constant 5 : i32
      %dma_start3A_387 = arith.constant 3712 : i32
      %dma_start3A_388 = tpu.memref_slice %arg14[%dma_start3A_387] : memref<4096xf32, #tpu.memory_space<vmem>> -> memref<128xf32, #tpu.memory_space<vmem>>
      %dma_start3A_389 = arith.constant 0 : i32
      %dma_start3A_390 = tpu.memref_slice %arg12[%dma_start3A_386, %dma_start3A_389] : memref<8x128xi32, #tpu.memory_space<vmem>> -> memref<1x128xi32, #tpu.memory_space<vmem>>
      %dma_start3A_391 = tpu.memref_squeeze %dma_start3A_390 : memref<1x128xi32, #tpu.memory_space<vmem>> -> memref<128xi32, #tpu.memory_space<vmem>>
      %dma_start3A_392 = arith.constant 0 : i32
      %dma_start3A_393 = tpu.memref_slice %arg28[%dma_start3A_392] : memref<10240xf32, #tpu.memory_space<vmem_shared>> -> memref<10240xf32, #tpu.memory_space<vmem_shared>>
      tpu.enqueue_indirect_dma source(%dma_start3A_388 : memref<128xf32, #tpu.memory_space<vmem>>) target(%dma_start3A_393 : memref<10240xf32, #tpu.memory_space<vmem_shared>>) offsets(%dma_start3A_391 : memref<128xi32, #tpu.memory_space<vmem>>) semaphore(%arg31 : memref<!tpu.dma_semaphore, #tpu.memory_space<semaphore_mem>>) {add = true}
      %dma_start3A_394 = arith.constant 6 : i32
      %dma_start3A_395 = arith.constant 3840 : i32
      %dma_start3A_396 = tpu.memref_slice %arg14[%dma_start3A_395] : memref<4096xf32, #tpu.memory_space<vmem>> -> memref<128xf32, #tpu.memory_space<vmem>>
      %dma_start3A_397 = arith.constant 0 : i32
      %dma_start3A_398 = tpu.memref_slice %arg12[%dma_start3A_394, %dma_start3A_397] : memref<8x128xi32, #tpu.memory_space<vmem>> -> memref<1x128xi32, #tpu.memory_space<vmem>>
      %dma_start3A_399 = tpu.memref_squeeze %dma_start3A_398 : memref<1x128xi32, #tpu.memory_space<vmem>> -> memref<128xi32, #tpu.memory_space<vmem>>
      %dma_start3A_400 = arith.constant 0 : i32
      %dma_start3A_401 = tpu.memref_slice %arg28[%dma_start3A_400] : memref<10240xf32, #tpu.memory_space<vmem_shared>> -> memref<10240xf32, #tpu.memory_space<vmem_shared>>
      tpu.enqueue_indirect_dma source(%dma_start3A_396 : memref<128xf32, #tpu.memory_space<vmem>>) target(%dma_start3A_401 : memref<10240xf32, #tpu.memory_space<vmem_shared>>) offsets(%dma_start3A_399 : memref<128xi32, #tpu.memory_space<vmem>>) semaphore(%arg31 : memref<!tpu.dma_semaphore, #tpu.memory_space<semaphore_mem>>) {add = true}
      %dma_start3A_402 = arith.constant 7 : i32
      %dma_start3A_403 = arith.constant 3968 : i32
      %dma_start3A_404 = tpu.memref_slice %arg14[%dma_start3A_403] : memref<4096xf32, #tpu.memory_space<vmem>> -> memref<128xf32, #tpu.memory_space<vmem>>
      %dma_start3A_405 = arith.constant 0 : i32
      %dma_start3A_406 = tpu.memref_slice %arg12[%dma_start3A_402, %dma_start3A_405] : memref<8x128xi32, #tpu.memory_space<vmem>> -> memref<1x128xi32, #tpu.memory_space<vmem>>
      %dma_start3A_407 = tpu.memref_squeeze %dma_start3A_406 : memref<1x128xi32, #tpu.memory_space<vmem>> -> memref<128xi32, #tpu.memory_space<vmem>>
      %dma_start3A_408 = arith.constant 0 : i32
      %dma_start3A_409 = tpu.memref_slice %arg28[%dma_start3A_408] : memref<10240xf32, #tpu.memory_space<vmem_shared>> -> memref<10240xf32, #tpu.memory_space<vmem_shared>>
      tpu.enqueue_indirect_dma source(%dma_start3A_404 : memref<128xf32, #tpu.memory_space<vmem>>) target(%dma_start3A_409 : memref<10240xf32, #tpu.memory_space<vmem_shared>>) offsets(%dma_start3A_407 : memref<128xi32, #tpu.memory_space<vmem>>) semaphore(%arg31 : memref<!tpu.dma_semaphore, #tpu.memory_space<semaphore_mem>>) {add = true}
      %dma_wait3A_410 = arith.constant 0 : i32
      %dma_wait3A_411 = arith.constant 0 : i32
      %dma_wait3A_412 = tpu.memref_slice %arg14[%dma_wait3A_411] : memref<4096xf32, #tpu.memory_space<vmem>> -> memref<128xf32, #tpu.memory_space<vmem>>
      %dma_wait3A_413 = arith.constant 0 : i32
      %dma_wait3A_414 = tpu.memref_slice %arg12[%dma_wait3A_410, %dma_wait3A_413] : memref<8x128xi32, #tpu.memory_space<vmem>> -> memref<1x128xi32, #tpu.memory_space<vmem>>
      %dma_wait3A_415 = tpu.memref_squeeze %dma_wait3A_414 : memref<1x128xi32, #tpu.memory_space<vmem>> -> memref<128xi32, #tpu.memory_space<vmem>>
      %dma_wait3A_416 = arith.constant 0 : i32
      %dma_wait3A_417 = tpu.memref_slice %arg25[%dma_wait3A_416] : memref<10240xf32, #tpu.memory_space<vmem_shared>> -> memref<10240xf32, #tpu.memory_space<vmem_shared>>
      tpu.wait_indirect_dma semaphore(%arg31 : memref<!tpu.dma_semaphore, #tpu.memory_space<semaphore_mem>>) src(%dma_wait3A_412 : memref<128xf32, #tpu.memory_space<vmem>>) dst(%dma_wait3A_417 : memref<10240xf32, #tpu.memory_space<vmem_shared>>)
      %dma_wait3A_418 = arith.constant 1 : i32
      %dma_wait3A_419 = arith.constant 128 : i32
      %dma_wait3A_420 = tpu.memref_slice %arg14[%dma_wait3A_419] : memref<4096xf32, #tpu.memory_space<vmem>> -> memref<128xf32, #tpu.memory_space<vmem>>
      %dma_wait3A_421 = arith.constant 0 : i32
      %dma_wait3A_422 = tpu.memref_slice %arg12[%dma_wait3A_418, %dma_wait3A_421] : memref<8x128xi32, #tpu.memory_space<vmem>> -> memref<1x128xi32, #tpu.memory_space<vmem>>
      %dma_wait3A_423 = tpu.memref_squeeze %dma_wait3A_422 : memref<1x128xi32, #tpu.memory_space<vmem>> -> memref<128xi32, #tpu.memory_space<vmem>>
      %dma_wait3A_424 = arith.constant 0 : i32
      %dma_wait3A_425 = tpu.memref_slice %arg25[%dma_wait3A_424] : memref<10240xf32, #tpu.memory_space<vmem_shared>> -> memref<10240xf32, #tpu.memory_space<vmem_shared>>
      tpu.wait_indirect_dma semaphore(%arg31 : memref<!tpu.dma_semaphore, #tpu.memory_space<semaphore_mem>>) src(%dma_wait3A_420 : memref<128xf32, #tpu.memory_space<vmem>>) dst(%dma_wait3A_425 : memref<10240xf32, #tpu.memory_space<vmem_shared>>)
      %dma_wait3A_426 = arith.constant 2 : i32
      %dma_wait3A_427 = arith.constant 256 : i32
      %dma_wait3A_428 = tpu.memref_slice %arg14[%dma_wait3A_427] : memref<4096xf32, #tpu.memory_space<vmem>> -> memref<128xf32, #tpu.memory_space<vmem>>
      %dma_wait3A_429 = arith.constant 0 : i32
      %dma_wait3A_430 = tpu.memref_slice %arg12[%dma_wait3A_426, %dma_wait3A_429] : memref<8x128xi32, #tpu.memory_space<vmem>> -> memref<1x128xi32, #tpu.memory_space<vmem>>
      %dma_wait3A_431 = tpu.memref_squeeze %dma_wait3A_430 : memref<1x128xi32, #tpu.memory_space<vmem>> -> memref<128xi32, #tpu.memory_space<vmem>>
      %dma_wait3A_432 = arith.constant 0 : i32
      %dma_wait3A_433 = tpu.memref_slice %arg25[%dma_wait3A_432] : memref<10240xf32, #tpu.memory_space<vmem_shared>> -> memref<10240xf32, #tpu.memory_space<vmem_shared>>
      tpu.wait_indirect_dma semaphore(%arg31 : memref<!tpu.dma_semaphore, #tpu.memory_space<semaphore_mem>>) src(%dma_wait3A_428 : memref<128xf32, #tpu.memory_space<vmem>>) dst(%dma_wait3A_433 : memref<10240xf32, #tpu.memory_space<vmem_shared>>)
      %dma_wait3A_434 = arith.constant 3 : i32
      %dma_wait3A_435 = arith.constant 384 : i32
      %dma_wait3A_436 = tpu.memref_slice %arg14[%dma_wait3A_435] : memref<4096xf32, #tpu.memory_space<vmem>> -> memref<128xf32, #tpu.memory_space<vmem>>
      %dma_wait3A_437 = arith.constant 0 : i32
      %dma_wait3A_438 = tpu.memref_slice %arg12[%dma_wait3A_434, %dma_wait3A_437] : memref<8x128xi32, #tpu.memory_space<vmem>> -> memref<1x128xi32, #tpu.memory_space<vmem>>
      %dma_wait3A_439 = tpu.memref_squeeze %dma_wait3A_438 : memref<1x128xi32, #tpu.memory_space<vmem>> -> memref<128xi32, #tpu.memory_space<vmem>>
      %dma_wait3A_440 = arith.constant 0 : i32
      %dma_wait3A_441 = tpu.memref_slice %arg25[%dma_wait3A_440] : memref<10240xf32, #tpu.memory_space<vmem_shared>> -> memref<10240xf32, #tpu.memory_space<vmem_shared>>
      tpu.wait_indirect_dma semaphore(%arg31 : memref<!tpu.dma_semaphore, #tpu.memory_space<semaphore_mem>>) src(%dma_wait3A_436 : memref<128xf32, #tpu.memory_space<vmem>>) dst(%dma_wait3A_441 : memref<10240xf32, #tpu.memory_space<vmem_shared>>)
      %dma_wait3A_442 = arith.constant 4 : i32
      %dma_wait3A_443 = arith.constant 512 : i32
      %dma_wait3A_444 = tpu.memref_slice %arg14[%dma_wait3A_443] : memref<4096xf32, #tpu.memory_space<vmem>> -> memref<128xf32, #tpu.memory_space<vmem>>
      %dma_wait3A_445 = arith.constant 0 : i32
      %dma_wait3A_446 = tpu.memref_slice %arg12[%dma_wait3A_442, %dma_wait3A_445] : memref<8x128xi32, #tpu.memory_space<vmem>> -> memref<1x128xi32, #tpu.memory_space<vmem>>
      %dma_wait3A_447 = tpu.memref_squeeze %dma_wait3A_446 : memref<1x128xi32, #tpu.memory_space<vmem>> -> memref<128xi32, #tpu.memory_space<vmem>>
      %dma_wait3A_448 = arith.constant 0 : i32
      %dma_wait3A_449 = tpu.memref_slice %arg25[%dma_wait3A_448] : memref<10240xf32, #tpu.memory_space<vmem_shared>> -> memref<10240xf32, #tpu.memory_space<vmem_shared>>
      tpu.wait_indirect_dma semaphore(%arg31 : memref<!tpu.dma_semaphore, #tpu.memory_space<semaphore_mem>>) src(%dma_wait3A_444 : memref<128xf32, #tpu.memory_space<vmem>>) dst(%dma_wait3A_449 : memref<10240xf32, #tpu.memory_space<vmem_shared>>)
      %dma_wait3A_450 = arith.constant 5 : i32
      %dma_wait3A_451 = arith.constant 640 : i32
      %dma_wait3A_452 = tpu.memref_slice %arg14[%dma_wait3A_451] : memref<4096xf32, #tpu.memory_space<vmem>> -> memref<128xf32, #tpu.memory_space<vmem>>
      %dma_wait3A_453 = arith.constant 0 : i32
      %dma_wait3A_454 = tpu.memref_slice %arg12[%dma_wait3A_450, %dma_wait3A_453] : memref<8x128xi32, #tpu.memory_space<vmem>> -> memref<1x128xi32, #tpu.memory_space<vmem>>
      %dma_wait3A_455 = tpu.memref_squeeze %dma_wait3A_454 : memref<1x128xi32, #tpu.memory_space<vmem>> -> memref<128xi32, #tpu.memory_space<vmem>>
      %dma_wait3A_456 = arith.constant 0 : i32
      %dma_wait3A_457 = tpu.memref_slice %arg25[%dma_wait3A_456] : memref<10240xf32, #tpu.memory_space<vmem_shared>> -> memref<10240xf32, #tpu.memory_space<vmem_shared>>
      tpu.wait_indirect_dma semaphore(%arg31 : memref<!tpu.dma_semaphore, #tpu.memory_space<semaphore_mem>>) src(%dma_wait3A_452 : memref<128xf32, #tpu.memory_space<vmem>>) dst(%dma_wait3A_457 : memref<10240xf32, #tpu.memory_space<vmem_shared>>)
      %dma_wait3A_458 = arith.constant 6 : i32
      %dma_wait3A_459 = arith.constant 768 : i32
      %dma_wait3A_460 = tpu.memref_slice %arg14[%dma_wait3A_459] : memref<4096xf32, #tpu.memory_space<vmem>> -> memref<128xf32, #tpu.memory_space<vmem>>
      %dma_wait3A_461 = arith.constant 0 : i32
      %dma_wait3A_462 = tpu.memref_slice %arg12[%dma_wait3A_458, %dma_wait3A_461] : memref<8x128xi32, #tpu.memory_space<vmem>> -> memref<1x128xi32, #tpu.memory_space<vmem>>
      %dma_wait3A_463 = tpu.memref_squeeze %dma_wait3A_462 : memref<1x128xi32, #tpu.memory_space<vmem>> -> memref<128xi32, #tpu.memory_space<vmem>>
      %dma_wait3A_464 = arith.constant 0 : i32
      %dma_wait3A_465 = tpu.memref_slice %arg25[%dma_wait3A_464] : memref<10240xf32, #tpu.memory_space<vmem_shared>> -> memref<10240xf32, #tpu.memory_space<vmem_shared>>
      tpu.wait_indirect_dma semaphore(%arg31 : memref<!tpu.dma_semaphore, #tpu.memory_space<semaphore_mem>>) src(%dma_wait3A_460 : memref<128xf32, #tpu.memory_space<vmem>>) dst(%dma_wait3A_465 : memref<10240xf32, #tpu.memory_space<vmem_shared>>)
      %dma_wait3A_466 = arith.constant 7 : i32
      %dma_wait3A_467 = arith.constant 896 : i32
      %dma_wait3A_468 = tpu.memref_slice %arg14[%dma_wait3A_467] : memref<4096xf32, #tpu.memory_space<vmem>> -> memref<128xf32, #tpu.memory_space<vmem>>
      %dma_wait3A_469 = arith.constant 0 : i32
      %dma_wait3A_470 = tpu.memref_slice %arg12[%dma_wait3A_466, %dma_wait3A_469] : memref<8x128xi32, #tpu.memory_space<vmem>> -> memref<1x128xi32, #tpu.memory_space<vmem>>
      %dma_wait3A_471 = tpu.memref_squeeze %dma_wait3A_470 : memref<1x128xi32, #tpu.memory_space<vmem>> -> memref<128xi32, #tpu.memory_space<vmem>>
      %dma_wait3A_472 = arith.constant 0 : i32
      %dma_wait3A_473 = tpu.memref_slice %arg25[%dma_wait3A_472] : memref<10240xf32, #tpu.memory_space<vmem_shared>> -> memref<10240xf32, #tpu.memory_space<vmem_shared>>
      tpu.wait_indirect_dma semaphore(%arg31 : memref<!tpu.dma_semaphore, #tpu.memory_space<semaphore_mem>>) src(%dma_wait3A_468 : memref<128xf32, #tpu.memory_space<vmem>>) dst(%dma_wait3A_473 : memref<10240xf32, #tpu.memory_space<vmem_shared>>)
      %dma_wait3A_474 = arith.constant 0 : i32
      %dma_wait3A_475 = arith.constant 1024 : i32
      %dma_wait3A_476 = tpu.memref_slice %arg14[%dma_wait3A_475] : memref<4096xf32, #tpu.memory_space<vmem>> -> memref<128xf32, #tpu.memory_space<vmem>>
      %dma_wait3A_477 = arith.constant 0 : i32
      %dma_wait3A_478 = tpu.memref_slice %arg12[%dma_wait3A_474, %dma_wait3A_477] : memref<8x128xi32, #tpu.memory_space<vmem>> -> memref<1x128xi32, #tpu.memory_space<vmem>>
      %dma_wait3A_479 = tpu.memref_squeeze %dma_wait3A_478 : memref<1x128xi32, #tpu.memory_space<vmem>> -> memref<128xi32, #tpu.memory_space<vmem>>
      %dma_wait3A_480 = arith.constant 0 : i32
      %dma_wait3A_481 = tpu.memref_slice %arg26[%dma_wait3A_480] : memref<10240xf32, #tpu.memory_space<vmem_shared>> -> memref<10240xf32, #tpu.memory_space<vmem_shared>>
      tpu.wait_indirect_dma semaphore(%arg31 : memref<!tpu.dma_semaphore, #tpu.memory_space<semaphore_mem>>) src(%dma_wait3A_476 : memref<128xf32, #tpu.memory_space<vmem>>) dst(%dma_wait3A_481 : memref<10240xf32, #tpu.memory_space<vmem_shared>>)
      %dma_wait3A_482 = arith.constant 1 : i32
      %dma_wait3A_483 = arith.constant 1152 : i32
      %dma_wait3A_484 = tpu.memref_slice %arg14[%dma_wait3A_483] : memref<4096xf32, #tpu.memory_space<vmem>> -> memref<128xf32, #tpu.memory_space<vmem>>
      %dma_wait3A_485 = arith.constant 0 : i32
      %dma_wait3A_486 = tpu.memref_slice %arg12[%dma_wait3A_482, %dma_wait3A_485] : memref<8x128xi32, #tpu.memory_space<vmem>> -> memref<1x128xi32, #tpu.memory_space<vmem>>
      %dma_wait3A_487 = tpu.memref_squeeze %dma_wait3A_486 : memref<1x128xi32, #tpu.memory_space<vmem>> -> memref<128xi32, #tpu.memory_space<vmem>>
      %dma_wait3A_488 = arith.constant 0 : i32
      %dma_wait3A_489 = tpu.memref_slice %arg26[%dma_wait3A_488] : memref<10240xf32, #tpu.memory_space<vmem_shared>> -> memref<10240xf32, #tpu.memory_space<vmem_shared>>
      tpu.wait_indirect_dma semaphore(%arg31 : memref<!tpu.dma_semaphore, #tpu.memory_space<semaphore_mem>>) src(%dma_wait3A_484 : memref<128xf32, #tpu.memory_space<vmem>>) dst(%dma_wait3A_489 : memref<10240xf32, #tpu.memory_space<vmem_shared>>)
      %dma_wait3A_490 = arith.constant 2 : i32
      %dma_wait3A_491 = arith.constant 1280 : i32
      %dma_wait3A_492 = tpu.memref_slice %arg14[%dma_wait3A_491] : memref<4096xf32, #tpu.memory_space<vmem>> -> memref<128xf32, #tpu.memory_space<vmem>>
      %dma_wait3A_493 = arith.constant 0 : i32
      %dma_wait3A_494 = tpu.memref_slice %arg12[%dma_wait3A_490, %dma_wait3A_493] : memref<8x128xi32, #tpu.memory_space<vmem>> -> memref<1x128xi32, #tpu.memory_space<vmem>>
      %dma_wait3A_495 = tpu.memref_squeeze %dma_wait3A_494 : memref<1x128xi32, #tpu.memory_space<vmem>> -> memref<128xi32, #tpu.memory_space<vmem>>
      %dma_wait3A_496 = arith.constant 0 : i32
      %dma_wait3A_497 = tpu.memref_slice %arg26[%dma_wait3A_496] : memref<10240xf32, #tpu.memory_space<vmem_shared>> -> memref<10240xf32, #tpu.memory_space<vmem_shared>>
      tpu.wait_indirect_dma semaphore(%arg31 : memref<!tpu.dma_semaphore, #tpu.memory_space<semaphore_mem>>) src(%dma_wait3A_492 : memref<128xf32, #tpu.memory_space<vmem>>) dst(%dma_wait3A_497 : memref<10240xf32, #tpu.memory_space<vmem_shared>>)
      %dma_wait3A_498 = arith.constant 3 : i32
      %dma_wait3A_499 = arith.constant 1408 : i32
      %dma_wait3A_500 = tpu.memref_slice %arg14[%dma_wait3A_499] : memref<4096xf32, #tpu.memory_space<vmem>> -> memref<128xf32, #tpu.memory_space<vmem>>
      %dma_wait3A_501 = arith.constant 0 : i32
      %dma_wait3A_502 = tpu.memref_slice %arg12[%dma_wait3A_498, %dma_wait3A_501] : memref<8x128xi32, #tpu.memory_space<vmem>> -> memref<1x128xi32, #tpu.memory_space<vmem>>
      %dma_wait3A_503 = tpu.memref_squeeze %dma_wait3A_502 : memref<1x128xi32, #tpu.memory_space<vmem>> -> memref<128xi32, #tpu.memory_space<vmem>>
      %dma_wait3A_504 = arith.constant 0 : i32
      %dma_wait3A_505 = tpu.memref_slice %arg26[%dma_wait3A_504] : memref<10240xf32, #tpu.memory_space<vmem_shared>> -> memref<10240xf32, #tpu.memory_space<vmem_shared>>
      tpu.wait_indirect_dma semaphore(%arg31 : memref<!tpu.dma_semaphore, #tpu.memory_space<semaphore_mem>>) src(%dma_wait3A_500 : memref<128xf32, #tpu.memory_space<vmem>>) dst(%dma_wait3A_505 : memref<10240xf32, #tpu.memory_space<vmem_shared>>)
      %dma_wait3A_506 = arith.constant 4 : i32
      %dma_wait3A_507 = arith.constant 1536 : i32
      %dma_wait3A_508 = tpu.memref_slice %arg14[%dma_wait3A_507] : memref<4096xf32, #tpu.memory_space<vmem>> -> memref<128xf32, #tpu.memory_space<vmem>>
      %dma_wait3A_509 = arith.constant 0 : i32
      %dma_wait3A_510 = tpu.memref_slice %arg12[%dma_wait3A_506, %dma_wait3A_509] : memref<8x128xi32, #tpu.memory_space<vmem>> -> memref<1x128xi32, #tpu.memory_space<vmem>>
      %dma_wait3A_511 = tpu.memref_squeeze %dma_wait3A_510 : memref<1x128xi32, #tpu.memory_space<vmem>> -> memref<128xi32, #tpu.memory_space<vmem>>
      %dma_wait3A_512 = arith.constant 0 : i32
      %dma_wait3A_513 = tpu.memref_slice %arg26[%dma_wait3A_512] : memref<10240xf32, #tpu.memory_space<vmem_shared>> -> memref<10240xf32, #tpu.memory_space<vmem_shared>>
      tpu.wait_indirect_dma semaphore(%arg31 : memref<!tpu.dma_semaphore, #tpu.memory_space<semaphore_mem>>) src(%dma_wait3A_508 : memref<128xf32, #tpu.memory_space<vmem>>) dst(%dma_wait3A_513 : memref<10240xf32, #tpu.memory_space<vmem_shared>>)
      %dma_wait3A_514 = arith.constant 5 : i32
      %dma_wait3A_515 = arith.constant 1664 : i32
      %dma_wait3A_516 = tpu.memref_slice %arg14[%dma_wait3A_515] : memref<4096xf32, #tpu.memory_space<vmem>> -> memref<128xf32, #tpu.memory_space<vmem>>
      %dma_wait3A_517 = arith.constant 0 : i32
      %dma_wait3A_518 = tpu.memref_slice %arg12[%dma_wait3A_514, %dma_wait3A_517] : memref<8x128xi32, #tpu.memory_space<vmem>> -> memref<1x128xi32, #tpu.memory_space<vmem>>
      %dma_wait3A_519 = tpu.memref_squeeze %dma_wait3A_518 : memref<1x128xi32, #tpu.memory_space<vmem>> -> memref<128xi32, #tpu.memory_space<vmem>>
      %dma_wait3A_520 = arith.constant 0 : i32
      %dma_wait3A_521 = tpu.memref_slice %arg26[%dma_wait3A_520] : memref<10240xf32, #tpu.memory_space<vmem_shared>> -> memref<10240xf32, #tpu.memory_space<vmem_shared>>
      tpu.wait_indirect_dma semaphore(%arg31 : memref<!tpu.dma_semaphore, #tpu.memory_space<semaphore_mem>>) src(%dma_wait3A_516 : memref<128xf32, #tpu.memory_space<vmem>>) dst(%dma_wait3A_521 : memref<10240xf32, #tpu.memory_space<vmem_shared>>)
      %dma_wait3A_522 = arith.constant 6 : i32
      %dma_wait3A_523 = arith.constant 1792 : i32
      %dma_wait3A_524 = tpu.memref_slice %arg14[%dma_wait3A_523] : memref<4096xf32, #tpu.memory_space<vmem>> -> memref<128xf32, #tpu.memory_space<vmem>>
      %dma_wait3A_525 = arith.constant 0 : i32
      %dma_wait3A_526 = tpu.memref_slice %arg12[%dma_wait3A_522, %dma_wait3A_525] : memref<8x128xi32, #tpu.memory_space<vmem>> -> memref<1x128xi32, #tpu.memory_space<vmem>>
      %dma_wait3A_527 = tpu.memref_squeeze %dma_wait3A_526 : memref<1x128xi32, #tpu.memory_space<vmem>> -> memref<128xi32, #tpu.memory_space<vmem>>
      %dma_wait3A_528 = arith.constant 0 : i32
      %dma_wait3A_529 = tpu.memref_slice %arg26[%dma_wait3A_528] : memref<10240xf32, #tpu.memory_space<vmem_shared>> -> memref<10240xf32, #tpu.memory_space<vmem_shared>>
      tpu.wait_indirect_dma semaphore(%arg31 : memref<!tpu.dma_semaphore, #tpu.memory_space<semaphore_mem>>) src(%dma_wait3A_524 : memref<128xf32, #tpu.memory_space<vmem>>) dst(%dma_wait3A_529 : memref<10240xf32, #tpu.memory_space<vmem_shared>>)
      %dma_wait3A_530 = arith.constant 7 : i32
      %dma_wait3A_531 = arith.constant 1920 : i32
      %dma_wait3A_532 = tpu.memref_slice %arg14[%dma_wait3A_531] : memref<4096xf32, #tpu.memory_space<vmem>> -> memref<128xf32, #tpu.memory_space<vmem>>
      %dma_wait3A_533 = arith.constant 0 : i32
      %dma_wait3A_534 = tpu.memref_slice %arg12[%dma_wait3A_530, %dma_wait3A_533] : memref<8x128xi32, #tpu.memory_space<vmem>> -> memref<1x128xi32, #tpu.memory_space<vmem>>
      %dma_wait3A_535 = tpu.memref_squeeze %dma_wait3A_534 : memref<1x128xi32, #tpu.memory_space<vmem>> -> memref<128xi32, #tpu.memory_space<vmem>>
      %dma_wait3A_536 = arith.constant 0 : i32
      %dma_wait3A_537 = tpu.memref_slice %arg26[%dma_wait3A_536] : memref<10240xf32, #tpu.memory_space<vmem_shared>> -> memref<10240xf32, #tpu.memory_space<vmem_shared>>
      tpu.wait_indirect_dma semaphore(%arg31 : memref<!tpu.dma_semaphore, #tpu.memory_space<semaphore_mem>>) src(%dma_wait3A_532 : memref<128xf32, #tpu.memory_space<vmem>>) dst(%dma_wait3A_537 : memref<10240xf32, #tpu.memory_space<vmem_shared>>)
      %dma_wait3A_538 = arith.constant 0 : i32
      %dma_wait3A_539 = arith.constant 2048 : i32
      %dma_wait3A_540 = tpu.memref_slice %arg14[%dma_wait3A_539] : memref<4096xf32, #tpu.memory_space<vmem>> -> memref<128xf32, #tpu.memory_space<vmem>>
      %dma_wait3A_541 = arith.constant 0 : i32
      %dma_wait3A_542 = tpu.memref_slice %arg12[%dma_wait3A_538, %dma_wait3A_541] : memref<8x128xi32, #tpu.memory_space<vmem>> -> memref<1x128xi32, #tpu.memory_space<vmem>>
      %dma_wait3A_543 = tpu.memref_squeeze %dma_wait3A_542 : memref<1x128xi32, #tpu.memory_space<vmem>> -> memref<128xi32, #tpu.memory_space<vmem>>
      %dma_wait3A_544 = arith.constant 0 : i32
      %dma_wait3A_545 = tpu.memref_slice %arg27[%dma_wait3A_544] : memref<10240xf32, #tpu.memory_space<vmem_shared>> -> memref<10240xf32, #tpu.memory_space<vmem_shared>>
      tpu.wait_indirect_dma semaphore(%arg31 : memref<!tpu.dma_semaphore, #tpu.memory_space<semaphore_mem>>) src(%dma_wait3A_540 : memref<128xf32, #tpu.memory_space<vmem>>) dst(%dma_wait3A_545 : memref<10240xf32, #tpu.memory_space<vmem_shared>>)
      %dma_wait3A_546 = arith.constant 1 : i32
      %dma_wait3A_547 = arith.constant 2176 : i32
      %dma_wait3A_548 = tpu.memref_slice %arg14[%dma_wait3A_547] : memref<4096xf32, #tpu.memory_space<vmem>> -> memref<128xf32, #tpu.memory_space<vmem>>
      %dma_wait3A_549 = arith.constant 0 : i32
      %dma_wait3A_550 = tpu.memref_slice %arg12[%dma_wait3A_546, %dma_wait3A_549] : memref<8x128xi32, #tpu.memory_space<vmem>> -> memref<1x128xi32, #tpu.memory_space<vmem>>
      %dma_wait3A_551 = tpu.memref_squeeze %dma_wait3A_550 : memref<1x128xi32, #tpu.memory_space<vmem>> -> memref<128xi32, #tpu.memory_space<vmem>>
      %dma_wait3A_552 = arith.constant 0 : i32
      %dma_wait3A_553 = tpu.memref_slice %arg27[%dma_wait3A_552] : memref<10240xf32, #tpu.memory_space<vmem_shared>> -> memref<10240xf32, #tpu.memory_space<vmem_shared>>
      tpu.wait_indirect_dma semaphore(%arg31 : memref<!tpu.dma_semaphore, #tpu.memory_space<semaphore_mem>>) src(%dma_wait3A_548 : memref<128xf32, #tpu.memory_space<vmem>>) dst(%dma_wait3A_553 : memref<10240xf32, #tpu.memory_space<vmem_shared>>)
      %dma_wait3A_554 = arith.constant 2 : i32
      %dma_wait3A_555 = arith.constant 2304 : i32
      %dma_wait3A_556 = tpu.memref_slice %arg14[%dma_wait3A_555] : memref<4096xf32, #tpu.memory_space<vmem>> -> memref<128xf32, #tpu.memory_space<vmem>>
      %dma_wait3A_557 = arith.constant 0 : i32
      %dma_wait3A_558 = tpu.memref_slice %arg12[%dma_wait3A_554, %dma_wait3A_557] : memref<8x128xi32, #tpu.memory_space<vmem>> -> memref<1x128xi32, #tpu.memory_space<vmem>>
      %dma_wait3A_559 = tpu.memref_squeeze %dma_wait3A_558 : memref<1x128xi32, #tpu.memory_space<vmem>> -> memref<128xi32, #tpu.memory_space<vmem>>
      %dma_wait3A_560 = arith.constant 0 : i32
      %dma_wait3A_561 = tpu.memref_slice %arg27[%dma_wait3A_560] : memref<10240xf32, #tpu.memory_space<vmem_shared>> -> memref<10240xf32, #tpu.memory_space<vmem_shared>>
      tpu.wait_indirect_dma semaphore(%arg31 : memref<!tpu.dma_semaphore, #tpu.memory_space<semaphore_mem>>) src(%dma_wait3A_556 : memref<128xf32, #tpu.memory_space<vmem>>) dst(%dma_wait3A_561 : memref<10240xf32, #tpu.memory_space<vmem_shared>>)
      %dma_wait3A_562 = arith.constant 3 : i32
      %dma_wait3A_563 = arith.constant 2432 : i32
      %dma_wait3A_564 = tpu.memref_slice %arg14[%dma_wait3A_563] : memref<4096xf32, #tpu.memory_space<vmem>> -> memref<128xf32, #tpu.memory_space<vmem>>
      %dma_wait3A_565 = arith.constant 0 : i32
      %dma_wait3A_566 = tpu.memref_slice %arg12[%dma_wait3A_562, %dma_wait3A_565] : memref<8x128xi32, #tpu.memory_space<vmem>> -> memref<1x128xi32, #tpu.memory_space<vmem>>
      %dma_wait3A_567 = tpu.memref_squeeze %dma_wait3A_566 : memref<1x128xi32, #tpu.memory_space<vmem>> -> memref<128xi32, #tpu.memory_space<vmem>>
      %dma_wait3A_568 = arith.constant 0 : i32
      %dma_wait3A_569 = tpu.memref_slice %arg27[%dma_wait3A_568] : memref<10240xf32, #tpu.memory_space<vmem_shared>> -> memref<10240xf32, #tpu.memory_space<vmem_shared>>
      tpu.wait_indirect_dma semaphore(%arg31 : memref<!tpu.dma_semaphore, #tpu.memory_space<semaphore_mem>>) src(%dma_wait3A_564 : memref<128xf32, #tpu.memory_space<vmem>>) dst(%dma_wait3A_569 : memref<10240xf32, #tpu.memory_space<vmem_shared>>)
      %dma_wait3A_570 = arith.constant 4 : i32
      %dma_wait3A_571 = arith.constant 2560 : i32
      %dma_wait3A_572 = tpu.memref_slice %arg14[%dma_wait3A_571] : memref<4096xf32, #tpu.memory_space<vmem>> -> memref<128xf32, #tpu.memory_space<vmem>>
      %dma_wait3A_573 = arith.constant 0 : i32
      %dma_wait3A_574 = tpu.memref_slice %arg12[%dma_wait3A_570, %dma_wait3A_573] : memref<8x128xi32, #tpu.memory_space<vmem>> -> memref<1x128xi32, #tpu.memory_space<vmem>>
      %dma_wait3A_575 = tpu.memref_squeeze %dma_wait3A_574 : memref<1x128xi32, #tpu.memory_space<vmem>> -> memref<128xi32, #tpu.memory_space<vmem>>
      %dma_wait3A_576 = arith.constant 0 : i32
      %dma_wait3A_577 = tpu.memref_slice %arg27[%dma_wait3A_576] : memref<10240xf32, #tpu.memory_space<vmem_shared>> -> memref<10240xf32, #tpu.memory_space<vmem_shared>>
      tpu.wait_indirect_dma semaphore(%arg31 : memref<!tpu.dma_semaphore, #tpu.memory_space<semaphore_mem>>) src(%dma_wait3A_572 : memref<128xf32, #tpu.memory_space<vmem>>) dst(%dma_wait3A_577 : memref<10240xf32, #tpu.memory_space<vmem_shared>>)
      %dma_wait3A_578 = arith.constant 5 : i32
      %dma_wait3A_579 = arith.constant 2688 : i32
      %dma_wait3A_580 = tpu.memref_slice %arg14[%dma_wait3A_579] : memref<4096xf32, #tpu.memory_space<vmem>> -> memref<128xf32, #tpu.memory_space<vmem>>
      %dma_wait3A_581 = arith.constant 0 : i32
      %dma_wait3A_582 = tpu.memref_slice %arg12[%dma_wait3A_578, %dma_wait3A_581] : memref<8x128xi32, #tpu.memory_space<vmem>> -> memref<1x128xi32, #tpu.memory_space<vmem>>
      %dma_wait3A_583 = tpu.memref_squeeze %dma_wait3A_582 : memref<1x128xi32, #tpu.memory_space<vmem>> -> memref<128xi32, #tpu.memory_space<vmem>>
      %dma_wait3A_584 = arith.constant 0 : i32
      %dma_wait3A_585 = tpu.memref_slice %arg27[%dma_wait3A_584] : memref<10240xf32, #tpu.memory_space<vmem_shared>> -> memref<10240xf32, #tpu.memory_space<vmem_shared>>
      tpu.wait_indirect_dma semaphore(%arg31 : memref<!tpu.dma_semaphore, #tpu.memory_space<semaphore_mem>>) src(%dma_wait3A_580 : memref<128xf32, #tpu.memory_space<vmem>>) dst(%dma_wait3A_585 : memref<10240xf32, #tpu.memory_space<vmem_shared>>)
      %dma_wait3A_586 = arith.constant 6 : i32
      %dma_wait3A_587 = arith.constant 2816 : i32
      %dma_wait3A_588 = tpu.memref_slice %arg14[%dma_wait3A_587] : memref<4096xf32, #tpu.memory_space<vmem>> -> memref<128xf32, #tpu.memory_space<vmem>>
      %dma_wait3A_589 = arith.constant 0 : i32
      %dma_wait3A_590 = tpu.memref_slice %arg12[%dma_wait3A_586, %dma_wait3A_589] : memref<8x128xi32, #tpu.memory_space<vmem>> -> memref<1x128xi32, #tpu.memory_space<vmem>>
      %dma_wait3A_591 = tpu.memref_squeeze %dma_wait3A_590 : memref<1x128xi32, #tpu.memory_space<vmem>> -> memref<128xi32, #tpu.memory_space<vmem>>
      %dma_wait3A_592 = arith.constant 0 : i32
      %dma_wait3A_593 = tpu.memref_slice %arg27[%dma_wait3A_592] : memref<10240xf32, #tpu.memory_space<vmem_shared>> -> memref<10240xf32, #tpu.memory_space<vmem_shared>>
      tpu.wait_indirect_dma semaphore(%arg31 : memref<!tpu.dma_semaphore, #tpu.memory_space<semaphore_mem>>) src(%dma_wait3A_588 : memref<128xf32, #tpu.memory_space<vmem>>) dst(%dma_wait3A_593 : memref<10240xf32, #tpu.memory_space<vmem_shared>>)
      %dma_wait3A_594 = arith.constant 7 : i32
      %dma_wait3A_595 = arith.constant 2944 : i32
      %dma_wait3A_596 = tpu.memref_slice %arg14[%dma_wait3A_595] : memref<4096xf32, #tpu.memory_space<vmem>> -> memref<128xf32, #tpu.memory_space<vmem>>
      %dma_wait3A_597 = arith.constant 0 : i32
      %dma_wait3A_598 = tpu.memref_slice %arg12[%dma_wait3A_594, %dma_wait3A_597] : memref<8x128xi32, #tpu.memory_space<vmem>> -> memref<1x128xi32, #tpu.memory_space<vmem>>
      %dma_wait3A_599 = tpu.memref_squeeze %dma_wait3A_598 : memref<1x128xi32, #tpu.memory_space<vmem>> -> memref<128xi32, #tpu.memory_space<vmem>>
      %dma_wait3A_600 = arith.constant 0 : i32
      %dma_wait3A_601 = tpu.memref_slice %arg27[%dma_wait3A_600] : memref<10240xf32, #tpu.memory_space<vmem_shared>> -> memref<10240xf32, #tpu.memory_space<vmem_shared>>
      tpu.wait_indirect_dma semaphore(%arg31 : memref<!tpu.dma_semaphore, #tpu.memory_space<semaphore_mem>>) src(%dma_wait3A_596 : memref<128xf32, #tpu.memory_space<vmem>>) dst(%dma_wait3A_601 : memref<10240xf32, #tpu.memory_space<vmem_shared>>)
      %dma_wait3A_602 = arith.constant 0 : i32
      %dma_wait3A_603 = arith.constant 3072 : i32
      %dma_wait3A_604 = tpu.memref_slice %arg14[%dma_wait3A_603] : memref<4096xf32, #tpu.memory_space<vmem>> -> memref<128xf32, #tpu.memory_space<vmem>>
      %dma_wait3A_605 = arith.constant 0 : i32
      %dma_wait3A_606 = tpu.memref_slice %arg12[%dma_wait3A_602, %dma_wait3A_605] : memref<8x128xi32, #tpu.memory_space<vmem>> -> memref<1x128xi32, #tpu.memory_space<vmem>>
      %dma_wait3A_607 = tpu.memref_squeeze %dma_wait3A_606 : memref<1x128xi32, #tpu.memory_space<vmem>> -> memref<128xi32, #tpu.memory_space<vmem>>
      %dma_wait3A_608 = arith.constant 0 : i32
      %dma_wait3A_609 = tpu.memref_slice %arg28[%dma_wait3A_608] : memref<10240xf32, #tpu.memory_space<vmem_shared>> -> memref<10240xf32, #tpu.memory_space<vmem_shared>>
      tpu.wait_indirect_dma semaphore(%arg31 : memref<!tpu.dma_semaphore, #tpu.memory_space<semaphore_mem>>) src(%dma_wait3A_604 : memref<128xf32, #tpu.memory_space<vmem>>) dst(%dma_wait3A_609 : memref<10240xf32, #tpu.memory_space<vmem_shared>>)
      %dma_wait3A_610 = arith.constant 1 : i32
      %dma_wait3A_611 = arith.constant 3200 : i32
      %dma_wait3A_612 = tpu.memref_slice %arg14[%dma_wait3A_611] : memref<4096xf32, #tpu.memory_space<vmem>> -> memref<128xf32, #tpu.memory_space<vmem>>
      %dma_wait3A_613 = arith.constant 0 : i32
      %dma_wait3A_614 = tpu.memref_slice %arg12[%dma_wait3A_610, %dma_wait3A_613] : memref<8x128xi32, #tpu.memory_space<vmem>> -> memref<1x128xi32, #tpu.memory_space<vmem>>
      %dma_wait3A_615 = tpu.memref_squeeze %dma_wait3A_614 : memref<1x128xi32, #tpu.memory_space<vmem>> -> memref<128xi32, #tpu.memory_space<vmem>>
      %dma_wait3A_616 = arith.constant 0 : i32
      %dma_wait3A_617 = tpu.memref_slice %arg28[%dma_wait3A_616] : memref<10240xf32, #tpu.memory_space<vmem_shared>> -> memref<10240xf32, #tpu.memory_space<vmem_shared>>
      tpu.wait_indirect_dma semaphore(%arg31 : memref<!tpu.dma_semaphore, #tpu.memory_space<semaphore_mem>>) src(%dma_wait3A_612 : memref<128xf32, #tpu.memory_space<vmem>>) dst(%dma_wait3A_617 : memref<10240xf32, #tpu.memory_space<vmem_shared>>)
      %dma_wait3A_618 = arith.constant 2 : i32
      %dma_wait3A_619 = arith.constant 3328 : i32
      %dma_wait3A_620 = tpu.memref_slice %arg14[%dma_wait3A_619] : memref<4096xf32, #tpu.memory_space<vmem>> -> memref<128xf32, #tpu.memory_space<vmem>>
      %dma_wait3A_621 = arith.constant 0 : i32
      %dma_wait3A_622 = tpu.memref_slice %arg12[%dma_wait3A_618, %dma_wait3A_621] : memref<8x128xi32, #tpu.memory_space<vmem>> -> memref<1x128xi32, #tpu.memory_space<vmem>>
      %dma_wait3A_623 = tpu.memref_squeeze %dma_wait3A_622 : memref<1x128xi32, #tpu.memory_space<vmem>> -> memref<128xi32, #tpu.memory_space<vmem>>
      %dma_wait3A_624 = arith.constant 0 : i32
      %dma_wait3A_625 = tpu.memref_slice %arg28[%dma_wait3A_624] : memref<10240xf32, #tpu.memory_space<vmem_shared>> -> memref<10240xf32, #tpu.memory_space<vmem_shared>>
      tpu.wait_indirect_dma semaphore(%arg31 : memref<!tpu.dma_semaphore, #tpu.memory_space<semaphore_mem>>) src(%dma_wait3A_620 : memref<128xf32, #tpu.memory_space<vmem>>) dst(%dma_wait3A_625 : memref<10240xf32, #tpu.memory_space<vmem_shared>>)
      %dma_wait3A_626 = arith.constant 3 : i32
      %dma_wait3A_627 = arith.constant 3456 : i32
      %dma_wait3A_628 = tpu.memref_slice %arg14[%dma_wait3A_627] : memref<4096xf32, #tpu.memory_space<vmem>> -> memref<128xf32, #tpu.memory_space<vmem>>
      %dma_wait3A_629 = arith.constant 0 : i32
      %dma_wait3A_630 = tpu.memref_slice %arg12[%dma_wait3A_626, %dma_wait3A_629] : memref<8x128xi32, #tpu.memory_space<vmem>> -> memref<1x128xi32, #tpu.memory_space<vmem>>
      %dma_wait3A_631 = tpu.memref_squeeze %dma_wait3A_630 : memref<1x128xi32, #tpu.memory_space<vmem>> -> memref<128xi32, #tpu.memory_space<vmem>>
      %dma_wait3A_632 = arith.constant 0 : i32
      %dma_wait3A_633 = tpu.memref_slice %arg28[%dma_wait3A_632] : memref<10240xf32, #tpu.memory_space<vmem_shared>> -> memref<10240xf32, #tpu.memory_space<vmem_shared>>
      tpu.wait_indirect_dma semaphore(%arg31 : memref<!tpu.dma_semaphore, #tpu.memory_space<semaphore_mem>>) src(%dma_wait3A_628 : memref<128xf32, #tpu.memory_space<vmem>>) dst(%dma_wait3A_633 : memref<10240xf32, #tpu.memory_space<vmem_shared>>)
      %dma_wait3A_634 = arith.constant 4 : i32
      %dma_wait3A_635 = arith.constant 3584 : i32
      %dma_wait3A_636 = tpu.memref_slice %arg14[%dma_wait3A_635] : memref<4096xf32, #tpu.memory_space<vmem>> -> memref<128xf32, #tpu.memory_space<vmem>>
      %dma_wait3A_637 = arith.constant 0 : i32
      %dma_wait3A_638 = tpu.memref_slice %arg12[%dma_wait3A_634, %dma_wait3A_637] : memref<8x128xi32, #tpu.memory_space<vmem>> -> memref<1x128xi32, #tpu.memory_space<vmem>>
      %dma_wait3A_639 = tpu.memref_squeeze %dma_wait3A_638 : memref<1x128xi32, #tpu.memory_space<vmem>> -> memref<128xi32, #tpu.memory_space<vmem>>
      %dma_wait3A_640 = arith.constant 0 : i32
      %dma_wait3A_641 = tpu.memref_slice %arg28[%dma_wait3A_640] : memref<10240xf32, #tpu.memory_space<vmem_shared>> -> memref<10240xf32, #tpu.memory_space<vmem_shared>>
      tpu.wait_indirect_dma semaphore(%arg31 : memref<!tpu.dma_semaphore, #tpu.memory_space<semaphore_mem>>) src(%dma_wait3A_636 : memref<128xf32, #tpu.memory_space<vmem>>) dst(%dma_wait3A_641 : memref<10240xf32, #tpu.memory_space<vmem_shared>>)
      %dma_wait3A_642 = arith.constant 5 : i32
      %dma_wait3A_643 = arith.constant 3712 : i32
      %dma_wait3A_644 = tpu.memref_slice %arg14[%dma_wait3A_643] : memref<4096xf32, #tpu.memory_space<vmem>> -> memref<128xf32, #tpu.memory_space<vmem>>
      %dma_wait3A_645 = arith.constant 0 : i32
      %dma_wait3A_646 = tpu.memref_slice %arg12[%dma_wait3A_642, %dma_wait3A_645] : memref<8x128xi32, #tpu.memory_space<vmem>> -> memref<1x128xi32, #tpu.memory_space<vmem>>
      %dma_wait3A_647 = tpu.memref_squeeze %dma_wait3A_646 : memref<1x128xi32, #tpu.memory_space<vmem>> -> memref<128xi32, #tpu.memory_space<vmem>>
      %dma_wait3A_648 = arith.constant 0 : i32
      %dma_wait3A_649 = tpu.memref_slice %arg28[%dma_wait3A_648] : memref<10240xf32, #tpu.memory_space<vmem_shared>> -> memref<10240xf32, #tpu.memory_space<vmem_shared>>
      tpu.wait_indirect_dma semaphore(%arg31 : memref<!tpu.dma_semaphore, #tpu.memory_space<semaphore_mem>>) src(%dma_wait3A_644 : memref<128xf32, #tpu.memory_space<vmem>>) dst(%dma_wait3A_649 : memref<10240xf32, #tpu.memory_space<vmem_shared>>)
      %dma_wait3A_650 = arith.constant 6 : i32
      %dma_wait3A_651 = arith.constant 3840 : i32
      %dma_wait3A_652 = tpu.memref_slice %arg14[%dma_wait3A_651] : memref<4096xf32, #tpu.memory_space<vmem>> -> memref<128xf32, #tpu.memory_space<vmem>>
      %dma_wait3A_653 = arith.constant 0 : i32
      %dma_wait3A_654 = tpu.memref_slice %arg12[%dma_wait3A_650, %dma_wait3A_653] : memref<8x128xi32, #tpu.memory_space<vmem>> -> memref<1x128xi32, #tpu.memory_space<vmem>>
      %dma_wait3A_655 = tpu.memref_squeeze %dma_wait3A_654 : memref<1x128xi32, #tpu.memory_space<vmem>> -> memref<128xi32, #tpu.memory_space<vmem>>
      %dma_wait3A_656 = arith.constant 0 : i32
      %dma_wait3A_657 = tpu.memref_slice %arg28[%dma_wait3A_656] : memref<10240xf32, #tpu.memory_space<vmem_shared>> -> memref<10240xf32, #tpu.memory_space<vmem_shared>>
      tpu.wait_indirect_dma semaphore(%arg31 : memref<!tpu.dma_semaphore, #tpu.memory_space<semaphore_mem>>) src(%dma_wait3A_652 : memref<128xf32, #tpu.memory_space<vmem>>) dst(%dma_wait3A_657 : memref<10240xf32, #tpu.memory_space<vmem_shared>>)
      %dma_wait3A_658 = arith.constant 7 : i32
      %dma_wait3A_659 = arith.constant 3968 : i32
      %dma_wait3A_660 = tpu.memref_slice %arg14[%dma_wait3A_659] : memref<4096xf32, #tpu.memory_space<vmem>> -> memref<128xf32, #tpu.memory_space<vmem>>
      %dma_wait3A_661 = arith.constant 0 : i32
      %dma_wait3A_662 = tpu.memref_slice %arg12[%dma_wait3A_658, %dma_wait3A_661] : memref<8x128xi32, #tpu.memory_space<vmem>> -> memref<1x128xi32, #tpu.memory_space<vmem>>
      %dma_wait3A_663 = tpu.memref_squeeze %dma_wait3A_662 : memref<1x128xi32, #tpu.memory_space<vmem>> -> memref<128xi32, #tpu.memory_space<vmem>>
      %dma_wait3A_664 = arith.constant 0 : i32
      %dma_wait3A_665 = tpu.memref_slice %arg28[%dma_wait3A_664] : memref<10240xf32, #tpu.memory_space<vmem_shared>> -> memref<10240xf32, #tpu.memory_space<vmem_shared>>
      tpu.wait_indirect_dma semaphore(%arg31 : memref<!tpu.dma_semaphore, #tpu.memory_space<semaphore_mem>>) src(%dma_wait3A_660 : memref<128xf32, #tpu.memory_space<vmem>>) dst(%dma_wait3A_665 : memref<10240xf32, #tpu.memory_space<vmem_shared>>)
    }
    %scan3A_36 = arith.constant 20 : i32
    %barrier3A_37 = arith.constant 0 : index
    tpu.barrier barrier_id(%barrier3A_37)
    %scan3A_38 = arith.constant 0 : i32
    %scan3A_39 = arith.constant 10 : i32
    %scan3A_40 = arith.addi %scan3A_38, %scan3A_39 : i32
    %scan3A_41 = arith.constant 1 : i32
    scf.for %scan3A_59 = %scan3A_38 to %scan3A_40 step %scan3A_41  : i32 {
      %mul3A_60 = arith.constant 1 : i32
      %mul3A_61 = arith.muli %scan3A_59, %mul3A_60 : i32
      %add3A_62 = arith.constant 0 : i32
      %add3A_63 = arith.addi %add3A_62, %mul3A_61 : i32
      %mul3A_64 = arith.constant 20480 : i32
      %mul3A_65 = arith.muli %arg1, %mul3A_64 : i32
      %mul3A_66 = arith.constant 10240 : i32
      %mul3A_67 = arith.muli %arg0, %mul3A_66 : i32
      %add3A_68 = arith.addi %mul3A_65, %mul3A_67 : i32
      %mul3A_69 = arith.constant 1024 : i32
      %mul3A_70 = arith.muli %add3A_63, %mul3A_69 : i32
      %add3A_71 = arith.addi %add3A_68, %mul3A_70 : i32
      %multiple_of3A_72 = tpu.assume_multiple %add3A_71, 1024 : i32
      "tpu.region"() ({
        %run_scoped3A_219 = tpu.sem_alloc : memref<!tpu.dma_semaphore, #tpu.memory_space<semaphore_mem>>
        %dma_start3A_220 = tpu.memref_slice %arg4[%multiple_of3A_72] : memref<327680xi32, #tpu.memory_space<hbm>> -> memref<1024xi32, #tpu.memory_space<hbm>>
        %dma_start3A_221 = tpu.memref_slice %arg4[%multiple_of3A_72] : memref<327680xi32, #tpu.memory_space<hbm>> -> memref<1024xi32, #tpu.memory_space<hbm>>
        tpu.enqueue_dma source(%dma_start3A_221 : memref<1024xi32, #tpu.memory_space<hbm>>) target(%arg9 : memref<1024xi32, #tpu.memory_space<vmem>>) target_semaphore(%run_scoped3A_219 : memref<!tpu.dma_semaphore, #tpu.memory_space<semaphore_mem>>)
        %dma_wait3A_222 = tpu.memref_slice %arg4[%multiple_of3A_72] : memref<327680xi32, #tpu.memory_space<hbm>> -> memref<1024xi32, #tpu.memory_space<hbm>>
        %dma_wait3A_223 = tpu.memref_slice %arg4[%multiple_of3A_72] : memref<327680xi32, #tpu.memory_space<hbm>> -> memref<1024xi32, #tpu.memory_space<hbm>>
        tpu.wait_dma2 semaphore(%run_scoped3A_219 : memref<!tpu.dma_semaphore, #tpu.memory_space<semaphore_mem>>) src(%dma_wait3A_223 : memref<1024xi32, #tpu.memory_space<hbm>>) dst(%arg9 : memref<1024xi32, #tpu.memory_space<vmem>>)
        tpu.yield
      }) : () -> ()
      "tpu.region"() ({
        %run_scoped3A_219 = tpu.sem_alloc : memref<!tpu.dma_semaphore, #tpu.memory_space<semaphore_mem>>
        %dma_start3A_220 = tpu.memref_slice %arg5[%multiple_of3A_72] : memref<327680xi32, #tpu.memory_space<hbm>> -> memref<1024xi32, #tpu.memory_space<hbm>>
        %dma_start3A_221 = tpu.memref_slice %arg5[%multiple_of3A_72] : memref<327680xi32, #tpu.memory_space<hbm>> -> memref<1024xi32, #tpu.memory_space<hbm>>
        tpu.enqueue_dma source(%dma_start3A_221 : memref<1024xi32, #tpu.memory_space<hbm>>) target(%arg10 : memref<1024xi32, #tpu.memory_space<vmem>>) target_semaphore(%run_scoped3A_219 : memref<!tpu.dma_semaphore, #tpu.memory_space<semaphore_mem>>)
        %dma_wait3A_222 = tpu.memref_slice %arg5[%multiple_of3A_72] : memref<327680xi32, #tpu.memory_space<hbm>> -> memref<1024xi32, #tpu.memory_space<hbm>>
        %dma_wait3A_223 = tpu.memref_slice %arg5[%multiple_of3A_72] : memref<327680xi32, #tpu.memory_space<hbm>> -> memref<1024xi32, #tpu.memory_space<hbm>>
        tpu.wait_dma2 semaphore(%run_scoped3A_219 : memref<!tpu.dma_semaphore, #tpu.memory_space<semaphore_mem>>) src(%dma_wait3A_223 : memref<1024xi32, #tpu.memory_space<hbm>>) dst(%arg10 : memref<1024xi32, #tpu.memory_space<vmem>>)
        tpu.yield
      }) : () -> ()
      %jit3A = arith.constant 128 : i32
      %div3A = arith.divsi %multiple_of3A_72, %jit3A : i32
      %sign3A = arith.constant 0 : i32
      %sign3A_73 = arith.cmpi sgt, %multiple_of3A_72, %sign3A : i32
      %sign3A_74 = arith.extui %sign3A_73 : i1 to i32
      %sign3A_75 = arith.constant 0 : i32
      %sign3A_76 = arith.cmpi slt, %multiple_of3A_72, %sign3A_75 : i32
      %sign3A_77 = arith.extui %sign3A_76 : i1 to i32
      %sign3A_78 = arith.subi %sign3A_74, %sign3A_77 : i32
      %sign3A_79 = arith.constant 0 : i32
      %sign3A_80 = arith.cmpi sgt, %jit3A, %sign3A_79 : i32
      %sign3A_81 = arith.extui %sign3A_80 : i1 to i32
      %sign3A_82 = arith.constant 0 : i32
      %sign3A_83 = arith.cmpi slt, %jit3A, %sign3A_82 : i32
      %sign3A_84 = arith.extui %sign3A_83 : i1 to i32
      %sign3A_85 = arith.subi %sign3A_81, %sign3A_84 : i32
      %ne3A = arith.cmpi ne, %sign3A_78, %sign3A_85 : i32
      %rem3A = arith.remsi %multiple_of3A_72, %jit3A : i32
      %ne3A_86 = arith.constant 0 : i32
      %ne3A_87 = arith.cmpi ne, %rem3A, %ne3A_86 : i32
      %and3A = arith.andi %ne3A, %ne3A_87 : i1
      %sub3A = arith.constant 1 : i32
      %sub3A_88 = arith.subi %div3A, %sub3A : i32
      %select_n3A = arith.select %and3A, %sub3A_88, %div3A : i32
      %multiple_of3A_89 = tpu.assume_multiple %select_n3A, 8 : i32
      "tpu.region"() ({
        %run_scoped3A_219 = tpu.sem_alloc : memref<!tpu.dma_semaphore, #tpu.memory_space<semaphore_mem>>
        %dma_start3A_220 = arith.constant 0 : i32
        %dma_start3A_221 = tpu.memref_slice %arg6[%multiple_of3A_89, %dma_start3A_220] : memref<2560x128xi32, #tpu.memory_space<hbm>> -> memref<8x128xi32, #tpu.memory_space<hbm>>
        %dma_start3A_222 = arith.constant 0 : i32
        %dma_start3A_223 = tpu.memref_slice %arg6[%multiple_of3A_89, %dma_start3A_222] : memref<2560x128xi32, #tpu.memory_space<hbm>> -> memref<8x128xi32, #tpu.memory_space<hbm>>
        tpu.enqueue_dma source(%dma_start3A_223 : memref<8x128xi32, #tpu.memory_space<hbm>>) target(%arg11 : memref<8x128xi32, #tpu.memory_space<vmem>>) target_semaphore(%run_scoped3A_219 : memref<!tpu.dma_semaphore, #tpu.memory_space<semaphore_mem>>)
        %dma_wait3A_224 = arith.constant 0 : i32
        %dma_wait3A_225 = tpu.memref_slice %arg6[%multiple_of3A_89, %dma_wait3A_224] : memref<2560x128xi32, #tpu.memory_space<hbm>> -> memref<8x128xi32, #tpu.memory_space<hbm>>
        %dma_wait3A_226 = arith.constant 0 : i32
        %dma_wait3A_227 = tpu.memref_slice %arg6[%multiple_of3A_89, %dma_wait3A_226] : memref<2560x128xi32, #tpu.memory_space<hbm>> -> memref<8x128xi32, #tpu.memory_space<hbm>>
        tpu.wait_dma2 semaphore(%run_scoped3A_219 : memref<!tpu.dma_semaphore, #tpu.memory_space<semaphore_mem>>) src(%dma_wait3A_227 : memref<8x128xi32, #tpu.memory_space<hbm>>) dst(%arg11 : memref<8x128xi32, #tpu.memory_space<vmem>>)
        tpu.yield
      }) : () -> ()
      %jit3A_90 = arith.constant 128 : i32
      %div3A_91 = arith.divsi %multiple_of3A_72, %jit3A_90 : i32
      %sign3A_92 = arith.constant 0 : i32
      %sign3A_93 = arith.cmpi sgt, %multiple_of3A_72, %sign3A_92 : i32
      %sign3A_94 = arith.extui %sign3A_93 : i1 to i32
      %sign3A_95 = arith.constant 0 : i32
      %sign3A_96 = arith.cmpi slt, %multiple_of3A_72, %sign3A_95 : i32
      %sign3A_97 = arith.extui %sign3A_96 : i1 to i32
      %sign3A_98 = arith.subi %sign3A_94, %sign3A_97 : i32
      %sign3A_99 = arith.constant 0 : i32
      %sign3A_100 = arith.cmpi sgt, %jit3A_90, %sign3A_99 : i32
      %sign3A_101 = arith.extui %sign3A_100 : i1 to i32
      %sign3A_102 = arith.constant 0 : i32
      %sign3A_103 = arith.cmpi slt, %jit3A_90, %sign3A_102 : i32
      %sign3A_104 = arith.extui %sign3A_103 : i1 to i32
      %sign3A_105 = arith.subi %sign3A_101, %sign3A_104 : i32
      %ne3A_106 = arith.cmpi ne, %sign3A_98, %sign3A_105 : i32
      %rem3A_107 = arith.remsi %multiple_of3A_72, %jit3A_90 : i32
      %ne3A_108 = arith.constant 0 : i32
      %ne3A_109 = arith.cmpi ne, %rem3A_107, %ne3A_108 : i32
      %and3A_110 = arith.andi %ne3A_106, %ne3A_109 : i1
      %sub3A_111 = arith.constant 1 : i32
      %sub3A_112 = arith.subi %div3A_91, %sub3A_111 : i32
      %select_n3A_113 = arith.select %and3A_110, %sub3A_112, %div3A_91 : i32
      %multiple_of3A_114 = tpu.assume_multiple %select_n3A_113, 8 : i32
      "tpu.region"() ({
        %run_scoped3A_219 = tpu.sem_alloc : memref<!tpu.dma_semaphore, #tpu.memory_space<semaphore_mem>>
        %dma_start3A_220 = arith.constant 0 : i32
        %dma_start3A_221 = tpu.memref_slice %arg7[%multiple_of3A_114, %dma_start3A_220] : memref<2560x128xi32, #tpu.memory_space<hbm>> -> memref<8x128xi32, #tpu.memory_space<hbm>>
        %dma_start3A_222 = arith.constant 0 : i32
        %dma_start3A_223 = tpu.memref_slice %arg7[%multiple_of3A_114, %dma_start3A_222] : memref<2560x128xi32, #tpu.memory_space<hbm>> -> memref<8x128xi32, #tpu.memory_space<hbm>>
        tpu.enqueue_dma source(%dma_start3A_223 : memref<8x128xi32, #tpu.memory_space<hbm>>) target(%arg12 : memref<8x128xi32, #tpu.memory_space<vmem>>) target_semaphore(%run_scoped3A_219 : memref<!tpu.dma_semaphore, #tpu.memory_space<semaphore_mem>>)
        %dma_wait3A_224 = arith.constant 0 : i32
        %dma_wait3A_225 = tpu.memref_slice %arg7[%multiple_of3A_114, %dma_wait3A_224] : memref<2560x128xi32, #tpu.memory_space<hbm>> -> memref<8x128xi32, #tpu.memory_space<hbm>>
        %dma_wait3A_226 = arith.constant 0 : i32
        %dma_wait3A_227 = tpu.memref_slice %arg7[%multiple_of3A_114, %dma_wait3A_226] : memref<2560x128xi32, #tpu.memory_space<hbm>> -> memref<8x128xi32, #tpu.memory_space<hbm>>
        tpu.wait_dma2 semaphore(%run_scoped3A_219 : memref<!tpu.dma_semaphore, #tpu.memory_space<semaphore_mem>>) src(%dma_wait3A_227 : memref<8x128xi32, #tpu.memory_space<hbm>>) dst(%arg12 : memref<8x128xi32, #tpu.memory_space<vmem>>)
        tpu.yield
      }) : () -> ()
      %dma_start3A = arith.constant 0 : i32
      %dma_start3A_115 = tpu.memref_slice %arg13[%dma_start3A] : memref<8192xf32, #tpu.memory_space<vmem>> -> memref<1024xf32, #tpu.memory_space<vmem>>
      %dma_start3A_116 = arith.constant 0 : i32
      %dma_start3A_117 = tpu.memref_slice %arg17[%dma_start3A_116] : memref<10240xf32, #tpu.memory_space<vmem_shared>> -> memref<10240xf32, #tpu.memory_space<vmem_shared>>
      tpu.enqueue_indirect_dma source(%dma_start3A_117 : memref<10240xf32, #tpu.memory_space<vmem_shared>>) target(%dma_start3A_115 : memref<1024xf32, #tpu.memory_space<vmem>>) offsets(%arg9 : memref<1024xi32, #tpu.memory_space<vmem>>) semaphore(%arg30 : memref<!tpu.dma_semaphore, #tpu.memory_space<semaphore_mem>>)
      %dma_start3A_118 = arith.constant 1024 : i32
      %dma_start3A_119 = tpu.memref_slice %arg13[%dma_start3A_118] : memref<8192xf32, #tpu.memory_space<vmem>> -> memref<1024xf32, #tpu.memory_space<vmem>>
      %dma_start3A_120 = arith.constant 0 : i32
      %dma_start3A_121 = tpu.memref_slice %arg18[%dma_start3A_120] : memref<10240xf32, #tpu.memory_space<vmem_shared>> -> memref<10240xf32, #tpu.memory_space<vmem_shared>>
      tpu.enqueue_indirect_dma source(%dma_start3A_121 : memref<10240xf32, #tpu.memory_space<vmem_shared>>) target(%dma_start3A_119 : memref<1024xf32, #tpu.memory_space<vmem>>) offsets(%arg9 : memref<1024xi32, #tpu.memory_space<vmem>>) semaphore(%arg30 : memref<!tpu.dma_semaphore, #tpu.memory_space<semaphore_mem>>)
      %dma_start3A_122 = arith.constant 2048 : i32
      %dma_start3A_123 = tpu.memref_slice %arg13[%dma_start3A_122] : memref<8192xf32, #tpu.memory_space<vmem>> -> memref<1024xf32, #tpu.memory_space<vmem>>
      %dma_start3A_124 = arith.constant 0 : i32
      %dma_start3A_125 = tpu.memref_slice %arg19[%dma_start3A_124] : memref<10240xf32, #tpu.memory_space<vmem_shared>> -> memref<10240xf32, #tpu.memory_space<vmem_shared>>
      tpu.enqueue_indirect_dma source(%dma_start3A_125 : memref<10240xf32, #tpu.memory_space<vmem_shared>>) target(%dma_start3A_123 : memref<1024xf32, #tpu.memory_space<vmem>>) offsets(%arg9 : memref<1024xi32, #tpu.memory_space<vmem>>) semaphore(%arg30 : memref<!tpu.dma_semaphore, #tpu.memory_space<semaphore_mem>>)
      %dma_start3A_126 = arith.constant 3072 : i32
      %dma_start3A_127 = tpu.memref_slice %arg13[%dma_start3A_126] : memref<8192xf32, #tpu.memory_space<vmem>> -> memref<1024xf32, #tpu.memory_space<vmem>>
      %dma_start3A_128 = arith.constant 0 : i32
      %dma_start3A_129 = tpu.memref_slice %arg20[%dma_start3A_128] : memref<10240xf32, #tpu.memory_space<vmem_shared>> -> memref<10240xf32, #tpu.memory_space<vmem_shared>>
      tpu.enqueue_indirect_dma source(%dma_start3A_129 : memref<10240xf32, #tpu.memory_space<vmem_shared>>) target(%dma_start3A_127 : memref<1024xf32, #tpu.memory_space<vmem>>) offsets(%arg9 : memref<1024xi32, #tpu.memory_space<vmem>>) semaphore(%arg30 : memref<!tpu.dma_semaphore, #tpu.memory_space<semaphore_mem>>)
      %dma_start3A_130 = arith.constant 4096 : i32
      %dma_start3A_131 = tpu.memref_slice %arg13[%dma_start3A_130] : memref<8192xf32, #tpu.memory_space<vmem>> -> memref<1024xf32, #tpu.memory_space<vmem>>
      %dma_start3A_132 = arith.constant 0 : i32
      %dma_start3A_133 = tpu.memref_slice %arg21[%dma_start3A_132] : memref<10240xf32, #tpu.memory_space<vmem_shared>> -> memref<10240xf32, #tpu.memory_space<vmem_shared>>
      tpu.enqueue_indirect_dma source(%dma_start3A_133 : memref<10240xf32, #tpu.memory_space<vmem_shared>>) target(%dma_start3A_131 : memref<1024xf32, #tpu.memory_space<vmem>>) offsets(%arg10 : memref<1024xi32, #tpu.memory_space<vmem>>) semaphore(%arg30 : memref<!tpu.dma_semaphore, #tpu.memory_space<semaphore_mem>>)
      %dma_start3A_134 = arith.constant 5120 : i32
      %dma_start3A_135 = tpu.memref_slice %arg13[%dma_start3A_134] : memref<8192xf32, #tpu.memory_space<vmem>> -> memref<1024xf32, #tpu.memory_space<vmem>>
      %dma_start3A_136 = arith.constant 0 : i32
      %dma_start3A_137 = tpu.memref_slice %arg22[%dma_start3A_136] : memref<10240xf32, #tpu.memory_space<vmem_shared>> -> memref<10240xf32, #tpu.memory_space<vmem_shared>>
      tpu.enqueue_indirect_dma source(%dma_start3A_137 : memref<10240xf32, #tpu.memory_space<vmem_shared>>) target(%dma_start3A_135 : memref<1024xf32, #tpu.memory_space<vmem>>) offsets(%arg10 : memref<1024xi32, #tpu.memory_space<vmem>>) semaphore(%arg30 : memref<!tpu.dma_semaphore, #tpu.memory_space<semaphore_mem>>)
      %dma_start3A_138 = arith.constant 6144 : i32
      %dma_start3A_139 = tpu.memref_slice %arg13[%dma_start3A_138] : memref<8192xf32, #tpu.memory_space<vmem>> -> memref<1024xf32, #tpu.memory_space<vmem>>
      %dma_start3A_140 = arith.constant 0 : i32
      %dma_start3A_141 = tpu.memref_slice %arg23[%dma_start3A_140] : memref<10240xf32, #tpu.memory_space<vmem_shared>> -> memref<10240xf32, #tpu.memory_space<vmem_shared>>
      tpu.enqueue_indirect_dma source(%dma_start3A_141 : memref<10240xf32, #tpu.memory_space<vmem_shared>>) target(%dma_start3A_139 : memref<1024xf32, #tpu.memory_space<vmem>>) offsets(%arg10 : memref<1024xi32, #tpu.memory_space<vmem>>) semaphore(%arg30 : memref<!tpu.dma_semaphore, #tpu.memory_space<semaphore_mem>>)
      %dma_start3A_142 = arith.constant 7168 : i32
      %dma_start3A_143 = tpu.memref_slice %arg13[%dma_start3A_142] : memref<8192xf32, #tpu.memory_space<vmem>> -> memref<1024xf32, #tpu.memory_space<vmem>>
      %dma_start3A_144 = arith.constant 0 : i32
      %dma_start3A_145 = tpu.memref_slice %arg24[%dma_start3A_144] : memref<10240xf32, #tpu.memory_space<vmem_shared>> -> memref<10240xf32, #tpu.memory_space<vmem_shared>>
      tpu.enqueue_indirect_dma source(%dma_start3A_145 : memref<10240xf32, #tpu.memory_space<vmem_shared>>) target(%dma_start3A_143 : memref<1024xf32, #tpu.memory_space<vmem>>) offsets(%arg10 : memref<1024xi32, #tpu.memory_space<vmem>>) semaphore(%arg30 : memref<!tpu.dma_semaphore, #tpu.memory_space<semaphore_mem>>)
      %dma_start3A_146 = arith.constant 0 : i32
      %dma_start3A_147 = tpu.memref_slice %arg15[%dma_start3A_146] : memref<4096xf32, #tpu.memory_space<vmem>> -> memref<1024xf32, #tpu.memory_space<vmem>>
      %dma_start3A_148 = arith.constant 0 : i32
      %dma_start3A_149 = tpu.memref_slice %arg25[%dma_start3A_148] : memref<10240xf32, #tpu.memory_space<vmem_shared>> -> memref<10240xf32, #tpu.memory_space<vmem_shared>>
      tpu.enqueue_indirect_dma source(%dma_start3A_149 : memref<10240xf32, #tpu.memory_space<vmem_shared>>) target(%dma_start3A_147 : memref<1024xf32, #tpu.memory_space<vmem>>) offsets(%arg10 : memref<1024xi32, #tpu.memory_space<vmem>>) semaphore(%arg31 : memref<!tpu.dma_semaphore, #tpu.memory_space<semaphore_mem>>)
      %dma_start3A_150 = arith.constant 1024 : i32
      %dma_start3A_151 = tpu.memref_slice %arg15[%dma_start3A_150] : memref<4096xf32, #tpu.memory_space<vmem>> -> memref<1024xf32, #tpu.memory_space<vmem>>
      %dma_start3A_152 = arith.constant 0 : i32
      %dma_start3A_153 = tpu.memref_slice %arg26[%dma_start3A_152] : memref<10240xf32, #tpu.memory_space<vmem_shared>> -> memref<10240xf32, #tpu.memory_space<vmem_shared>>
      tpu.enqueue_indirect_dma source(%dma_start3A_153 : memref<10240xf32, #tpu.memory_space<vmem_shared>>) target(%dma_start3A_151 : memref<1024xf32, #tpu.memory_space<vmem>>) offsets(%arg10 : memref<1024xi32, #tpu.memory_space<vmem>>) semaphore(%arg31 : memref<!tpu.dma_semaphore, #tpu.memory_space<semaphore_mem>>)
      %dma_start3A_154 = arith.constant 2048 : i32
      %dma_start3A_155 = tpu.memref_slice %arg15[%dma_start3A_154] : memref<4096xf32, #tpu.memory_space<vmem>> -> memref<1024xf32, #tpu.memory_space<vmem>>
      %dma_start3A_156 = arith.constant 0 : i32
      %dma_start3A_157 = tpu.memref_slice %arg27[%dma_start3A_156] : memref<10240xf32, #tpu.memory_space<vmem_shared>> -> memref<10240xf32, #tpu.memory_space<vmem_shared>>
      tpu.enqueue_indirect_dma source(%dma_start3A_157 : memref<10240xf32, #tpu.memory_space<vmem_shared>>) target(%dma_start3A_155 : memref<1024xf32, #tpu.memory_space<vmem>>) offsets(%arg10 : memref<1024xi32, #tpu.memory_space<vmem>>) semaphore(%arg31 : memref<!tpu.dma_semaphore, #tpu.memory_space<semaphore_mem>>)
      %dma_start3A_158 = arith.constant 3072 : i32
      %dma_start3A_159 = tpu.memref_slice %arg15[%dma_start3A_158] : memref<4096xf32, #tpu.memory_space<vmem>> -> memref<1024xf32, #tpu.memory_space<vmem>>
      %dma_start3A_160 = arith.constant 0 : i32
      %dma_start3A_161 = tpu.memref_slice %arg28[%dma_start3A_160] : memref<10240xf32, #tpu.memory_space<vmem_shared>> -> memref<10240xf32, #tpu.memory_space<vmem_shared>>
      tpu.enqueue_indirect_dma source(%dma_start3A_161 : memref<10240xf32, #tpu.memory_space<vmem_shared>>) target(%dma_start3A_159 : memref<1024xf32, #tpu.memory_space<vmem>>) offsets(%arg10 : memref<1024xi32, #tpu.memory_space<vmem>>) semaphore(%arg31 : memref<!tpu.dma_semaphore, #tpu.memory_space<semaphore_mem>>)
      %dma_wait3A = arith.constant 0 : i32
      %dma_wait3A_162 = tpu.memref_slice %arg13[%dma_wait3A] : memref<8192xf32, #tpu.memory_space<vmem>> -> memref<1024xf32, #tpu.memory_space<vmem>>
      %dma_wait3A_163 = arith.constant 0 : i32
      %dma_wait3A_164 = tpu.memref_slice %arg17[%dma_wait3A_163] : memref<10240xf32, #tpu.memory_space<vmem_shared>> -> memref<10240xf32, #tpu.memory_space<vmem_shared>>
      tpu.wait_indirect_dma semaphore(%arg30 : memref<!tpu.dma_semaphore, #tpu.memory_space<semaphore_mem>>) src(%dma_wait3A_164 : memref<10240xf32, #tpu.memory_space<vmem_shared>>) dst(%dma_wait3A_162 : memref<1024xf32, #tpu.memory_space<vmem>>)
      %dma_wait3A_165 = arith.constant 1024 : i32
      %dma_wait3A_166 = tpu.memref_slice %arg13[%dma_wait3A_165] : memref<8192xf32, #tpu.memory_space<vmem>> -> memref<1024xf32, #tpu.memory_space<vmem>>
      %dma_wait3A_167 = arith.constant 0 : i32
      %dma_wait3A_168 = tpu.memref_slice %arg18[%dma_wait3A_167] : memref<10240xf32, #tpu.memory_space<vmem_shared>> -> memref<10240xf32, #tpu.memory_space<vmem_shared>>
      tpu.wait_indirect_dma semaphore(%arg30 : memref<!tpu.dma_semaphore, #tpu.memory_space<semaphore_mem>>) src(%dma_wait3A_168 : memref<10240xf32, #tpu.memory_space<vmem_shared>>) dst(%dma_wait3A_166 : memref<1024xf32, #tpu.memory_space<vmem>>)
      %dma_wait3A_169 = arith.constant 2048 : i32
      %dma_wait3A_170 = tpu.memref_slice %arg13[%dma_wait3A_169] : memref<8192xf32, #tpu.memory_space<vmem>> -> memref<1024xf32, #tpu.memory_space<vmem>>
      %dma_wait3A_171 = arith.constant 0 : i32
      %dma_wait3A_172 = tpu.memref_slice %arg19[%dma_wait3A_171] : memref<10240xf32, #tpu.memory_space<vmem_shared>> -> memref<10240xf32, #tpu.memory_space<vmem_shared>>
      tpu.wait_indirect_dma semaphore(%arg30 : memref<!tpu.dma_semaphore, #tpu.memory_space<semaphore_mem>>) src(%dma_wait3A_172 : memref<10240xf32, #tpu.memory_space<vmem_shared>>) dst(%dma_wait3A_170 : memref<1024xf32, #tpu.memory_space<vmem>>)
      %dma_wait3A_173 = arith.constant 3072 : i32
      %dma_wait3A_174 = tpu.memref_slice %arg13[%dma_wait3A_173] : memref<8192xf32, #tpu.memory_space<vmem>> -> memref<1024xf32, #tpu.memory_space<vmem>>
      %dma_wait3A_175 = arith.constant 0 : i32
      %dma_wait3A_176 = tpu.memref_slice %arg20[%dma_wait3A_175] : memref<10240xf32, #tpu.memory_space<vmem_shared>> -> memref<10240xf32, #tpu.memory_space<vmem_shared>>
      tpu.wait_indirect_dma semaphore(%arg30 : memref<!tpu.dma_semaphore, #tpu.memory_space<semaphore_mem>>) src(%dma_wait3A_176 : memref<10240xf32, #tpu.memory_space<vmem_shared>>) dst(%dma_wait3A_174 : memref<1024xf32, #tpu.memory_space<vmem>>)
      %dma_wait3A_177 = arith.constant 4096 : i32
      %dma_wait3A_178 = tpu.memref_slice %arg13[%dma_wait3A_177] : memref<8192xf32, #tpu.memory_space<vmem>> -> memref<1024xf32, #tpu.memory_space<vmem>>
      %dma_wait3A_179 = arith.constant 0 : i32
      %dma_wait3A_180 = tpu.memref_slice %arg21[%dma_wait3A_179] : memref<10240xf32, #tpu.memory_space<vmem_shared>> -> memref<10240xf32, #tpu.memory_space<vmem_shared>>
      tpu.wait_indirect_dma semaphore(%arg30 : memref<!tpu.dma_semaphore, #tpu.memory_space<semaphore_mem>>) src(%dma_wait3A_180 : memref<10240xf32, #tpu.memory_space<vmem_shared>>) dst(%dma_wait3A_178 : memref<1024xf32, #tpu.memory_space<vmem>>)
      %dma_wait3A_181 = arith.constant 5120 : i32
      %dma_wait3A_182 = tpu.memref_slice %arg13[%dma_wait3A_181] : memref<8192xf32, #tpu.memory_space<vmem>> -> memref<1024xf32, #tpu.memory_space<vmem>>
      %dma_wait3A_183 = arith.constant 0 : i32
      %dma_wait3A_184 = tpu.memref_slice %arg22[%dma_wait3A_183] : memref<10240xf32, #tpu.memory_space<vmem_shared>> -> memref<10240xf32, #tpu.memory_space<vmem_shared>>
      tpu.wait_indirect_dma semaphore(%arg30 : memref<!tpu.dma_semaphore, #tpu.memory_space<semaphore_mem>>) src(%dma_wait3A_184 : memref<10240xf32, #tpu.memory_space<vmem_shared>>) dst(%dma_wait3A_182 : memref<1024xf32, #tpu.memory_space<vmem>>)
      %dma_wait3A_185 = arith.constant 6144 : i32
      %dma_wait3A_186 = tpu.memref_slice %arg13[%dma_wait3A_185] : memref<8192xf32, #tpu.memory_space<vmem>> -> memref<1024xf32, #tpu.memory_space<vmem>>
      %dma_wait3A_187 = arith.constant 0 : i32
      %dma_wait3A_188 = tpu.memref_slice %arg23[%dma_wait3A_187] : memref<10240xf32, #tpu.memory_space<vmem_shared>> -> memref<10240xf32, #tpu.memory_space<vmem_shared>>
      tpu.wait_indirect_dma semaphore(%arg30 : memref<!tpu.dma_semaphore, #tpu.memory_space<semaphore_mem>>) src(%dma_wait3A_188 : memref<10240xf32, #tpu.memory_space<vmem_shared>>) dst(%dma_wait3A_186 : memref<1024xf32, #tpu.memory_space<vmem>>)
      %dma_wait3A_189 = arith.constant 7168 : i32
      %dma_wait3A_190 = tpu.memref_slice %arg13[%dma_wait3A_189] : memref<8192xf32, #tpu.memory_space<vmem>> -> memref<1024xf32, #tpu.memory_space<vmem>>
      %dma_wait3A_191 = arith.constant 0 : i32
      %dma_wait3A_192 = tpu.memref_slice %arg24[%dma_wait3A_191] : memref<10240xf32, #tpu.memory_space<vmem_shared>> -> memref<10240xf32, #tpu.memory_space<vmem_shared>>
      tpu.wait_indirect_dma semaphore(%arg30 : memref<!tpu.dma_semaphore, #tpu.memory_space<semaphore_mem>>) src(%dma_wait3A_192 : memref<10240xf32, #tpu.memory_space<vmem_shared>>) dst(%dma_wait3A_190 : memref<1024xf32, #tpu.memory_space<vmem>>)
      %dma_wait3A_193 = arith.constant 0 : i32
      %dma_wait3A_194 = tpu.memref_slice %arg15[%dma_wait3A_193] : memref<4096xf32, #tpu.memory_space<vmem>> -> memref<1024xf32, #tpu.memory_space<vmem>>
      %dma_wait3A_195 = arith.constant 0 : i32
      %dma_wait3A_196 = tpu.memref_slice %arg25[%dma_wait3A_195] : memref<10240xf32, #tpu.memory_space<vmem_shared>> -> memref<10240xf32, #tpu.memory_space<vmem_shared>>
      tpu.wait_indirect_dma semaphore(%arg31 : memref<!tpu.dma_semaphore, #tpu.memory_space<semaphore_mem>>) src(%dma_wait3A_196 : memref<10240xf32, #tpu.memory_space<vmem_shared>>) dst(%dma_wait3A_194 : memref<1024xf32, #tpu.memory_space<vmem>>)
      %dma_wait3A_197 = arith.constant 1024 : i32
      %dma_wait3A_198 = tpu.memref_slice %arg15[%dma_wait3A_197] : memref<4096xf32, #tpu.memory_space<vmem>> -> memref<1024xf32, #tpu.memory_space<vmem>>
      %dma_wait3A_199 = arith.constant 0 : i32
      %dma_wait3A_200 = tpu.memref_slice %arg26[%dma_wait3A_199] : memref<10240xf32, #tpu.memory_space<vmem_shared>> -> memref<10240xf32, #tpu.memory_space<vmem_shared>>
      tpu.wait_indirect_dma semaphore(%arg31 : memref<!tpu.dma_semaphore, #tpu.memory_space<semaphore_mem>>) src(%dma_wait3A_200 : memref<10240xf32, #tpu.memory_space<vmem_shared>>) dst(%dma_wait3A_198 : memref<1024xf32, #tpu.memory_space<vmem>>)
      %dma_wait3A_201 = arith.constant 2048 : i32
      %dma_wait3A_202 = tpu.memref_slice %arg15[%dma_wait3A_201] : memref<4096xf32, #tpu.memory_space<vmem>> -> memref<1024xf32, #tpu.memory_space<vmem>>
      %dma_wait3A_203 = arith.constant 0 : i32
      %dma_wait3A_204 = tpu.memref_slice %arg27[%dma_wait3A_203] : memref<10240xf32, #tpu.memory_space<vmem_shared>> -> memref<10240xf32, #tpu.memory_space<vmem_shared>>
      tpu.wait_indirect_dma semaphore(%arg31 : memref<!tpu.dma_semaphore, #tpu.memory_space<semaphore_mem>>) src(%dma_wait3A_204 : memref<10240xf32, #tpu.memory_space<vmem_shared>>) dst(%dma_wait3A_202 : memref<1024xf32, #tpu.memory_space<vmem>>)
      %dma_wait3A_205 = arith.constant 3072 : i32
      %dma_wait3A_206 = tpu.memref_slice %arg15[%dma_wait3A_205] : memref<4096xf32, #tpu.memory_space<vmem>> -> memref<1024xf32, #tpu.memory_space<vmem>>
      %dma_wait3A_207 = arith.constant 0 : i32
      %dma_wait3A_208 = tpu.memref_slice %arg28[%dma_wait3A_207] : memref<10240xf32, #tpu.memory_space<vmem_shared>> -> memref<10240xf32, #tpu.memory_space<vmem_shared>>
      tpu.wait_indirect_dma semaphore(%arg31 : memref<!tpu.dma_semaphore, #tpu.memory_space<semaphore_mem>>) src(%dma_wait3A_208 : memref<10240xf32, #tpu.memory_space<vmem_shared>>) dst(%dma_wait3A_206 : memref<1024xf32, #tpu.memory_space<vmem>>)
      %scan3A_209 = arith.constant 0 : i32
      %scan3A_210 = arith.constant 64 : i32
      %scan3A_211 = arith.addi %scan3A_209, %scan3A_210 : i32
      %scan3A_212 = arith.constant 1 : i32
      scf.for %scan3A_219 = %scan3A_209 to %scan3A_211 step %scan3A_212  : i32 {
        %mul3A_220 = arith.constant 1 : i32
        %mul3A_221 = arith.muli %scan3A_219, %mul3A_220 : i32
        %add3A_222 = arith.constant 0 : i32
        %add3A_223 = arith.addi %add3A_222, %mul3A_221 : i32
        %mul3A_224 = arith.constant 16 : i32
        %mul3A_225 = arith.muli %add3A_223, %mul3A_224 : i32
        %add3A_226 = arith.addi %multiple_of3A_72, %mul3A_225 : i32
        %add3A_227 = vector.broadcast %add3A_226 : i32 to vector<16xi32>
        %add3A_228 = arith.addi %add3A_227, %iota3A : vector<16xi32>
        %lt3A = arith.constant 320000 : i32
        %lt3A_229 = vector.broadcast %lt3A : i32 to vector<16xi32>
        %lt3A_230 = arith.cmpi slt, %add3A_228, %lt3A_229 : vector<16xi32>
        %jit3A_231 = arith.constant 1.000000e+00 : f32
        %jit3A_232 = arith.constant 0.000000e+00 : f32
        %broadcast_in_dim3A_233 = vector.broadcast %jit3A_231 : f32 to vector<16xf32>
        %broadcast_in_dim3A_234 = vector.broadcast %jit3A_232 : f32 to vector<16xf32>
        %select_n3A_235 = arith.select %lt3A_230, %broadcast_in_dim3A_233, %broadcast_in_dim3A_234 : vector<16xi1>, vector<16xf32>
        %mul3A_236 = arith.constant 16 : i32
        %mul3A_237 = arith.muli %add3A_223, %mul3A_236 : i32
        %add3A_238 = arith.constant 0 : i32
        %add3A_239 = arith.addi %add3A_238, %mul3A_237 : i32
        %get3A = arith.index_cast %add3A_239 : i32 to index
        %get3A_240 = tpu.vector_load %arg13[%get3A] {strides = array<i32>} : memref<8192xf32, #tpu.memory_space<vmem>>, vector<16xf32>,
        %get3A_241 = vector.shape_cast %get3A_240 : vector<16xf32> to vector<16xf32>
        %mul3A_242 = arith.constant 16 : i32
        %mul3A_243 = arith.muli %add3A_223, %mul3A_242 : i32
        %add3A_244 = arith.constant 4096 : i32
        %add3A_245 = arith.addi %add3A_244, %mul3A_243 : i32
        %get3A_246 = arith.index_cast %add3A_245 : i32 to index
        %get3A_247 = tpu.vector_load %arg13[%get3A_246] {strides = array<i32>} : memref<8192xf32, #tpu.memory_space<vmem>>, vector<16xf32>,
        %get3A_248 = vector.shape_cast %get3A_247 : vector<16xf32> to vector<16xf32>
        %add3A_249 = arith.addf %get3A_241, %get3A_248 : vector<16xf32>
        %ge3A = arith.constant 0.000000e+00 : f32
        %ge3A_250 = vector.broadcast %ge3A : f32 to vector<16xf32>
        %ge3A_251 = arith.cmpf oge, %add3A_249, %ge3A_250 : vector<16xf32>
        %mul3A_252 = arith.constant 2.000000e-01 : f32
        %mul3A_253 = vector.broadcast %mul3A_252 : f32 to vector<16xf32>
        %mul3A_254 = arith.mulf %mul3A_253, %add3A_249 : vector<16xf32>
        %select_n3A_255 = arith.select %ge3A_251, %add3A_249, %mul3A_254 : vector<16xi1>, vector<16xf32>
        %exp3A = math.exp %select_n3A_255 : vector<16xf32>
        %mul3A_256 = arith.mulf %exp3A, %select_n3A_235 : vector<16xf32>
        %mul3A_257 = arith.constant 16 : i32
        %mul3A_258 = arith.muli %add3A_223, %mul3A_257 : i32
        %add3A_259 = arith.constant 0 : i32
        %add3A_260 = arith.addi %add3A_259, %mul3A_258 : i32
        %get3A_261 = arith.index_cast %add3A_260 : i32 to index
        %get3A_262 = tpu.vector_load %arg15[%get3A_261] {strides = array<i32>} : memref<4096xf32, #tpu.memory_space<vmem>>, vector<16xf32>,
        %get3A_263 = vector.shape_cast %get3A_262 : vector<16xf32> to vector<16xf32>
        %add3A_264 = arith.constant 1.000000e-16 : f32
        %add3A_265 = vector.broadcast %add3A_264 : f32 to vector<16xf32>
        %add3A_266 = arith.addf %get3A_263, %add3A_265 : vector<16xf32>
        %div3A_267 = arith.divf %mul3A_256, %add3A_266 : vector<16xf32>
        %mul3A_268 = arith.constant 16 : i32
        %mul3A_269 = arith.muli %add3A_223, %mul3A_268 : i32
        %add3A_270 = arith.constant 0 : i32
        %add3A_271 = arith.addi %add3A_270, %mul3A_269 : i32
        %swap3A = arith.index_cast %add3A_271 : i32 to index
        %swap3A_272 = tpu.vector_load %arg14[%swap3A] {strides = array<i32>} : memref<4096xf32, #tpu.memory_space<vmem>>, vector<16xf32>,
        %swap3A_273 = vector.shape_cast %swap3A_272 : vector<16xf32> to vector<16xf32>
        %swap3A_274 = vector.shape_cast %div3A_267 : vector<16xf32> to vector<16xf32>
        tpu.vector_store %arg14[%swap3A], %swap3A_274 {strides = array<i32>} : memref<4096xf32, #tpu.memory_space<vmem>>, vector<16xf32>,
        %mul3A_275 = arith.constant 16 : i32
        %mul3A_276 = arith.muli %add3A_223, %mul3A_275 : i32
        %add3A_277 = arith.constant 1024 : i32
        %add3A_278 = arith.addi %add3A_277, %mul3A_276 : i32
        %get3A_279 = arith.index_cast %add3A_278 : i32 to index
        %get3A_280 = tpu.vector_load %arg13[%get3A_279] {strides = array<i32>} : memref<8192xf32, #tpu.memory_space<vmem>>, vector<16xf32>,
        %get3A_281 = vector.shape_cast %get3A_280 : vector<16xf32> to vector<16xf32>
        %mul3A_282 = arith.constant 16 : i32
        %mul3A_283 = arith.muli %add3A_223, %mul3A_282 : i32
        %add3A_284 = arith.constant 5120 : i32
        %add3A_285 = arith.addi %add3A_284, %mul3A_283 : i32
        %get3A_286 = arith.index_cast %add3A_285 : i32 to index
        %get3A_287 = tpu.vector_load %arg13[%get3A_286] {strides = array<i32>} : memref<8192xf32, #tpu.memory_space<vmem>>, vector<16xf32>,
        %get3A_288 = vector.shape_cast %get3A_287 : vector<16xf32> to vector<16xf32>
        %add3A_289 = arith.addf %get3A_281, %get3A_288 : vector<16xf32>
        %ge3A_290 = arith.constant 0.000000e+00 : f32
        %ge3A_291 = vector.broadcast %ge3A_290 : f32 to vector<16xf32>
        %ge3A_292 = arith.cmpf oge, %add3A_289, %ge3A_291 : vector<16xf32>
        %mul3A_293 = arith.constant 2.000000e-01 : f32
        %mul3A_294 = vector.broadcast %mul3A_293 : f32 to vector<16xf32>
        %mul3A_295 = arith.mulf %mul3A_294, %add3A_289 : vector<16xf32>
        %select_n3A_296 = arith.select %ge3A_292, %add3A_289, %mul3A_295 : vector<16xi1>, vector<16xf32>
        %exp3A_297 = math.exp %select_n3A_296 : vector<16xf32>
        %mul3A_298 = arith.mulf %exp3A_297, %select_n3A_235 : vector<16xf32>
        %mul3A_299 = arith.constant 16 : i32
        %mul3A_300 = arith.muli %add3A_223, %mul3A_299 : i32
        %add3A_301 = arith.constant 1024 : i32
        %add3A_302 = arith.addi %add3A_301, %mul3A_300 : i32
        %get3A_303 = arith.index_cast %add3A_302 : i32 to index
        %get3A_304 = tpu.vector_load %arg15[%get3A_303] {strides = array<i32>} : memref<4096xf32, #tpu.memory_space<vmem>>, vector<16xf32>,
        %get3A_305 = vector.shape_cast %get3A_304 : vector<16xf32> to vector<16xf32>
        %add3A_306 = arith.constant 1.000000e-16 : f32
        %add3A_307 = vector.broadcast %add3A_306 : f32 to vector<16xf32>
        %add3A_308 = arith.addf %get3A_305, %add3A_307 : vector<16xf32>
        %div3A_309 = arith.divf %mul3A_298, %add3A_308 : vector<16xf32>
        %mul3A_310 = arith.constant 16 : i32
        %mul3A_311 = arith.muli %add3A_223, %mul3A_310 : i32
        %add3A_312 = arith.constant 1024 : i32
        %add3A_313 = arith.addi %add3A_312, %mul3A_311 : i32
        %swap3A_314 = arith.index_cast %add3A_313 : i32 to index
        %swap3A_315 = tpu.vector_load %arg14[%swap3A_314] {strides = array<i32>} : memref<4096xf32, #tpu.memory_space<vmem>>, vector<16xf32>,
        %swap3A_316 = vector.shape_cast %swap3A_315 : vector<16xf32> to vector<16xf32>
        %swap3A_317 = vector.shape_cast %div3A_309 : vector<16xf32> to vector<16xf32>
        tpu.vector_store %arg14[%swap3A_314], %swap3A_317 {strides = array<i32>} : memref<4096xf32, #tpu.memory_space<vmem>>, vector<16xf32>,
        %mul3A_318 = arith.constant 16 : i32
        %mul3A_319 = arith.muli %add3A_223, %mul3A_318 : i32
        %add3A_320 = arith.constant 2048 : i32
        %add3A_321 = arith.addi %add3A_320, %mul3A_319 : i32
        %get3A_322 = arith.index_cast %add3A_321 : i32 to index
        %get3A_323 = tpu.vector_load %arg13[%get3A_322] {strides = array<i32>} : memref<8192xf32, #tpu.memory_space<vmem>>, vector<16xf32>,
        %get3A_324 = vector.shape_cast %get3A_323 : vector<16xf32> to vector<16xf32>
        %mul3A_325 = arith.constant 16 : i32
        %mul3A_326 = arith.muli %add3A_223, %mul3A_325 : i32
        %add3A_327 = arith.constant 6144 : i32
        %add3A_328 = arith.addi %add3A_327, %mul3A_326 : i32
        %get3A_329 = arith.index_cast %add3A_328 : i32 to index
        %get3A_330 = tpu.vector_load %arg13[%get3A_329] {strides = array<i32>} : memref<8192xf32, #tpu.memory_space<vmem>>, vector<16xf32>,
        %get3A_331 = vector.shape_cast %get3A_330 : vector<16xf32> to vector<16xf32>
        %add3A_332 = arith.addf %get3A_324, %get3A_331 : vector<16xf32>
        %ge3A_333 = arith.constant 0.000000e+00 : f32
        %ge3A_334 = vector.broadcast %ge3A_333 : f32 to vector<16xf32>
        %ge3A_335 = arith.cmpf oge, %add3A_332, %ge3A_334 : vector<16xf32>
        %mul3A_336 = arith.constant 2.000000e-01 : f32
        %mul3A_337 = vector.broadcast %mul3A_336 : f32 to vector<16xf32>
        %mul3A_338 = arith.mulf %mul3A_337, %add3A_332 : vector<16xf32>
        %select_n3A_339 = arith.select %ge3A_335, %add3A_332, %mul3A_338 : vector<16xi1>, vector<16xf32>
        %exp3A_340 = math.exp %select_n3A_339 : vector<16xf32>
        %mul3A_341 = arith.mulf %exp3A_340, %select_n3A_235 : vector<16xf32>
        %mul3A_342 = arith.constant 16 : i32
        %mul3A_343 = arith.muli %add3A_223, %mul3A_342 : i32
        %add3A_344 = arith.constant 2048 : i32
        %add3A_345 = arith.addi %add3A_344, %mul3A_343 : i32
        %get3A_346 = arith.index_cast %add3A_345 : i32 to index
        %get3A_347 = tpu.vector_load %arg15[%get3A_346] {strides = array<i32>} : memref<4096xf32, #tpu.memory_space<vmem>>, vector<16xf32>,
        %get3A_348 = vector.shape_cast %get3A_347 : vector<16xf32> to vector<16xf32>
        %add3A_349 = arith.constant 1.000000e-16 : f32
        %add3A_350 = vector.broadcast %add3A_349 : f32 to vector<16xf32>
        %add3A_351 = arith.addf %get3A_348, %add3A_350 : vector<16xf32>
        %div3A_352 = arith.divf %mul3A_341, %add3A_351 : vector<16xf32>
        %mul3A_353 = arith.constant 16 : i32
        %mul3A_354 = arith.muli %add3A_223, %mul3A_353 : i32
        %add3A_355 = arith.constant 2048 : i32
        %add3A_356 = arith.addi %add3A_355, %mul3A_354 : i32
        %swap3A_357 = arith.index_cast %add3A_356 : i32 to index
        %swap3A_358 = tpu.vector_load %arg14[%swap3A_357] {strides = array<i32>} : memref<4096xf32, #tpu.memory_space<vmem>>, vector<16xf32>,
        %swap3A_359 = vector.shape_cast %swap3A_358 : vector<16xf32> to vector<16xf32>
        %swap3A_360 = vector.shape_cast %div3A_352 : vector<16xf32> to vector<16xf32>
        tpu.vector_store %arg14[%swap3A_357], %swap3A_360 {strides = array<i32>} : memref<4096xf32, #tpu.memory_space<vmem>>, vector<16xf32>,
        %mul3A_361 = arith.constant 16 : i32
        %mul3A_362 = arith.muli %add3A_223, %mul3A_361 : i32
        %add3A_363 = arith.constant 3072 : i32
        %add3A_364 = arith.addi %add3A_363, %mul3A_362 : i32
        %get3A_365 = arith.index_cast %add3A_364 : i32 to index
        %get3A_366 = tpu.vector_load %arg13[%get3A_365] {strides = array<i32>} : memref<8192xf32, #tpu.memory_space<vmem>>, vector<16xf32>,
        %get3A_367 = vector.shape_cast %get3A_366 : vector<16xf32> to vector<16xf32>
        %mul3A_368 = arith.constant 16 : i32
        %mul3A_369 = arith.muli %add3A_223, %mul3A_368 : i32
        %add3A_370 = arith.constant 7168 : i32
        %add3A_371 = arith.addi %add3A_370, %mul3A_369 : i32
        %get3A_372 = arith.index_cast %add3A_371 : i32 to index
        %get3A_373 = tpu.vector_load %arg13[%get3A_372] {strides = array<i32>} : memref<8192xf32, #tpu.memory_space<vmem>>, vector<16xf32>,
        %get3A_374 = vector.shape_cast %get3A_373 : vector<16xf32> to vector<16xf32>
        %add3A_375 = arith.addf %get3A_367, %get3A_374 : vector<16xf32>
        %ge3A_376 = arith.constant 0.000000e+00 : f32
        %ge3A_377 = vector.broadcast %ge3A_376 : f32 to vector<16xf32>
        %ge3A_378 = arith.cmpf oge, %add3A_375, %ge3A_377 : vector<16xf32>
        %mul3A_379 = arith.constant 2.000000e-01 : f32
        %mul3A_380 = vector.broadcast %mul3A_379 : f32 to vector<16xf32>
        %mul3A_381 = arith.mulf %mul3A_380, %add3A_375 : vector<16xf32>
        %select_n3A_382 = arith.select %ge3A_378, %add3A_375, %mul3A_381 : vector<16xi1>, vector<16xf32>
        %exp3A_383 = math.exp %select_n3A_382 : vector<16xf32>
        %mul3A_384 = arith.mulf %exp3A_383, %select_n3A_235 : vector<16xf32>
        %mul3A_385 = arith.constant 16 : i32
        %mul3A_386 = arith.muli %add3A_223, %mul3A_385 : i32
        %add3A_387 = arith.constant 3072 : i32
        %add3A_388 = arith.addi %add3A_387, %mul3A_386 : i32
        %get3A_389 = arith.index_cast %add3A_388 : i32 to index
        %get3A_390 = tpu.vector_load %arg15[%get3A_389] {strides = array<i32>} : memref<4096xf32, #tpu.memory_space<vmem>>, vector<16xf32>,
        %get3A_391 = vector.shape_cast %get3A_390 : vector<16xf32> to vector<16xf32>
        %add3A_392 = arith.constant 1.000000e-16 : f32
        %add3A_393 = vector.broadcast %add3A_392 : f32 to vector<16xf32>
        %add3A_394 = arith.addf %get3A_391, %add3A_393 : vector<16xf32>
        %div3A_395 = arith.divf %mul3A_384, %add3A_394 : vector<16xf32>
        %mul3A_396 = arith.constant 16 : i32
        %mul3A_397 = arith.muli %add3A_223, %mul3A_396 : i32
        %add3A_398 = arith.constant 3072 : i32
        %add3A_399 = arith.addi %add3A_398, %mul3A_397 : i32
        %swap3A_400 = arith.index_cast %add3A_399 : i32 to index
        %swap3A_401 = tpu.vector_load %arg14[%swap3A_400] {strides = array<i32>} : memref<4096xf32, #tpu.memory_space<vmem>>, vector<16xf32>,
        %swap3A_402 = vector.shape_cast %swap3A_401 : vector<16xf32> to vector<16xf32>
        %swap3A_403 = vector.shape_cast %div3A_395 : vector<16xf32> to vector<16xf32>
        tpu.vector_store %arg14[%swap3A_400], %swap3A_403 {strides = array<i32>} : memref<4096xf32, #tpu.memory_space<vmem>>, vector<16xf32>,
      }
      %scan3A_213 = arith.constant 64 : i32
      %scan3A_214 = arith.constant 0 : i32
      %scan3A_215 = arith.constant 8 : i32
      %scan3A_216 = arith.addi %scan3A_214, %scan3A_215 : i32
      %scan3A_217 = arith.constant 1 : i32
      scf.for %scan3A_219 = %scan3A_214 to %scan3A_216 step %scan3A_217  : i32 {
        %mul3A_220 = arith.constant 1 : i32
        %mul3A_221 = arith.muli %scan3A_219, %mul3A_220 : i32
        %add3A_222 = arith.constant 0 : i32
        %add3A_223 = arith.addi %add3A_222, %mul3A_221 : i32
        %dma_start3A_224 = arith.constant 0 : i32
        %dma_start3A_225 = tpu.memref_slice %arg11[%add3A_223, %dma_start3A_224] : memref<8x128xi32, #tpu.memory_space<vmem>> -> memref<1x128xi32, #tpu.memory_space<vmem>>
        %dma_start3A_226 = tpu.memref_squeeze %dma_start3A_225 : memref<1x128xi32, #tpu.memory_space<vmem>> -> memref<128xi32, #tpu.memory_space<vmem>>
        %dma_start3A_227 = arith.constant 0 : i32
        %dma_start3A_228 = arith.constant 0 : i32
        %dma_start3A_229 = tpu.memref_slice %arg2[%dma_start3A_227, %dma_start3A_228] : memref<10240x128xf32, #tpu.memory_space<hbm>> -> memref<10240x128xf32, #tpu.memory_space<hbm>>
        tpu.enqueue_indirect_dma source(%dma_start3A_229 : memref<10240x128xf32, #tpu.memory_space<hbm>>) target(%arg16 : memref<128x128xf32, #tpu.memory_space<vmem>>) offsets(%dma_start3A_226 : memref<128xi32, #tpu.memory_space<vmem>>) semaphore(%arg30 : memref<!tpu.dma_semaphore, #tpu.memory_space<semaphore_mem>>)
        %dma_wait3A_230 = arith.constant 0 : i32
        %dma_wait3A_231 = tpu.memref_slice %arg11[%add3A_223, %dma_wait3A_230] : memref<8x128xi32, #tpu.memory_space<vmem>> -> memref<1x128xi32, #tpu.memory_space<vmem>>
        %dma_wait3A_232 = tpu.memref_squeeze %dma_wait3A_231 : memref<1x128xi32, #tpu.memory_space<vmem>> -> memref<128xi32, #tpu.memory_space<vmem>>
        %dma_wait3A_233 = arith.constant 0 : i32
        %dma_wait3A_234 = arith.constant 0 : i32
        %dma_wait3A_235 = tpu.memref_slice %arg2[%dma_wait3A_233, %dma_wait3A_234] : memref<10240x128xf32, #tpu.memory_space<hbm>> -> memref<10240x128xf32, #tpu.memory_space<hbm>>
        tpu.wait_indirect_dma semaphore(%arg30 : memref<!tpu.dma_semaphore, #tpu.memory_space<semaphore_mem>>) src(%dma_wait3A_235 : memref<10240x128xf32, #tpu.memory_space<hbm>>) dst(%arg16 : memref<128x128xf32, #tpu.memory_space<vmem>>)
        %scan3A_236 = arith.constant 0 : i32
        %scan3A_237 = arith.constant 128 : i32
        %scan3A_238 = arith.addi %scan3A_236, %scan3A_237 : i32
        %scan3A_239 = arith.constant 1 : i32
        scf.for %scan3A_241 = %scan3A_236 to %scan3A_238 step %scan3A_239  : i32 {
          %mul3A_242 = arith.constant 1 : i32
          %mul3A_243 = arith.muli %scan3A_241, %mul3A_242 : i32
          %add3A_244 = arith.constant 0 : i32
          %add3A_245 = arith.addi %add3A_244, %mul3A_243 : i32
          %mul3A_246 = arith.constant 128 : i32
          %mul3A_247 = arith.muli %add3A_223, %mul3A_246 : i32
          %add3A_248 = arith.constant 0 : i32
          %add3A_249 = arith.addi %add3A_248, %mul3A_247 : i32
          %add3A_250 = arith.addi %add3A_249, %add3A_245 : i32
          %get3A = arith.index_cast %add3A_250 : i32 to index
          %get3A_251 = tpu.vector_load %arg14[%get3A] {strides = array<i32>} : memref<4096xf32, #tpu.memory_space<vmem>>, vector<16xf32>,
          %get3A_252 = vector.shape_cast %get3A_251 : vector<16xf32> to vector<16xf32>
          %slice3A = vector.extract_strided_slice %get3A_252 {offsets = [0], sizes = [1], strides = [1]} : vector<16xf32> to vector<1xf32>
          %squeeze3A = vector.extract %slice3A[0] : f32 from vector<1xf32>
          %broadcast_in_dim3A_253 = vector.broadcast %squeeze3A : f32 to vector<16xf32>
          %get3A_254 = arith.index_cast %add3A_245 : i32 to index
          %get3A_255 = arith.constant 0 : index
          %get3A_256 = tpu.vector_load %arg16[%get3A_254, %get3A_255] {strides = array<i32>} : memref<128x128xf32, #tpu.memory_space<vmem>>, vector<1x16xf32>,
          %get3A_257 = vector.shape_cast %get3A_256 : vector<1x16xf32> to vector<16xf32>
          %mul3A_258 = arith.mulf %get3A_257, %broadcast_in_dim3A_253 : vector<16xf32>
          %swap3A = arith.index_cast %add3A_245 : i32 to index
          %swap3A_259 = arith.constant 0 : index
          %swap3A_260 = tpu.vector_load %arg16[%swap3A, %swap3A_259] {strides = array<i32>} : memref<128x128xf32, #tpu.memory_space<vmem>>, vector<1x16xf32>,
          %swap3A_261 = vector.shape_cast %swap3A_260 : vector<1x16xf32> to vector<16xf32>
          %swap3A_262 = vector.shape_cast %mul3A_258 : vector<16xf32> to vector<1x16xf32>
          tpu.vector_store %arg16[%swap3A, %swap3A_259], %swap3A_262 {strides = array<i32>} : memref<128x128xf32, #tpu.memory_space<vmem>>, vector<1x16xf32>,
          %get3A_263 = arith.index_cast %add3A_245 : i32 to index
          %get3A_264 = arith.constant 16 : index
          %get3A_265 = tpu.vector_load %arg16[%get3A_263, %get3A_264] {strides = array<i32>} : memref<128x128xf32, #tpu.memory_space<vmem>>, vector<1x16xf32>,
          %get3A_266 = vector.shape_cast %get3A_265 : vector<1x16xf32> to vector<16xf32>
          %mul3A_267 = arith.mulf %get3A_266, %broadcast_in_dim3A_253 : vector<16xf32>
          %swap3A_268 = arith.index_cast %add3A_245 : i32 to index
          %swap3A_269 = arith.constant 16 : index
          %swap3A_270 = tpu.vector_load %arg16[%swap3A_268, %swap3A_269] {strides = array<i32>} : memref<128x128xf32, #tpu.memory_space<vmem>>, vector<1x16xf32>,
          %swap3A_271 = vector.shape_cast %swap3A_270 : vector<1x16xf32> to vector<16xf32>
          %swap3A_272 = vector.shape_cast %mul3A_267 : vector<16xf32> to vector<1x16xf32>
          tpu.vector_store %arg16[%swap3A_268, %swap3A_269], %swap3A_272 {strides = array<i32>} : memref<128x128xf32, #tpu.memory_space<vmem>>, vector<1x16xf32>,
          %mul3A_273 = arith.constant 128 : i32
          %mul3A_274 = arith.muli %add3A_223, %mul3A_273 : i32
          %add3A_275 = arith.constant 1024 : i32
          %add3A_276 = arith.addi %add3A_275, %mul3A_274 : i32
          %add3A_277 = arith.addi %add3A_276, %add3A_245 : i32
          %get3A_278 = arith.index_cast %add3A_277 : i32 to index
          %get3A_279 = tpu.vector_load %arg14[%get3A_278] {strides = array<i32>} : memref<4096xf32, #tpu.memory_space<vmem>>, vector<16xf32>,
          %get3A_280 = vector.shape_cast %get3A_279 : vector<16xf32> to vector<16xf32>
          %slice3A_281 = vector.extract_strided_slice %get3A_280 {offsets = [0], sizes = [1], strides = [1]} : vector<16xf32> to vector<1xf32>
          %squeeze3A_282 = vector.extract %slice3A_281[0] : f32 from vector<1xf32>
          %broadcast_in_dim3A_283 = vector.broadcast %squeeze3A_282 : f32 to vector<16xf32>
          %get3A_284 = arith.index_cast %add3A_245 : i32 to index
          %get3A_285 = arith.constant 32 : index
          %get3A_286 = tpu.vector_load %arg16[%get3A_284, %get3A_285] {strides = array<i32>} : memref<128x128xf32, #tpu.memory_space<vmem>>, vector<1x16xf32>,
          %get3A_287 = vector.shape_cast %get3A_286 : vector<1x16xf32> to vector<16xf32>
          %mul3A_288 = arith.mulf %get3A_287, %broadcast_in_dim3A_283 : vector<16xf32>
          %swap3A_289 = arith.index_cast %add3A_245 : i32 to index
          %swap3A_290 = arith.constant 32 : index
          %swap3A_291 = tpu.vector_load %arg16[%swap3A_289, %swap3A_290] {strides = array<i32>} : memref<128x128xf32, #tpu.memory_space<vmem>>, vector<1x16xf32>,
          %swap3A_292 = vector.shape_cast %swap3A_291 : vector<1x16xf32> to vector<16xf32>
          %swap3A_293 = vector.shape_cast %mul3A_288 : vector<16xf32> to vector<1x16xf32>
          tpu.vector_store %arg16[%swap3A_289, %swap3A_290], %swap3A_293 {strides = array<i32>} : memref<128x128xf32, #tpu.memory_space<vmem>>, vector<1x16xf32>,
          %get3A_294 = arith.index_cast %add3A_245 : i32 to index
          %get3A_295 = arith.constant 48 : index
          %get3A_296 = tpu.vector_load %arg16[%get3A_294, %get3A_295] {strides = array<i32>} : memref<128x128xf32, #tpu.memory_space<vmem>>, vector<1x16xf32>,
          %get3A_297 = vector.shape_cast %get3A_296 : vector<1x16xf32> to vector<16xf32>
          %mul3A_298 = arith.mulf %get3A_297, %broadcast_in_dim3A_283 : vector<16xf32>
          %swap3A_299 = arith.index_cast %add3A_245 : i32 to index
          %swap3A_300 = arith.constant 48 : index
          %swap3A_301 = tpu.vector_load %arg16[%swap3A_299, %swap3A_300] {strides = array<i32>} : memref<128x128xf32, #tpu.memory_space<vmem>>, vector<1x16xf32>,
          %swap3A_302 = vector.shape_cast %swap3A_301 : vector<1x16xf32> to vector<16xf32>
          %swap3A_303 = vector.shape_cast %mul3A_298 : vector<16xf32> to vector<1x16xf32>
          tpu.vector_store %arg16[%swap3A_299, %swap3A_300], %swap3A_303 {strides = array<i32>} : memref<128x128xf32, #tpu.memory_space<vmem>>, vector<1x16xf32>,
          %mul3A_304 = arith.constant 128 : i32
          %mul3A_305 = arith.muli %add3A_223, %mul3A_304 : i32
          %add3A_306 = arith.constant 2048 : i32
          %add3A_307 = arith.addi %add3A_306, %mul3A_305 : i32
          %add3A_308 = arith.addi %add3A_307, %add3A_245 : i32
          %get3A_309 = arith.index_cast %add3A_308 : i32 to index
          %get3A_310 = tpu.vector_load %arg14[%get3A_309] {strides = array<i32>} : memref<4096xf32, #tpu.memory_space<vmem>>, vector<16xf32>,
          %get3A_311 = vector.shape_cast %get3A_310 : vector<16xf32> to vector<16xf32>
          %slice3A_312 = vector.extract_strided_slice %get3A_311 {offsets = [0], sizes = [1], strides = [1]} : vector<16xf32> to vector<1xf32>
          %squeeze3A_313 = vector.extract %slice3A_312[0] : f32 from vector<1xf32>
          %broadcast_in_dim3A_314 = vector.broadcast %squeeze3A_313 : f32 to vector<16xf32>
          %get3A_315 = arith.index_cast %add3A_245 : i32 to index
          %get3A_316 = arith.constant 64 : index
          %get3A_317 = tpu.vector_load %arg16[%get3A_315, %get3A_316] {strides = array<i32>} : memref<128x128xf32, #tpu.memory_space<vmem>>, vector<1x16xf32>,
          %get3A_318 = vector.shape_cast %get3A_317 : vector<1x16xf32> to vector<16xf32>
          %mul3A_319 = arith.mulf %get3A_318, %broadcast_in_dim3A_314 : vector<16xf32>
          %swap3A_320 = arith.index_cast %add3A_245 : i32 to index
          %swap3A_321 = arith.constant 64 : index
          %swap3A_322 = tpu.vector_load %arg16[%swap3A_320, %swap3A_321] {strides = array<i32>} : memref<128x128xf32, #tpu.memory_space<vmem>>, vector<1x16xf32>,
          %swap3A_323 = vector.shape_cast %swap3A_322 : vector<1x16xf32> to vector<16xf32>
          %swap3A_324 = vector.shape_cast %mul3A_319 : vector<16xf32> to vector<1x16xf32>
          tpu.vector_store %arg16[%swap3A_320, %swap3A_321], %swap3A_324 {strides = array<i32>} : memref<128x128xf32, #tpu.memory_space<vmem>>, vector<1x16xf32>,
          %get3A_325 = arith.index_cast %add3A_245 : i32 to index
          %get3A_326 = arith.constant 80 : index
          %get3A_327 = tpu.vector_load %arg16[%get3A_325, %get3A_326] {strides = array<i32>} : memref<128x128xf32, #tpu.memory_space<vmem>>, vector<1x16xf32>,
          %get3A_328 = vector.shape_cast %get3A_327 : vector<1x16xf32> to vector<16xf32>
          %mul3A_329 = arith.mulf %get3A_328, %broadcast_in_dim3A_314 : vector<16xf32>
          %swap3A_330 = arith.index_cast %add3A_245 : i32 to index
          %swap3A_331 = arith.constant 80 : index
          %swap3A_332 = tpu.vector_load %arg16[%swap3A_330, %swap3A_331] {strides = array<i32>} : memref<128x128xf32, #tpu.memory_space<vmem>>, vector<1x16xf32>,
          %swap3A_333 = vector.shape_cast %swap3A_332 : vector<1x16xf32> to vector<16xf32>
          %swap3A_334 = vector.shape_cast %mul3A_329 : vector<16xf32> to vector<1x16xf32>
          tpu.vector_store %arg16[%swap3A_330, %swap3A_331], %swap3A_334 {strides = array<i32>} : memref<128x128xf32, #tpu.memory_space<vmem>>, vector<1x16xf32>,
          %mul3A_335 = arith.constant 128 : i32
          %mul3A_336 = arith.muli %add3A_223, %mul3A_335 : i32
          %add3A_337 = arith.constant 3072 : i32
          %add3A_338 = arith.addi %add3A_337, %mul3A_336 : i32
          %add3A_339 = arith.addi %add3A_338, %add3A_245 : i32
          %get3A_340 = arith.index_cast %add3A_339 : i32 to index
          %get3A_341 = tpu.vector_load %arg14[%get3A_340] {strides = array<i32>} : memref<4096xf32, #tpu.memory_space<vmem>>, vector<16xf32>,
          %get3A_342 = vector.shape_cast %get3A_341 : vector<16xf32> to vector<16xf32>
          %slice3A_343 = vector.extract_strided_slice %get3A_342 {offsets = [0], sizes = [1], strides = [1]} : vector<16xf32> to vector<1xf32>
          %squeeze3A_344 = vector.extract %slice3A_343[0] : f32 from vector<1xf32>
          %broadcast_in_dim3A_345 = vector.broadcast %squeeze3A_344 : f32 to vector<16xf32>
          %get3A_346 = arith.index_cast %add3A_245 : i32 to index
          %get3A_347 = arith.constant 96 : index
          %get3A_348 = tpu.vector_load %arg16[%get3A_346, %get3A_347] {strides = array<i32>} : memref<128x128xf32, #tpu.memory_space<vmem>>, vector<1x16xf32>,
          %get3A_349 = vector.shape_cast %get3A_348 : vector<1x16xf32> to vector<16xf32>
          %mul3A_350 = arith.mulf %get3A_349, %broadcast_in_dim3A_345 : vector<16xf32>
          %swap3A_351 = arith.index_cast %add3A_245 : i32 to index
          %swap3A_352 = arith.constant 96 : index
          %swap3A_353 = tpu.vector_load %arg16[%swap3A_351, %swap3A_352] {strides = array<i32>} : memref<128x128xf32, #tpu.memory_space<vmem>>, vector<1x16xf32>,
          %swap3A_354 = vector.shape_cast %swap3A_353 : vector<1x16xf32> to vector<16xf32>
          %swap3A_355 = vector.shape_cast %mul3A_350 : vector<16xf32> to vector<1x16xf32>
          tpu.vector_store %arg16[%swap3A_351, %swap3A_352], %swap3A_355 {strides = array<i32>} : memref<128x128xf32, #tpu.memory_space<vmem>>, vector<1x16xf32>,
          %get3A_356 = arith.index_cast %add3A_245 : i32 to index
          %get3A_357 = arith.constant 112 : index
          %get3A_358 = tpu.vector_load %arg16[%get3A_356, %get3A_357] {strides = array<i32>} : memref<128x128xf32, #tpu.memory_space<vmem>>, vector<1x16xf32>,
          %get3A_359 = vector.shape_cast %get3A_358 : vector<1x16xf32> to vector<16xf32>
          %mul3A_360 = arith.mulf %get3A_359, %broadcast_in_dim3A_345 : vector<16xf32>
          %swap3A_361 = arith.index_cast %add3A_245 : i32 to index
          %swap3A_362 = arith.constant 112 : index
          %swap3A_363 = tpu.vector_load %arg16[%swap3A_361, %swap3A_362] {strides = array<i32>} : memref<128x128xf32, #tpu.memory_space<vmem>>, vector<1x16xf32>,
          %swap3A_364 = vector.shape_cast %swap3A_363 : vector<1x16xf32> to vector<16xf32>
          %swap3A_365 = vector.shape_cast %mul3A_360 : vector<16xf32> to vector<1x16xf32>
          tpu.vector_store %arg16[%swap3A_361, %swap3A_362], %swap3A_365 {strides = array<i32>} : memref<128x128xf32, #tpu.memory_space<vmem>>, vector<1x16xf32>,
        }
        %scan3A_240 = arith.constant 128 : i32
        "tpu.region"() ({
          %run_scoped3A_241 = tpu.sem_alloc : memref<!tpu.dma_semaphore, #tpu.memory_space<semaphore_mem>>
          %dma_start3A_242 = arith.constant 0 : i32
          %dma_start3A_243 = tpu.memref_slice %arg12[%add3A_223, %dma_start3A_242] : memref<8x128xi32, #tpu.memory_space<vmem>> -> memref<1x128xi32, #tpu.memory_space<vmem>>
          %dma_start3A_244 = tpu.memref_squeeze %dma_start3A_243 : memref<1x128xi32, #tpu.memory_space<vmem>> -> memref<128xi32, #tpu.memory_space<vmem>>
          %dma_start3A_245 = arith.constant 0 : i32
          %dma_start3A_246 = arith.constant 0 : i32
          %dma_start3A_247 = tpu.memref_slice %arg29[%dma_start3A_245, %dma_start3A_246] : memref<10240x128xf32, #tpu.memory_space<vmem_shared>> -> memref<10240x128xf32, #tpu.memory_space<vmem_shared>>
          tpu.enqueue_indirect_dma source(%arg16 : memref<128x128xf32, #tpu.memory_space<vmem>>) target(%dma_start3A_247 : memref<10240x128xf32, #tpu.memory_space<vmem_shared>>) offsets(%dma_start3A_244 : memref<128xi32, #tpu.memory_space<vmem>>) semaphore(%run_scoped3A_241 : memref<!tpu.dma_semaphore, #tpu.memory_space<semaphore_mem>>) {add = true}
          %dma_wait3A_248 = arith.constant 0 : i32
          %dma_wait3A_249 = tpu.memref_slice %arg12[%add3A_223, %dma_wait3A_248] : memref<8x128xi32, #tpu.memory_space<vmem>> -> memref<1x128xi32, #tpu.memory_space<vmem>>
          %dma_wait3A_250 = tpu.memref_squeeze %dma_wait3A_249 : memref<1x128xi32, #tpu.memory_space<vmem>> -> memref<128xi32, #tpu.memory_space<vmem>>
          %dma_wait3A_251 = arith.constant 0 : i32
          %dma_wait3A_252 = arith.constant 0 : i32
          %dma_wait3A_253 = tpu.memref_slice %arg29[%dma_wait3A_251, %dma_wait3A_252] : memref<10240x128xf32, #tpu.memory_space<vmem_shared>> -> memref<10240x128xf32, #tpu.memory_space<vmem_shared>>
          tpu.wait_indirect_dma semaphore(%run_scoped3A_241 : memref<!tpu.dma_semaphore, #tpu.memory_space<semaphore_mem>>) src(%arg16 : memref<128x128xf32, #tpu.memory_space<vmem>>) dst(%dma_wait3A_253 : memref<10240x128xf32, #tpu.memory_space<vmem_shared>>)
          tpu.yield
        }) : () -> ()
      }
      %scan3A_218 = arith.constant 8 : i32
    }
    %scan3A_42 = arith.constant 10 : i32
    %barrier3A_43 = arith.constant 0 : index
    tpu.barrier barrier_id(%barrier3A_43)
    %add3A_44 = arith.constant 0 : i32
    %add3A_45 = arith.addi %multiple_of3A, %add3A_44 : i32
    %multiple_of3A_46 = tpu.assume_multiple %add3A_45, 128 : i32
    "tpu.region"() ({
      %run_scoped3A_59 = tpu.sem_alloc : memref<!tpu.dma_semaphore, #tpu.memory_space<semaphore_mem>>
      %dma_start3A = arith.constant 0 : i32
      %dma_start3A_60 = tpu.memref_slice %arg8[%arg0, %multiple_of3A_46, %dma_start3A] : memref<2x10240x128xf32, #tpu.memory_space<hbm>> -> memref<1x128x128xf32, #tpu.memory_space<hbm>>
      %dma_start3A_61 = tpu.memref_squeeze %dma_start3A_60 : memref<1x128x128xf32, #tpu.memory_space<hbm>> -> memref<128x128xf32, #tpu.memory_space<hbm>>
      %dma_start3A_62 = arith.constant 0 : i32
      %dma_start3A_63 = tpu.memref_slice %arg29[%multiple_of3A_46, %dma_start3A_62] : memref<10240x128xf32, #tpu.memory_space<vmem_shared>> -> memref<128x128xf32, #tpu.memory_space<vmem_shared>>
      tpu.enqueue_dma source(%dma_start3A_63 : memref<128x128xf32, #tpu.memory_space<vmem_shared>>) target(%dma_start3A_61 : memref<128x128xf32, #tpu.memory_space<hbm>>) target_semaphore(%run_scoped3A_59 : memref<!tpu.dma_semaphore, #tpu.memory_space<semaphore_mem>>)
      %dma_wait3A = arith.constant 0 : i32
      %dma_wait3A_64 = tpu.memref_slice %arg8[%arg0, %multiple_of3A_46, %dma_wait3A] : memref<2x10240x128xf32, #tpu.memory_space<hbm>> -> memref<1x128x128xf32, #tpu.memory_space<hbm>>
      %dma_wait3A_65 = tpu.memref_squeeze %dma_wait3A_64 : memref<1x128x128xf32, #tpu.memory_space<hbm>> -> memref<128x128xf32, #tpu.memory_space<hbm>>
      %dma_wait3A_66 = arith.constant 0 : i32
      %dma_wait3A_67 = tpu.memref_slice %arg29[%multiple_of3A_46, %dma_wait3A_66] : memref<10240x128xf32, #tpu.memory_space<vmem_shared>> -> memref<128x128xf32, #tpu.memory_space<vmem_shared>>
      tpu.wait_dma2 semaphore(%run_scoped3A_59 : memref<!tpu.dma_semaphore, #tpu.memory_space<semaphore_mem>>) src(%dma_wait3A_67 : memref<128x128xf32, #tpu.memory_space<vmem_shared>>) dst(%dma_wait3A_65 : memref<128x128xf32, #tpu.memory_space<hbm>>)
      tpu.yield
    }) : () -> ()
    %add3A_47 = arith.constant 128 : i32
    %add3A_48 = arith.addi %multiple_of3A, %add3A_47 : i32
    %multiple_of3A_49 = tpu.assume_multiple %add3A_48, 128 : i32
    "tpu.region"() ({
      %run_scoped3A_59 = tpu.sem_alloc : memref<!tpu.dma_semaphore, #tpu.memory_space<semaphore_mem>>
      %dma_start3A = arith.constant 0 : i32
      %dma_start3A_60 = tpu.memref_slice %arg8[%arg0, %multiple_of3A_49, %dma_start3A] : memref<2x10240x128xf32, #tpu.memory_space<hbm>> -> memref<1x128x128xf32, #tpu.memory_space<hbm>>
      %dma_start3A_61 = tpu.memref_squeeze %dma_start3A_60 : memref<1x128x128xf32, #tpu.memory_space<hbm>> -> memref<128x128xf32, #tpu.memory_space<hbm>>
      %dma_start3A_62 = arith.constant 0 : i32
      %dma_start3A_63 = tpu.memref_slice %arg29[%multiple_of3A_49, %dma_start3A_62] : memref<10240x128xf32, #tpu.memory_space<vmem_shared>> -> memref<128x128xf32, #tpu.memory_space<vmem_shared>>
      tpu.enqueue_dma source(%dma_start3A_63 : memref<128x128xf32, #tpu.memory_space<vmem_shared>>) target(%dma_start3A_61 : memref<128x128xf32, #tpu.memory_space<hbm>>) target_semaphore(%run_scoped3A_59 : memref<!tpu.dma_semaphore, #tpu.memory_space<semaphore_mem>>)
      %dma_wait3A = arith.constant 0 : i32
      %dma_wait3A_64 = tpu.memref_slice %arg8[%arg0, %multiple_of3A_49, %dma_wait3A] : memref<2x10240x128xf32, #tpu.memory_space<hbm>> -> memref<1x128x128xf32, #tpu.memory_space<hbm>>
      %dma_wait3A_65 = tpu.memref_squeeze %dma_wait3A_64 : memref<1x128x128xf32, #tpu.memory_space<hbm>> -> memref<128x128xf32, #tpu.memory_space<hbm>>
      %dma_wait3A_66 = arith.constant 0 : i32
      %dma_wait3A_67 = tpu.memref_slice %arg29[%multiple_of3A_49, %dma_wait3A_66] : memref<10240x128xf32, #tpu.memory_space<vmem_shared>> -> memref<128x128xf32, #tpu.memory_space<vmem_shared>>
      tpu.wait_dma2 semaphore(%run_scoped3A_59 : memref<!tpu.dma_semaphore, #tpu.memory_space<semaphore_mem>>) src(%dma_wait3A_67 : memref<128x128xf32, #tpu.memory_space<vmem_shared>>) dst(%dma_wait3A_65 : memref<128x128xf32, #tpu.memory_space<hbm>>)
      tpu.yield
    }) : () -> ()
    %add3A_50 = arith.constant 256 : i32
    %add3A_51 = arith.addi %multiple_of3A, %add3A_50 : i32
    %multiple_of3A_52 = tpu.assume_multiple %add3A_51, 128 : i32
    "tpu.region"() ({
      %run_scoped3A_59 = tpu.sem_alloc : memref<!tpu.dma_semaphore, #tpu.memory_space<semaphore_mem>>
      %dma_start3A = arith.constant 0 : i32
      %dma_start3A_60 = tpu.memref_slice %arg8[%arg0, %multiple_of3A_52, %dma_start3A] : memref<2x10240x128xf32, #tpu.memory_space<hbm>> -> memref<1x128x128xf32, #tpu.memory_space<hbm>>
      %dma_start3A_61 = tpu.memref_squeeze %dma_start3A_60 : memref<1x128x128xf32, #tpu.memory_space<hbm>> -> memref<128x128xf32, #tpu.memory_space<hbm>>
      %dma_start3A_62 = arith.constant 0 : i32
      %dma_start3A_63 = tpu.memref_slice %arg29[%multiple_of3A_52, %dma_start3A_62] : memref<10240x128xf32, #tpu.memory_space<vmem_shared>> -> memref<128x128xf32, #tpu.memory_space<vmem_shared>>
      tpu.enqueue_dma source(%dma_start3A_63 : memref<128x128xf32, #tpu.memory_space<vmem_shared>>) target(%dma_start3A_61 : memref<128x128xf32, #tpu.memory_space<hbm>>) target_semaphore(%run_scoped3A_59 : memref<!tpu.dma_semaphore, #tpu.memory_space<semaphore_mem>>)
      %dma_wait3A = arith.constant 0 : i32
      %dma_wait3A_64 = tpu.memref_slice %arg8[%arg0, %multiple_of3A_52, %dma_wait3A] : memref<2x10240x128xf32, #tpu.memory_space<hbm>> -> memref<1x128x128xf32, #tpu.memory_space<hbm>>
      %dma_wait3A_65 = tpu.memref_squeeze %dma_wait3A_64 : memref<1x128x128xf32, #tpu.memory_space<hbm>> -> memref<128x128xf32, #tpu.memory_space<hbm>>
      %dma_wait3A_66 = arith.constant 0 : i32
      %dma_wait3A_67 = tpu.memref_slice %arg29[%multiple_of3A_52, %dma_wait3A_66] : memref<10240x128xf32, #tpu.memory_space<vmem_shared>> -> memref<128x128xf32, #tpu.memory_space<vmem_shared>>
      tpu.wait_dma2 semaphore(%run_scoped3A_59 : memref<!tpu.dma_semaphore, #tpu.memory_space<semaphore_mem>>) src(%dma_wait3A_67 : memref<128x128xf32, #tpu.memory_space<vmem_shared>>) dst(%dma_wait3A_65 : memref<128x128xf32, #tpu.memory_space<hbm>>)
      tpu.yield
    }) : () -> ()
    %add3A_53 = arith.constant 384 : i32
    %add3A_54 = arith.addi %multiple_of3A, %add3A_53 : i32
    %multiple_of3A_55 = tpu.assume_multiple %add3A_54, 128 : i32
    "tpu.region"() ({
      %run_scoped3A_59 = tpu.sem_alloc : memref<!tpu.dma_semaphore, #tpu.memory_space<semaphore_mem>>
      %dma_start3A = arith.constant 0 : i32
      %dma_start3A_60 = tpu.memref_slice %arg8[%arg0, %multiple_of3A_55, %dma_start3A] : memref<2x10240x128xf32, #tpu.memory_space<hbm>> -> memref<1x128x128xf32, #tpu.memory_space<hbm>>
      %dma_start3A_61 = tpu.memref_squeeze %dma_start3A_60 : memref<1x128x128xf32, #tpu.memory_space<hbm>> -> memref<128x128xf32, #tpu.memory_space<hbm>>
      %dma_start3A_62 = arith.constant 0 : i32
      %dma_start3A_63 = tpu.memref_slice %arg29[%multiple_of3A_55, %dma_start3A_62] : memref<10240x128xf32, #tpu.memory_space<vmem_shared>> -> memref<128x128xf32, #tpu.memory_space<vmem_shared>>
      tpu.enqueue_dma source(%dma_start3A_63 : memref<128x128xf32, #tpu.memory_space<vmem_shared>>) target(%dma_start3A_61 : memref<128x128xf32, #tpu.memory_space<hbm>>) target_semaphore(%run_scoped3A_59 : memref<!tpu.dma_semaphore, #tpu.memory_space<semaphore_mem>>)
      %dma_wait3A = arith.constant 0 : i32
      %dma_wait3A_64 = tpu.memref_slice %arg8[%arg0, %multiple_of3A_55, %dma_wait3A] : memref<2x10240x128xf32, #tpu.memory_space<hbm>> -> memref<1x128x128xf32, #tpu.memory_space<hbm>>
      %dma_wait3A_65 = tpu.memref_squeeze %dma_wait3A_64 : memref<1x128x128xf32, #tpu.memory_space<hbm>> -> memref<128x128xf32, #tpu.memory_space<hbm>>
      %dma_wait3A_66 = arith.constant 0 : i32
      %dma_wait3A_67 = tpu.memref_slice %arg29[%multiple_of3A_55, %dma_wait3A_66] : memref<10240x128xf32, #tpu.memory_space<vmem_shared>> -> memref<128x128xf32, #tpu.memory_space<vmem_shared>>
      tpu.wait_dma2 semaphore(%run_scoped3A_59 : memref<!tpu.dma_semaphore, #tpu.memory_space<semaphore_mem>>) src(%dma_wait3A_67 : memref<128x128xf32, #tpu.memory_space<vmem_shared>>) dst(%dma_wait3A_65 : memref<128x128xf32, #tpu.memory_space<hbm>>)
      tpu.yield
    }) : () -> ()
    %add3A_56 = arith.constant 512 : i32
    %add3A_57 = arith.addi %multiple_of3A, %add3A_56 : i32
    %multiple_of3A_58 = tpu.assume_multiple %add3A_57, 128 : i32
    "tpu.region"() ({
      %run_scoped3A_59 = tpu.sem_alloc : memref<!tpu.dma_semaphore, #tpu.memory_space<semaphore_mem>>
      %dma_start3A = arith.constant 0 : i32
      %dma_start3A_60 = tpu.memref_slice %arg8[%arg0, %multiple_of3A_58, %dma_start3A] : memref<2x10240x128xf32, #tpu.memory_space<hbm>> -> memref<1x128x128xf32, #tpu.memory_space<hbm>>
      %dma_start3A_61 = tpu.memref_squeeze %dma_start3A_60 : memref<1x128x128xf32, #tpu.memory_space<hbm>> -> memref<128x128xf32, #tpu.memory_space<hbm>>
      %dma_start3A_62 = arith.constant 0 : i32
      %dma_start3A_63 = tpu.memref_slice %arg29[%multiple_of3A_58, %dma_start3A_62] : memref<10240x128xf32, #tpu.memory_space<vmem_shared>> -> memref<128x128xf32, #tpu.memory_space<vmem_shared>>
      tpu.enqueue_dma source(%dma_start3A_63 : memref<128x128xf32, #tpu.memory_space<vmem_shared>>) target(%dma_start3A_61 : memref<128x128xf32, #tpu.memory_space<hbm>>) target_semaphore(%run_scoped3A_59 : memref<!tpu.dma_semaphore, #tpu.memory_space<semaphore_mem>>)
      %dma_wait3A = arith.constant 0 : i32
      %dma_wait3A_64 = tpu.memref_slice %arg8[%arg0, %multiple_of3A_58, %dma_wait3A] : memref<2x10240x128xf32, #tpu.memory_space<hbm>> -> memref<1x128x128xf32, #tpu.memory_space<hbm>>
      %dma_wait3A_65 = tpu.memref_squeeze %dma_wait3A_64 : memref<1x128x128xf32, #tpu.memory_space<hbm>> -> memref<128x128xf32, #tpu.memory_space<hbm>>
      %dma_wait3A_66 = arith.constant 0 : i32
      %dma_wait3A_67 = tpu.memref_slice %arg29[%multiple_of3A_58, %dma_wait3A_66] : memref<10240x128xf32, #tpu.memory_space<vmem_shared>> -> memref<128x128xf32, #tpu.memory_space<vmem_shared>>
      tpu.wait_dma2 semaphore(%run_scoped3A_59 : memref<!tpu.dma_semaphore, #tpu.memory_space<semaphore_mem>>) src(%dma_wait3A_67 : memref<128x128xf32, #tpu.memory_space<vmem_shared>>) dst(%dma_wait3A_65 : memref<128x128xf32, #tpu.memory_space<hbm>>)
      tpu.yield
    }) : () -> ()
    return
  }
}

module attributes {stable_mosaic.version = 14 : i64} {
  func.func @_proj_body(%arg0: i32, %arg1: memref<1000x128xf32, #tpu.memory_space<vmem>>, %arg2: memref<128x128xf32, #tpu.memory_space<vmem>>, %arg3: memref<128x128xf32, #tpu.memory_space<vmem>>, %arg4: memref<1000x128xf32, #tpu.memory_space<vmem>>, %arg5: memref<1000x128xf32, #tpu.memory_space<vmem>>) attributes {dimension_semantics = [#tpu.dimension_semantics<arbitrary>], iteration_bounds = array<i64: 10>, scalar_prefetch = 0 : i64, scratch_operands = 0 : i64, tpu.core_type = #tpu.core_type<tc>, window_params = [{transform_indices = @transform_0, window_bounds = array<i64: 1000, 128>}, {pipeline_mode = #tpu.pipeline_mode<synchronous>, transform_indices = @transform_1, window_bounds = array<i64: 128, 128>}, {pipeline_mode = #tpu.pipeline_mode<synchronous>, transform_indices = @transform_2, window_bounds = array<i64: 128, 128>}, {transform_indices = @transform_3, window_bounds = array<i64: 1000, 128>}, {transform_indices = @transform_4, window_bounds = array<i64: 1000, 128>}]} {
    %get3A = arith.constant 0 : index
    %get3A_0 = arith.constant 0 : index
    %get3A_1 = vector.load %arg1[%get3A, %get3A_0] : memref<1000x128xf32, #tpu.memory_space<vmem>>, vector<1000x128xf32>
    %get3A_2 = arith.constant 0 : index
    %get3A_3 = arith.constant 0 : index
    %get3A_4 = vector.load %arg2[%get3A_2, %get3A_3] : memref<128x128xf32, #tpu.memory_space<vmem>>, vector<128x128xf32>
    %dot_general3A = arith.constant dense<0.000000e+00> : vector<1000x128xf32>
    %dot_general3A_5 = tpu.matmul %get3A_1, %get3A_4, %dot_general3A {dimension_numbers = #tpu.dot_dimension_numbers<[1], [0], [0], [1], [0, 0, 1, 1], [], []>, precision = #tpu.contract_precision<fp32>, transpose_lhs_hint = false} : vector<1000x128xf32>, vector<128x128xf32>, vector<1000x128xf32> -> vector<1000x128xf32>
    %swap3A = arith.constant 0 : index
    %swap3A_6 = arith.constant 0 : index
    %swap3A_7 = vector.load %arg4[%swap3A, %swap3A_6] : memref<1000x128xf32, #tpu.memory_space<vmem>>, vector<1000x128xf32>
    tpu.vector_store %arg4[%swap3A, %swap3A_6], %dot_general3A_5 {strides = array<i32>} : memref<1000x128xf32, #tpu.memory_space<vmem>>, vector<1000x128xf32>,
    %get3A_8 = arith.constant 0 : index
    %get3A_9 = arith.constant 0 : index
    %get3A_10 = vector.load %arg3[%get3A_8, %get3A_9] : memref<128x128xf32, #tpu.memory_space<vmem>>, vector<128x128xf32>
    %dot_general3A_11 = arith.constant dense<0.000000e+00> : vector<1000x128xf32>
    %dot_general3A_12 = tpu.matmul %dot_general3A_5, %get3A_10, %dot_general3A_11 {dimension_numbers = #tpu.dot_dimension_numbers<[1], [0], [0], [1], [0, 0, 1, 1], [], []>, precision = #tpu.contract_precision<fp32>, transpose_lhs_hint = false} : vector<1000x128xf32>, vector<128x128xf32>, vector<1000x128xf32> -> vector<1000x128xf32>
    %swap3A_13 = arith.constant 0 : index
    %swap3A_14 = arith.constant 0 : index
    %swap3A_15 = vector.load %arg5[%swap3A_13, %swap3A_14] : memref<1000x128xf32, #tpu.memory_space<vmem>>, vector<1000x128xf32>
    tpu.vector_store %arg5[%swap3A_13, %swap3A_14], %dot_general3A_12 {strides = array<i32>} : memref<1000x128xf32, #tpu.memory_space<vmem>>, vector<1000x128xf32>,
    return
  }
  func.func @transform_0(%arg0: i32) -> (i32, i32) {
    %c0_i32 = arith.constant 0 : i32
    %c0_i32_0 = arith.constant 0 : i32
    return %arg0, %c0_i32 : i32, i32
  }
  func.func @transform_1(%arg0: i32) -> (i32, i32) {
    %c0_i32 = arith.constant 0 : i32
    %c0_i32_0 = arith.constant 0 : i32
    %c0_i32_1 = arith.constant 0 : i32
    return %c0_i32, %c0_i32_0 : i32, i32
  }
  func.func @transform_2(%arg0: i32) -> (i32, i32) {
    %c0_i32 = arith.constant 0 : i32
    %c0_i32_0 = arith.constant 0 : i32
    %c0_i32_1 = arith.constant 0 : i32
    return %c0_i32, %c0_i32_0 : i32, i32
  }
  func.func @transform_3(%arg0: i32) -> (i32, i32) {
    %c0_i32 = arith.constant 0 : i32
    %c0_i32_0 = arith.constant 0 : i32
    return %arg0, %c0_i32 : i32, i32
  }
  func.func @transform_4(%arg0: i32) -> (i32, i32) {
    %c0_i32 = arith.constant 0 : i32
    %c0_i32_0 = arith.constant 0 : i32
    return %arg0, %c0_i32 : i32, i32
  }
}

module attributes {stable_mosaic.version = 14 : i64} {
  func.func @_comb_body(%arg0: i32, %arg1: memref<2x1000x128xf32, #tpu.memory_space<vmem>>, %arg2: memref<1x128xf32, #tpu.memory_space<vmem>>, %arg3: memref<1000x128xf32, #tpu.memory_space<vmem>>) attributes {dimension_semantics = [#tpu.dimension_semantics<arbitrary>], iteration_bounds = array<i64: 10>, scalar_prefetch = 0 : i64, scratch_operands = 0 : i64, tpu.core_type = #tpu.core_type<tc>, window_params = [{transform_indices = @transform_0, window_bounds = array<i64: 2, 1000, 128>}, {pipeline_mode = #tpu.pipeline_mode<synchronous>, transform_indices = @transform_1, window_bounds = array<i64: 1, 128>}, {transform_indices = @transform_2, window_bounds = array<i64: 1000, 128>}]} {
    %get3A = arith.constant 0 : index
    %get3A_0 = arith.constant 0 : index
    %get3A_1 = arith.constant 0 : index
    %get3A_2 = vector.load %arg1[%get3A, %get3A_0, %get3A_1] : memref<2x1000x128xf32, #tpu.memory_space<vmem>>, vector<1x1000x128xf32>
    %get3A_3 = vector.shape_cast %get3A_2 : vector<1x1000x128xf32> to vector<1000x128xf32>
    %get3A_4 = arith.constant 1 : index
    %get3A_5 = arith.constant 0 : index
    %get3A_6 = arith.constant 0 : index
    %get3A_7 = vector.load %arg1[%get3A_4, %get3A_5, %get3A_6] : memref<2x1000x128xf32, #tpu.memory_space<vmem>>, vector<1x1000x128xf32>
    %get3A_8 = vector.shape_cast %get3A_7 : vector<1x1000x128xf32> to vector<1000x128xf32>
    %add3A = arith.addf %get3A_3, %get3A_8 : vector<1000x128xf32>
    %get3A_9 = arith.constant 0 : index
    %get3A_10 = arith.constant 0 : index
    %get3A_11 = vector.load %arg2[%get3A_9, %get3A_10] : memref<1x128xf32, #tpu.memory_space<vmem>>, vector<1x128xf32>
    %add3A_12 = vector.broadcast %get3A_11 : vector<1x128xf32> to vector<1000x128xf32>
    %add3A_13 = arith.addf %add3A, %add3A_12 : vector<1000x128xf32>
    %swap3A = arith.constant 0 : index
    %swap3A_14 = arith.constant 0 : index
    %swap3A_15 = vector.load %arg3[%swap3A, %swap3A_14] : memref<1000x128xf32, #tpu.memory_space<vmem>>, vector<1000x128xf32>
    tpu.vector_store %arg3[%swap3A, %swap3A_14], %add3A_13 {strides = array<i32>} : memref<1000x128xf32, #tpu.memory_space<vmem>>, vector<1000x128xf32>,
    return
  }
  func.func @transform_0(%arg0: i32) -> (i32, i32, i32) {
    %c0_i32 = arith.constant 0 : i32
    %c0_i32_0 = arith.constant 0 : i32
    %c0_i32_1 = arith.constant 0 : i32
    return %c0_i32, %arg0, %c0_i32_0 : i32, i32, i32
  }
  func.func @transform_1(%arg0: i32) -> (i32, i32) {
    %c0_i32 = arith.constant 0 : i32
    %c0_i32_0 = arith.constant 0 : i32
    %c0_i32_1 = arith.constant 0 : i32
    return %c0_i32, %c0_i32_0 : i32, i32
  }
  func.func @transform_2(%arg0: i32) -> (i32, i32) {
    %c0_i32 = arith.constant 0 : i32
    %c0_i32_0 = arith.constant 0 : i32
    return %arg0, %c0_i32 : i32, i32
  }
}

</mosaic_0001>

<sc_bundles>
// kernel: kernel.5.cloned.1.call-start
scs
__scs_entry_jumppad:
0x0: {  	(pc) =	sbr.rel $0x88, $3  }
0x1: {  	(tag) =	ssettag $0x0;
	lr =	simm.s32 $0x1  }
0x2: {  	[smem:$0x3F9B] =	sst lr;
	_ =	strace $0xD0000000  }
0x3: {  	_ = 	snop  }
0x4: {  	_ = 	snop  }
0x5: {  	_ = 	snop  }
0x6: {  	_ = 	snop  }
0x7: {  	_ = 	snop  }
__scs_overlays_trampoline_lowered:
0x8: {  	[smem:$0x3FAA] =	sst s0  }
0x9: {  	[smem:$0x3FAB] =	sst s1  }
0xa: {  	[smem:$0x3FAC] =	sst s2  }
0xb: {  	[smem:$0x3FAD] =	sst s3  }
0xc: {  	[smem:$0x3FAE] =	sst s4  }
0xd: {  	[smem:$0x3FAF] =	sst s5  }
0xe: {  	[smem:$0x3FB0] =	sst s6  }
0xf: {  	[smem:$0x3FB1] =	sst s7  }
0x10: {  	[smem:$0x3FB2] =	sst s8  }
0x11: {  	[smem:$0x3FB3] =	sst s9;
	s0 =	simm.s32 @!p0 $0x0  }
0x12: {  	s1 =	sld [smem:$0x3F99];
	s0 =	simm.s32 @p0 $0x1  }
0x13: {  	[smem:$0x3FB4] =	sst s0;
	s0 =	simm.s32 @!p1 $0x0  }
0x14: {  	s2 =	sld [smem:$0x3F98];
	s0 =	simm.s32 @p1 $0x1  }
0x15: {  	[smem:$0x3FB5] =	sst s0;
	s0 =	simm.s32 @!p2 $0x0  }
0x16: {  	s3 =	sld [smem:$0x3FDB];
	s0 =	simm.s32 @p2 $0x1  }
0x17: {  	s4 =	simm.s32 $0x1BF5;
	[smem:$0x3FB7] =	sst s0  }
0x18: {  	s0 =	sld [smem:$0x3F9A];
	_ =	swait.ge [sflag:s4], $0x0  }
0x19: {  	s7 =	sld [smem:$0x3F9B]  }
0x1a: {  	s8 =	sadd.s32 $0xFFFFE003, lr  }
0x1b: {  	s9 =	sadd.s32 $0xFFFFFEF7, lr;
	s5 =	simm.s32 $0xFFFFFFFF;
	p2 =	slt.u32 s8, $0xFFFFF086  }
0x1c: {  	p1 =	slt.u32 s9, $0xF7A;
	s5 =	simm.s32 @!p2 $0x0  }
0x1d: {  	s5 =	simm.s32 @p1 $0x1;
	p0 =	seq.s32 s7, s2  }
0x1e: {  	s7 =	smul.u32 @!p0 $0xF7A, s2;
	p2 =	seq.s32 @!p0 s5, $0x0  }
0x1f: {  	s9 =	smul.u32 $0xF7A, s1;
	s8 =	simm.s32 @!p0 $0x1BF5;
	p2 =	por !p2, p0  }
0x20: {  	[sflag:s8] =	ssyncset.s32 @!p0 $0xFFFFF086;
	s6 =	sadd.s32 @!p0 s3, s7;
	s7 =	simm.s32 @!p0 $0x108  }
0x21: {  	s3 =	sadd.s32 s3, s9;
	s6 =	sadd.s32 @!p0 $0x88, s6;
	s7 =	simm.s32 @p2 $0x1082  }
0x22: {  	[simem:s7], [sflag:s8] =	dma.local @!p0 [hbm:s6], $0xF7A  }
0x23: {  	s9 =	sor.u32 $0xD0000000, s2;
	s6 =	simm.s32 $0x108;
	_ =	swait.ge @!p0 [sflag:s8], $0x0  }
0x24: {  	s3 =	sadd.s32 $0x88, s3;
	s6 =	simm.s32 @!p1 $0x1082;
	[sflag:s4] =	ssyncset.s32 $0xFFFFF086  }
0x25: {  	[simem:s6], [sflag:s4] =	dma.local [hbm:s3], $0xF7A  }
0x26: {  	[smem:$0x3F9B] =	sst s1;
	(tag) =	ssettag s2;
	_ =	strace s9  }
0x27: {  	s1 =	sld [smem:$0x3FAB]  }
0x28: {  	s2 =	sld [smem:$0x3FAC]  }
0x29: {  	s4 =	sld [smem:$0x3FAE]  }
0x2a: {  	p0 =	seq.s32 s5, $0x0;
	s5 =	sld [smem:$0x3FAF]  }
0x2b: {  	s6 =	sld [smem:$0x3FB0]  }
0x2c: {  	s7 =	sld [smem:$0x3FB1]  }
0x2d: {  	s3 =	simm.s32 $0x108;
	s8 =	sld [smem:$0x3FB2]  }
0x2e: {  	s3 =	simm.s32 @!p0 $0x1082;
	s9 =	sld [smem:$0x3FB3]  }
0x2f: {  	lr =	sadd.s32 s0, s3;
	s0 =	sld [smem:$0x3FAA]  }
0x30: {  	s3 =	sld [smem:$0x3FAD]  }
0x31: {  	[smem:$0x3FB6] =	sst s10  }
0x32: {  	s10 =	sld [smem:$0x3FB4];
	_ =	sdelay $0x3  }
0x33: {  	p0 =	seq.s32 s10, $0x1;
	s10 =	sld [smem:$0x3FB6];
	_ =	sdelay $0x3  }
0x34: {  	[smem:$0x3FB6] =	sst s10  }
0x35: {  	s10 =	sld [smem:$0x3FB5];
	_ =	sdelay $0x3  }
0x36: {  	p1 =	seq.s32 s10, $0x1;
	s10 =	sld [smem:$0x3FB6];
	_ =	sdelay $0x3  }
0x37: {  	[smem:$0x3FB6] =	sst s10  }
0x38: {  	s10 =	sld [smem:$0x3FB7]  }
0x39: {  	_ = 	snop;
	(pc) =	sbr.ind lr, $3  }
0x3a: {  	_ = 	snop  }
0x3b: {  	_ = 	snop  }
0x3c: {  	p2 =	seq.s32 s10, $0x1;
	s10 =	sld [smem:$0x3FB6]  }
0x3d: {  	_ =	shalt  }
0x3e: {  	_ =	shalt  }
0x3f: {  	_ =	shalt  }
0x40: {  	_ =	shalt  }
0x41: {  	_ =	shalt  }
0x42: {  	_ =	shalt  }
0x43: {  	_ =	shalt  }
0x44: {  	_ =	shalt  }
0x45: {  	_ =	shalt  }
0x46: {  	_ =	shalt  }
0x47: {  	_ =	shalt  }
0x48: {  	_ =	shalt  }
0x49: {  	_ =	shalt  }
0x4a: {  	_ =	shalt  }
0x4b: {  	_ =	shalt  }
0x4c: {  	_ =	shalt  }
0x4d: {  	_ =	shalt  }
0x4e: {  	_ =	shalt  }
0x4f: {  	_ =	shalt  }
0x50: {  	_ =	shalt  }
0x51: {  	_ =	shalt  }
0x52: {  	_ =	shalt  }
0x53: {  	_ =	shalt  }
0x54: {  	_ =	shalt  }
0x55: {  	_ =	shalt  }
0x56: {  	_ =	shalt  }
0x57: {  	_ =	shalt  }
0x58: {  	_ =	shalt  }
0x59: {  	_ =	shalt  }
0x5a: {  	_ =	shalt  }
0x5b: {  	_ =	shalt  }
0x5c: {  	_ =	shalt  }
0x5d: {  	_ =	shalt  }
0x5e: {  	_ =	shalt  }
0x5f: {  	_ =	shalt  }
0x60: {  	_ =	shalt  }
0x61: {  	_ =	shalt  }
0x62: {  	_ =	shalt  }
0x63: {  	_ =	shalt  }
0x64: {  	_ =	shalt  }
0x65: {  	_ =	shalt  }
0x66: {  	_ =	shalt  }
0x67: {  	_ =	shalt  }
0x68: {  	_ =	shalt  }
0x69: {  	_ =	shalt  }
0x6a: {  	_ =	shalt  }
0x6b: {  	_ =	shalt  }
0x6c: {  	_ =	shalt  }
0x6d: {  	_ =	shalt  }
0x6e: {  	_ =	shalt  }
0x6f: {  	_ =	shalt  }
0x70: {  	_ =	shalt  }
0x71: {  	_ =	shalt  }
0x72: {  	_ =	shalt  }
0x73: {  	_ =	shalt  }
0x74: {  	_ =	shalt  }
0x75: {  	_ =	shalt  }
0x76: {  	_ =	shalt  }
0x77: {  	_ =	shalt  }
0x78: {  	_ =	shalt  }
0x79: {  	_ =	shalt  }
0x7a: {  	_ =	shalt  }
0x7b: {  	_ =	shalt  }
0x7c: {  	_ =	shalt  }
0x7d: {  	_ =	shalt  }
0x7e: {  	_ =	shalt  }
0x7f: {  	_ =	shalt  }
0x80: {  	_ =	shalt  }
0x81: {  	_ =	shalt  }
0x82: {  	_ =	shalt  }
0x83: {  	_ =	shalt  }
0x84: {  	_ =	shalt  }
0x85: {  	_ =	shalt  }
0x86: {  	_ =	shalt  }
0x87: {  	_ =	shalt  }
.Lfunc_end0:
.L_simem_size_0:
called_computation_lowered:
.L_overlay_start_0:
0x88: {  	s2 =	sld [smem:$0x3FD9]  }
0x89: {  	s3 =	sld [smem:$0x3FFE];
	_ =	sdelay $0x1  }
0x8a: {  	s1 =	srdreg.scid  }
0x8b: {  	s0 =	sand.u32 $0x1, s1  }
0x8c: {  	s11 =	sshll.u32 s0, $0xA;
	s2 =	sadd.s32 s3, s2  }
0x8d: {  	s2 =	sadd.s32 s2, s11  }
0x8e: {  	[smem:$0x3FC2] =	sst s2  }
0x8f: {  	_ = 	snop  }
0x90: {  	s12 =	sld [smem:$0x3FD0];
	(tm) =	ssettm $0x1  }
0x91: {  	s13 =	sld [smem:$0x3FFB];
	_ =	sdelay $0x3  }
0x92: {  	_ =	strace s13  }
0x93: {  	s2 =	sld [smem:$0x3FFC];
	_ =	sdelay $0x3  }
0x94: {  	_ =	strace s2  }
0x95: {  	s2 =	sld [smem:$0x3FFD];
	_ =	sdelay $0x3  }
0x96: {  	_ =	strace s2  }
0x97: {  	_ =	strace $0x8FFFFFFF  }
0x98: {  	s14 =	sld [smem:$0x3FDB];
	_ =	sdelay $0x1  }
0x99: {  	s4 =	simm.s32 $_scs_section_size  }
0x9a: {  	s5 =	simm.s32 $_size__tile_task_arg_handler_lowered;
	s6 =	simm.s32 $_tile_task_arg_handler_lowered  }
0x9b: {  	s17 =	simm.s32 $0x1BFF;
	s16 =	sshll.u32 s6, $0x1;
	s4 =	sadd.s32 s4, s14  }
0x9c: {  	s7 =	simm.s32 $0x60;
	s15 =	sshll.u32 s5, $0x1;
	s5 =	sadd.s32 s16, s4  }
0x9d: {  	[timem:s7], [sflag:s17] =	dma.local [hbm:s5], s15  }
0x9e: {  	_ =	swait.ge [sflag:s17], s15  }
0x9f: {  	s18 =	simm.s32 $_tile_overlayer_lowered;
	s2 =	ssub.s32 $0x0, s15;
	[sflag:s17] =	ssyncset.done $0x0  }
0xa0: {  	s19 =	simm.s32 $_size__tile_overlayer_lowered;
	s5 =	sshll.u32 s18, $0x1;
	[sflag:s17] =	ssyncadd.s32 s2  }
0xa1: {  	s21 =	simm.s32 $0x0;
	s20 =	sshll.u32 s19, $0x1;
	s5 =	sadd.s32 s5, s4  }
0xa2: {  	[timem:s21], [sflag:s17] =	dma.local [hbm:s5], s20  }
0xa3: {  	_ =	swait.ge [sflag:s17], s20  }
0xa4: {  	s22 =	ssub.s32 $0x0, s20;
	[sflag:s17] =	ssyncset.done $0x0  }
0xa5: {  	[sflag:s17] =	ssyncadd.s32 s22;
	_ =	sdelay $0x1  }
0xa6: {  	s23 =	simm.s32 $0x1B8B  }
0xa7: {  	_ =	swait.ge [sflag:s23], $0x1  }
0xa8: {  	[sflag:s23] =	ssyncset.done $0x0  }
0xa9: {  	s25 =	simm.s32 $0x1B8E;
	s24 =	sld [smem:$0x3FFE];
	[sflag:s23] =	ssyncadd.s32 $0xFFFFFFFF  }
0xaa: {  	s26 =	simm.s32 $execute0_lowered;
	[smem:$0x3FD2] =	sst s25  }
0xab: {  	s6 =	sshll.u32 s26, $0x1;
	_ =	strace $0x80000046;
	[dreg:$0x1] =	wrdreg $0xFFFFFFFF  }
0xac: {  	s28 =	simm.s32 $_size_execute0_lowered;
	s4 =	sadd.s32 s4, s6;
	[dreg:$0x0] =	wrdreg $0x0  }
0xad: {  	s6 =	sshll.u32 s28, $0x1;
	[dreg:$0x2] =	wrdreg s4  }
0xae: {  	[dreg:$0x3] =	wrdreg s6  }
0xaf: {  	[dreg:$0x4] =	wrdreg $0xC0  }
0xb0: {  	_ =	task [dreg:s21], $0x5FFFF  }
0xb1: {  	[dreg:$0x1] =	wrdreg $0xFFFFFFFF  }
0xb2: {  	[dreg:$0x0] =	wrdreg $0x30  }
0xb3: {  	[dreg:$0x2] =	wrdreg $0x0  }
0xb4: {  	[dreg:$0x3] =	wrdreg $0xAB800  }
0xb5: {  	[dreg:$0x4] =	wrdreg $0x9  }
0xb6: {  	_ =	task [dreg:s21], $0x5FFFF  }
0xb7: {  	[dreg:$0x1] =	wrdreg $0xFFFFFFFF  }
0xb8: {  	[dreg:$0x0] =	wrdreg $0x60  }
0xb9: {  	[dreg:$0x2] =	wrdreg s24  }
0xba: {  	[dreg:$0x3] =	wrdreg s12  }
0xbb: {  	[dreg:$0x4] =	wrdreg $0xAE000  }
0xbc: {  	[dreg:$0x5] =	wrdreg $0x90000  }
0xbd: {  	[dreg:$0x6] =	wrdreg $0x9A000  }
0xbe: {  	[dreg:$0x7] =	wrdreg $0x92800  }
0xbf: {  	[dreg:$0x8] =	wrdreg $0x9C800  }
0xc0: {  	[dreg:$0x9] =	wrdreg $0x95000  }
0xc1: {  	[dreg:$0xa] =	wrdreg $0x9F000  }
0xc2: {  	[dreg:$0xb] =	wrdreg $0x97800  }
0xc3: {  	[dreg:$0xc] =	wrdreg $0xA1800  }
0xc4: {  	[dreg:$0xd] =	wrdreg $0xA4000  }
0xc5: {  	[dreg:$0xe] =	wrdreg $0xA6800  }
0xc6: {  	[dreg:$0xf] =	wrdreg $0xA9000  }
0xc7: {  	_ =	task.clear_ibuf [dreg:s21], $0x10FFFF;
	_ =	strace $0x90000046  }
0xc8: {  	s29 =	simm.s32 $0x9;
	_ =	strace $0x80000048  }
0xc9: {  	_ =	swait.ge [sflag:s29], $0x1  }
0xca: {  	[sflag:s29] =	ssyncadd.s32 $0xFFFFFFFF  }
0xcb: {  	_ =	strace $0x90000048  }
0xcc: {  	_ =	sfence  }
0xcd: {  	s30 =	sld [smem:$0x0];
	_ =	sdelay $0x2  }
0xce: {  	s31 =	sshll.u32 s1, $0xD;
	s1 =	sshrl.u32 s1, $0x2  }
0xcf: {  	s4 =	sand.u32 $0x4000, s31;
	s1 =	sadd.s32 s1, s30  }
0xd0: {  	s0 =	sor.u32 s4, s0;
	s1 =	sshll.u32 s1, $0x11  }
0xd1: {  	s0 =	sor.u32 s1, s0  }
0xd2: {  	s0 =	sadd.s32 $0x8F2B, s0  }
0xd3: {  	[sflag:s0] =	ssyncadd.remote.s32 $0x1  }
0xd4: {  	_ =	sfence.sel $0xFFFF  }
0xd5: {  	[dreg:$0x0] =	wrdreg $0xFFFFFFFF;
	(pc) =	sbr.abs _section_cstart, $3  }
0xd6: {  	[dreg:$0x1] =	wrdreg $0xFFFFFFFF  }
0xd7: {  	_ =	task.clear_ibuf [dreg:s21], $0x2FFFF;
	_ =	strace $0x9FFFFFFF  }
0xd8: {  	(tm) =	ssettm $0x7FFFFFFF  }
0xd9: {  	_ =	shalt  }
tec
_tile_task_arg_handler_lowered:
.L_overlay_start_1:
0x0: {  	(tag) =	ssettag $0x1  }
0x1: {  	s0 =	rddreg [dreg:$0x0]  }
0x2: {  	s1 =	rddreg [dreg:$0x1]  }
0x3: {  	s2 =	rddreg [dreg:$0x2]  }
0x4: {  	s3 =	rddreg [dreg:$0x3]  }
0x5: {  	s4 =	rddreg [dreg:$0x4]  }
0x6: {  	s5 =	rddreg [dreg:$0x5]  }
0x7: {  	s6 =	rddreg [dreg:$0x6]  }
0x8: {  	s7 =	rddreg [dreg:$0x7]  }
0x9: {  	s8 =	rddreg [dreg:$0x8]  }
0xa: {  	s9 =	rddreg [dreg:$0x9]  }
0xb: {  	s10 =	rddreg [dreg:$0xa]  }
0xc: {  	s11 =	rddreg [dreg:$0xb]  }
0xd: {  	s12 =	rddreg [dreg:$0xc]  }
0xe: {  	s13 =	rddreg [dreg:$0xd]  }
0xf: {  	[smem:s0] =	sst s1  }
0x10: {  	[smem:s0+$0x1] =	sst s2  }
0x11: {  	[smem:s0+$0x2] =	sst s3  }
0x12: {  	[smem:s0+$0x3] =	sst s4  }
0x13: {  	[smem:s0+$0x4] =	sst s5  }
0x14: {  	[smem:s0+$0x5] =	sst s6  }
0x15: {  	[smem:s0+$0x6] =	sst s7  }
0x16: {  	[smem:s0+$0x7] =	sst s8  }
0x17: {  	[smem:s0+$0x8] =	sst s9  }
0x18: {  	[smem:s0+$0x9] =	sst s10  }
0x19: {  	[smem:s0+$0xA] =	sst s11  }
0x1a: {  	[smem:s0+$0xB] =	sst s12  }
0x1b: {  	[smem:s0+$0xC] =	sst s13;
	_ =	shalt  }
.Lfunc_end2:
execute0_lowered:
.L_overlay_start_2:
0x1c: {  	(tag) =	ssettag $0x2  }
0x1d: {  	s0 =	rddreg [dreg:$0x0]  }
0x1e: {  	s23 =	rddreg [dreg:$0x1]  }
0x1f: {  	s1 =	rddreg [dreg:$0x2]  }
0x20: {  	s15 =	rddreg [dreg:$0x3]  }
0x21: {  	s17 =	rddreg [dreg:$0x4]  }
0x22: {  	s20 =	rddreg [dreg:$0x5]  }
0x23: {  	s21 =	rddreg [dreg:$0x6]  }
0x24: {  	s24 =	rddreg [dreg:$0x7]  }
0x25: {  	s25 =	rddreg [dreg:$0x8]  }
0x26: {  	s28 =	rddreg [dreg:$0x9];
	s26 =	stileid.u32  }
0x27: {  	s2 =	srdreg.scid;
	s3 =	smul.u32 $0x280, s26  }
0x28: {  	s29 =	rddreg [dreg:$0xa];
	s2 =	sand.u32 $0x1, s2;
	s9 =	smul.u32 $0x14000, s26  }
0x29: {  	s11 =	rddreg [dreg:$0xb];
	s30 =	simm.s32 $0x0;
	s6 =	smul.u32 $0x140000, s2  }
0x2a: {  	[smem:$0x7FF] =	sst s30;
	s4 =	sadd.s32 $0x49200, s0;
	s5 =	ssub.s32 $0x2, s2  }
0x2b: {  	s7 =	sshrl.u32 s5, $0x1;
	s8 =	sshll.u32 s3, $0x7;
	s9 =	sadd.s32 s9, s6  }
0x2c: {  	s5 =	ssub.s32 s5, s7;
	s7 =	sadd.s32 $0x4000, s8;
	s9 =	sshrl.u32 s9, $0x3  }
0x2d: {  	s10 =	sadd.s32 $0x8000, s8;
	s13 =	sadd.s32 s6, s7;
	s9 =	sadd.s32 s4, s9  }
0x2e: {  	s14 =	sadd.s32 s6, s10;
	s16 =	sshrl.u32 s13, $0x3;
	[dreg:$0xf] =	wrdreg s9  }
0x2f: {  	s18 =	sshrl.u32 s14, $0x3;
	s9 =	sadd.s32 s4, s16;
	s16 =	rddreg [dreg:$0xc]  }
0x30: {  	s19 =	sadd.s32 s4, s18;
	s18 =	rddreg [dreg:$0xd]  }
0x31: {  	s12 =	sadd.s32 $0xC000, s8;
	s8 =	sadd.s32 $0x10000, s8;
	[dreg:$0x10] =	wrdreg s9  }
0x32: {  	s22 =	sadd.s32 s6, s12;
	s6 =	sadd.s32 s6, s8;
	[dreg:$0x11] =	wrdreg s19  }
0x33: {  	s6 =	sshrl.u32 s6, $0x3;
	s9 =	sshrl.u32 s22, $0x3;
	s19 =	sld [smem:$0x0]  }
0x34: {  	s9 =	sadd.s32 s4, s9;
	s4 =	sadd.s32 s4, s6;
	s6 =	sld [smem:$0x1]  }
0x35: {  	[dreg:$0x13] =	wrdreg s9  }
0x36: {  	[dreg:$0x14] =	wrdreg s4  }
0x37: {  	s13 =	sadd.s32 $0x2B200, s0;
	s9 =	sadd.s32 $0x35200, s0;
	[dreg:$0x12] =	wrdreg s6  }
0x38: {  	s22 =	sadd.s32 $0xA00, s0;
	_ =	strace $0x80000047;
	[dreg:$0x15] =	wrdreg s9  }
0x39: {  	s4 =	sadd.s32 s3, s0;
	s0 =	sadd.s32 $0x3F200, s0;
	[dreg:$0x16] =	wrdreg s13  }
0x3a: {  	s14 =	sshll.u32 s26, $0x6;
	s6 =	sadd.s32 $0x28A00, s4;
	[dreg:$0x17] =	wrdreg s0  }
0x3b: {  	s31 =	sor.u32 $0x1C03, s14;
	s14 =	sadd.s32 $0x28A50, s4;
	[dreg:$0x19] =	wrdreg s6  }
0x3c: {  	s12 =	sadd.s32 s12, s1;
	[dreg:$0x1c] =	wrdreg s14  }
0x3d: {  	s5 =	smax.u32 s5, $0x1;
	[smem:$0x7EE] =	sst s12  }
0x3e: {  	s9 =	sadd.s32 $0x28A40, s4;
	[smem:$0x7F1] =	sst s5  }
0x3f: {  	s13 =	sadd.s32 $0x28A10, s4;
	[dreg:$0x1a] =	wrdreg s9  }
0x40: {  	s14 =	sadd.s32 $0x28A30, s4;
	[dreg:$0x1b] =	wrdreg s13  }
0x41: {  	s12 =	smov.u32 s31;
	[dreg:$0x1f] =	wrdreg s14  }
0x42: {  	s0 =	smul.u32 $0x50000, s26;
	s9 =	sadd.s32 $0x28A20, s4;
	[dreg:$0x18] =	wrdreg s12  }
0x43: {  	s6 =	sadd.s32 s3, s17;
	s13 =	sadd.s32 $0x28A60, s4;
	[dreg:$0x1d] =	wrdreg s9  }
0x44: {  	s17 =	sadd.s32 s3, s28;
	s4 =	sadd.s32 $0x28A70, s4;
	[dreg:$0x1e] =	wrdreg s13  }
0x45: {  	s14 =	sadd.s32 s3, s24;
	s24 =	sadd.s32 s3, s16;
	[smem:$0x7E9] =	sst s4  }
0x46: {  	s17 =	sshrl.u32 s17, $0x3;
	s4 =	sadd.s32 s3, s15;
	[smem:$0x7EB] =	sst s24  }
0x47: {  	s15 =	sadd.s32 s3, s25;
	s25 =	sadd.s32 s3, s11;
	[smem:$0x7F8] =	sst s17  }
0x48: {  	s9 =	sadd.s32 s3, s20;
	s14 =	sshrl.u32 s14, $0x3;
	[smem:$0x7EA] =	sst s25  }
0x49: {  	s24 =	smul.u32 $0x5000, s26;
	s26 =	sadd.s32 s7, s1;
	[smem:$0x7F6] =	sst s14  }
0x4a: {  	s20 =	sadd.s32 s3, s29;
	s29 =	sadd.s32 s10, s1;
	[smem:$0x7FC] =	sst s26  }
0x4b: {  	s25 =	sadd.s32 s3, s18;
	[smem:$0x7FD] =	sst s29  }
0x4c: {  	s13 =	sadd.s32 s3, s21;
	s3 =	sadd.s32 s3, s19;
	[smem:$0x7EC] =	sst s25  }
0x4d: {  	s2 =	smul.u32 $0x2800, s2;
	s7 =	sshrl.u32 s4, $0x3;
	[smem:$0x7ED] =	sst s3  }
0x4e: {  	s28 =	simm.s32 $0x80;
	s10 =	sshrl.u32 s9, $0x3;
	[smem:$0x7F2] =	sst s7  }
0x4f: {  	s31 =	simm.s32 $0x5000;
	s13 =	sshrl.u32 s13, $0x3;
	[smem:$0x7F4] =	sst s10  }
0x50: {  	s0 =	sshrl.u32 s0, $0x2;
	s15 =	sshrl.u32 s15, $0x3;
	[smem:$0x7F5] =	sst s13  }
0x51: {  	s5 =	simm.s32 $0xD80;
	s21 =	sadd.s32 s0, s1;
	[smem:$0x7F7] =	sst s15  }
0x52: {  	s17 =	simm.s32 $0x400;
	s4 =	simm.s32 $0xD00;
	[smem:$0x7FA] =	sst s21  }
0x53: {  	s9 =	simm.s32 $0xF00;
	s25 =	sadd.s32 s8, s1;
	[smem:$0x7FB] =	sst s24  }
0x54: {  	s3 =	sadd.s32 s2, s24;
	s8 =	sshrl.u32 s6, $0x3;
	[smem:$0x7EF] =	sst s25  }
0x55: {  	s15 =	simm.s32 $0x3;
	s6 =	simm.s32 $0xE00;
	[smem:$0x7F0] =	sst s3  }
0x56: {  	s7 =	simm.s32 $0xE80;
	s10 =	simm.s32 $0xF80;
	[smem:$0x7F3] =	sst s8  }
0x57: {  	s25 =	sshrl.u32 s20, $0x3;
	s20 =	simm.s32 $0x1;
	s8 =	simm.s32 $0xC00  }
0x58: {  	v0 =	vimm.f32 $0.0e+00;
	v1 =	vimm.f32 $1.000000000e+00;
	s3 =	simm.s32 $0xC80;
	[smem:$0x7F9] =	sst s25;
	s25 =	simm.s32 $0x2  }
.LBB3_1:
0x59: {  	s2 =	sld [smem:$0x7F2]  }
0x5a: {  	[dreg:$0xe] =	wrdreg s30  }
0x5b: {  	s0 =	rddreg [dreg:$0x19];
	s13 =	simm.s32 $0x10  }
0x5c: {  	[spmem:s2@s13], [sflag:s12] =	dma.strided [hbm:s0@s28], $0x50, s20, $0x10   }
0x5d: {  	_ =	swait.ge [sflag:s15], $0x50  }
0x5e: {  	s30 =	sld [smem:$0x7F3]  }
0x5f: {  	[sflag:s15] =	ssyncset.done $0x0  }
0x60: {  	s14 =	rddreg [dreg:$0x1a];
	[sflag:s15] =	ssyncadd.s32 $0xFFFFFFB0  }
0x61: {  	[spmem:s30@s13], [sflag:s12] =	dma.strided [hbm:s14@s28], $0x50, s20, $0x10   }
0x62: {  	_ =	swait.ge [sflag:s15], $0x50  }
0x63: {  	s30 =	sld [smem:$0x7F4]  }
0x64: {  	[sflag:s15] =	ssyncset.done $0x0  }
0x65: {  	s14 =	rddreg [dreg:$0x1b];
	[sflag:s15] =	ssyncadd.s32 $0xFFFFFFB0  }
0x66: {  	[spmem:s30@s13], [sflag:s12] =	dma.strided [hbm:s14@s28], $0x50, s20, $0x10   }
0x67: {  	_ =	swait.ge [sflag:s15], $0x50  }
0x68: {  	s30 =	sld [smem:$0x7F5]  }
0x69: {  	[sflag:s15] =	ssyncset.done $0x0  }
0x6a: {  	s14 =	rddreg [dreg:$0x1c];
	[sflag:s15] =	ssyncadd.s32 $0xFFFFFFB0  }
0x6b: {  	[spmem:s30@s13], [sflag:s12] =	dma.strided [hbm:s14@s28], $0x50, s20, $0x10   }
0x6c: {  	_ =	swait.ge [sflag:s15], $0x50  }
0x6d: {  	s30 =	sld [smem:$0x7F6]  }
0x6e: {  	[sflag:s15] =	ssyncset.done $0x0  }
0x6f: {  	s14 =	rddreg [dreg:$0x1d];
	[sflag:s15] =	ssyncadd.s32 $0xFFFFFFB0  }
0x70: {  	[spmem:s30@s13], [sflag:s12] =	dma.strided [hbm:s14@s28], $0x50, s20, $0x10   }
0x71: {  	_ =	swait.ge [sflag:s15], $0x50  }
0x72: {  	s30 =	sld [smem:$0x7F7]  }
0x73: {  	[sflag:s15] =	ssyncset.done $0x0  }
0x74: {  	s14 =	rddreg [dreg:$0x1e];
	[sflag:s15] =	ssyncadd.s32 $0xFFFFFFB0  }
0x75: {  	[spmem:s30@s13], [sflag:s12] =	dma.strided [hbm:s14@s28], $0x50, s20, $0x10   }
0x76: {  	_ =	swait.ge [sflag:s15], $0x50  }
0x77: {  	s30 =	sld [smem:$0x7F8]  }
0x78: {  	[sflag:s15] =	ssyncset.done $0x0  }
0x79: {  	s14 =	rddreg [dreg:$0x1f];
	[sflag:s15] =	ssyncadd.s32 $0xFFFFFFB0  }
0x7a: {  	[spmem:s30@s13], [sflag:s12] =	dma.strided [hbm:s14@s28], $0x50, s20, $0x10   }
0x7b: {  	_ =	swait.ge [sflag:s15], $0x50  }
0x7c: {  	s14 =	sld [smem:$0x7E9]  }
0x7d: {  	s30 =	sld [smem:$0x7F9]  }
0x7e: {  	[sflag:s15] =	ssyncset.done $0x0  }
0x7f: {  	[sflag:s15] =	ssyncadd.s32 $0xFFFFFFB0  }
0x80: {  	[spmem:s30@s13], [sflag:s12] =	dma.strided [hbm:s14@s28], $0x50, s20, $0x10   }
0x81: {  	_ =	swait.ge [sflag:s15], $0x50  }
0x82: {  	[sflag:s15] =	ssyncset.done $0x0  }
0x83: {  	s0 =	simm.s32 $0x0;
	s2 =	simm.s32 $0x200;
	[sflag:s15] =	ssyncadd.s32 $0xFFFFFFB0  }
.LBB3_2:
0x84: {  	p0 =	sne.s32 s2, $0xFE00;
	[tilespmem:s0+$0x5070] =	vst v0  }
0x85: {  	[tilespmem:s0+$0x5000] =	vst v0  }
0x86: {  	[tilespmem:s0+$0x5010] =	vst v0  }
.Ltmp0:
0x87: {  	[tilespmem:s0+$0x5020] =	vst v0;
	(pc) =	sbr.rel @p0 .LBB3_2-.Ltmp0, $4  }
0x88: {  	[tilespmem:s0+$0x5030] =	vst v0  }
0x89: {  	[tilespmem:s0+$0x5040] =	vst v0  }
0x8a: {  	[tilespmem:s0+$0x5050] =	vst v0  }
0x8b: {  	[tilespmem:s0+$0x5060] =	vst v0;
	s0 =	sshra.s32 s2, $0x2;
	s2 =	sadd.s32 $0x200, s2  }
0x8c: {  	[tilespmem:s0+$0x5070] =	vst v0  }
0x8d: {  	[tilespmem:s0+$0x5000] =	vst v0  }
0x8e: {  	[tilespmem:s0+$0x5010] =	vst v0  }
0x8f: {  	[tilespmem:s0+$0x5020] =	vst v0  }
0x90: {  	[tilespmem:s0+$0x5030] =	vst v0  }
0x91: {  	[tilespmem:s0+$0x5040] =	vst v0  }
0x92: {  	[tilespmem:s0+$0x5050] =	vst v0  }
0x93: {  	[tilespmem:s0+$0x5060] =	vst v0  }
0x94: {  	[tilespmem:$0x3000] =	vst v0  }
0x95: {  	[tilespmem:$0x3010] =	vst v0  }
0x96: {  	[tilespmem:$0x3020] =	vst v0  }
0x97: {  	[tilespmem:$0x3030] =	vst v0  }
0x98: {  	[tilespmem:$0x3040] =	vst v0  }
0x99: {  	[tilespmem:$0x3050] =	vst v0  }
0x9a: {  	[tilespmem:$0x3060] =	vst v0  }
0x9b: {  	[tilespmem:$0x3070] =	vst v0  }
0x9c: {  	[tilespmem:$0x3080] =	vst v0  }
0x9d: {  	[tilespmem:$0x3090] =	vst v0  }
0x9e: {  	[tilespmem:$0x30A0] =	vst v0  }
0x9f: {  	[tilespmem:$0x30B0] =	vst v0  }
0xa0: {  	[tilespmem:$0x30C0] =	vst v0  }
0xa1: {  	[tilespmem:$0x30D0] =	vst v0  }
0xa2: {  	[tilespmem:$0x30E0] =	vst v0  }
0xa3: {  	[tilespmem:$0x30F0] =	vst v0  }
0xa4: {  	[tilespmem:$0x3100] =	vst v0  }
0xa5: {  	[tilespmem:$0x3110] =	vst v0  }
0xa6: {  	[tilespmem:$0x3120] =	vst v0  }
0xa7: {  	[tilespmem:$0x3130] =	vst v0  }
0xa8: {  	[tilespmem:$0x3140] =	vst v0  }
0xa9: {  	[tilespmem:$0x3150] =	vst v0  }
0xaa: {  	[tilespmem:$0x3160] =	vst v0  }
0xab: {  	[tilespmem:$0x3170] =	vst v0  }
0xac: {  	[tilespmem:$0x3180] =	vst v0  }
0xad: {  	[tilespmem:$0x3190] =	vst v0  }
0xae: {  	[tilespmem:$0x31A0] =	vst v0  }
0xaf: {  	[tilespmem:$0x31B0] =	vst v0  }
0xb0: {  	[tilespmem:$0x31C0] =	vst v0  }
0xb1: {  	[tilespmem:$0x31D0] =	vst v0  }
0xb2: {  	[tilespmem:$0x31E0] =	vst v0  }
0xb3: {  	[tilespmem:$0x31F0] =	vst v0  }
0xb4: {  	[tilespmem:$0x3200] =	vst v0  }
0xb5: {  	[tilespmem:$0x3210] =	vst v0  }
0xb6: {  	[tilespmem:$0x3220] =	vst v0  }
0xb7: {  	[tilespmem:$0x3230] =	vst v0  }
0xb8: {  	[tilespmem:$0x3240] =	vst v0  }
0xb9: {  	s30 =	sld [smem:$0x7EA];
	[tilespmem:$0x3250] =	vst v0  }
0xba: {  	[tilespmem:$0x3260] =	vst v0  }
0xbb: {  	s2 =	simm.s32 $0x3000;
	[tilespmem:$0x3270] =	vst v0  }
0xbc: {  	[spmem:s30] =	stream.linear.scatter [tilespmem:s2], [sflag:$0x3], $0x280, $0x38;
	[tilespmem:$0x1EE00] =	vst v63  }
0xbd: {  	_ =	swait.ge [sflag:s15], $0x280  }
0xbe: {  	s12 =	sld [smem:$0x7EB]  }
0xbf: {  	[sflag:s15] =	ssyncset.done $0x0  }
0xc0: {  	[sflag:s15] =	ssyncadd.s32 $0xFFFFFD80  }
0xc1: {  	[spmem:s12] =	stream.linear.scatter [tilespmem:s2], [sflag:$0x3], $0x280, $0x38;
	[tilespmem:$0x1EE00] =	vst v63  }
0xc2: {  	_ =	swait.ge [sflag:s15], $0x280  }
0xc3: {  	s13 =	sld [smem:$0x7EC]  }
0xc4: {  	[sflag:s15] =	ssyncset.done $0x0  }
0xc5: {  	[sflag:s15] =	ssyncadd.s32 $0xFFFFFD80  }
0xc6: {  	[spmem:s13] =	stream.linear.scatter [tilespmem:s2], [sflag:$0x3], $0x280, $0x38;
	[tilespmem:$0x1EE00] =	vst v63  }
0xc7: {  	_ =	swait.ge [sflag:s15], $0x280  }
0xc8: {  	s14 =	sld [smem:$0x7ED]  }
0xc9: {  	[sflag:s15] =	ssyncset.done $0x0  }
0xca: {  	[sflag:s15] =	ssyncadd.s32 $0xFFFFFD80  }
0xcb: {  	[spmem:s14] =	stream.linear.scatter [tilespmem:s2], [sflag:$0x3], $0x280, $0x38;
	[tilespmem:$0x1EE00] =	vst v63  }
0xcc: {  	_ =	swait.ge [sflag:s15], $0x280  }
0xcd: {  	[sflag:s15] =	ssyncset.done $0x0  }
0xce: {  	[sflag:s15] =	ssyncadd.s32 $0xFFFFFD80  }
0xcf: {  	[spmem:s21] =	stream.linear.scatter [tilespmem:s31], [sflag:$0x3], $0x4000, $0x38;
	[tilespmem:$0x1EE00] =	vst v63  }
0xd0: {  	_ =	swait.ge [sflag:s15], $0x4000  }
0xd1: {  	[sflag:s15] =	ssyncset.done $0x0  }
0xd2: {  	[sflag:s15] =	ssyncadd.s32 $0xFFFFC000  }
0xd3: {  	[spmem:s26] =	stream.linear.scatter [tilespmem:s31], [sflag:$0x3], $0x4000, $0x38;
	[tilespmem:$0x1EE00] =	vst v63  }
0xd4: {  	_ =	swait.ge [sflag:s15], $0x4000  }
0xd5: {  	[sflag:s15] =	ssyncset.done $0x0  }
0xd6: {  	[sflag:s15] =	ssyncadd.s32 $0xFFFFC000  }
0xd7: {  	[spmem:s29] =	stream.linear.scatter [tilespmem:s31], [sflag:$0x3], $0x4000, $0x38;
	[tilespmem:$0x1EE00] =	vst v63  }
0xd8: {  	_ =	swait.ge [sflag:s15], $0x4000  }
0xd9: {  	s29 =	sld [smem:$0x7EE]  }
0xda: {  	[sflag:s15] =	ssyncset.done $0x0  }
0xdb: {  	[sflag:s15] =	ssyncadd.s32 $0xFFFFC000  }
0xdc: {  	[spmem:s29] =	stream.linear.scatter [tilespmem:s31], [sflag:$0x3], $0x4000, $0x38;
	[tilespmem:$0x1EE00] =	vst v63  }
0xdd: {  	_ =	swait.ge [sflag:s15], $0x4000  }
0xde: {  	s30 =	sld [smem:$0x7EF]  }
0xdf: {  	[sflag:s15] =	ssyncset.done $0x0  }
0xe0: {  	[sflag:s15] =	ssyncadd.s32 $0xFFFFC000  }
0xe1: {  	[spmem:s30] =	stream.linear.scatter [tilespmem:s31], [sflag:$0x3], $0x4000, $0x38;
	[tilespmem:$0x1EE00] =	vst v63  }
0xe2: {  	_ =	swait.ge [sflag:s15], $0x4000  }
0xe3: {  	[sflag:s15] =	ssyncset.done $0x0  }
0xe4: {  	s12 =	simm.s32 $0x0;
	[sflag:s15] =	ssyncadd.s32 $0xFFFFC000  }
0xe5: {  	s13 =	smov.u32 s24;
	s14 =	simm.s32 $0x0;
	[bflag:$0x0] =	sbarrier.arrive $0xFFFF  }
.LBB3_4:
0xe6: {  	s0 =	sshll.u32 s14, $0xA  }
0xe7: {  	s0 =	sadd.s32 s24, s0  }
0xe8: {  	s2 =	rddreg [dreg:$0x15];
	s0 =	sshrl.u32 s0, $0x3  }
0xe9: {  	s2 =	sadd.s32 s2, s0  }
0xea: {  	[tilespmem:s12], [sflag:$0x3] =	stream.linear.gather [hbm4b:s2+s12], $0x400, $0x38;
	[tilespmem:$0x1EE00] =	vst v63  }
0xeb: {  	_ =	swait.ge [sflag:s15], $0x400  }
0xec: {  	[sflag:s15] =	ssyncset.done $0x0;
	s21 =	rddreg [dreg:$0x16]  }
0xed: {  	[sflag:s15] =	ssyncadd.s32 $0xFFFFFC00;
	s2 =	sadd.s32 s21, s0  }
0xee: {  	[tilespmem:s17], [sflag:$0x3] =	stream.linear.gather [hbm4b:s2+s12], $0x400, $0x38;
	[tilespmem:$0x1EE00] =	vst v63  }
0xef: {  	_ =	swait.ge [sflag:s15], $0x400  }
0xf0: {  	[sflag:s15] =	ssyncset.done $0x0  }
0xf1: {  	s0 =	sadd.s32 s23, s0;
	[sflag:s15] =	ssyncadd.s32 $0xFFFFFC00  }
0xf2: {  	[tilespmem:s8], [sflag:$0x3] =	stream.linear.gather [hbm4b:s0+s12], $0x400, $0x38;
	[tilespmem:$0x1EE00] =	vst v63  }
0xf3: {  	_ =	swait.ge [sflag:s15], $0x400  }
0xf4: {  	[sflag:s15] =	ssyncset.done $0x0  }
0xf5: {  	[sflag:s15] =	ssyncadd.s32 $0xFFFFFC00  }
0xf6: {  	s30 =	simm.s32 $0x1000;
	s26 =	rddreg [dreg:$0x3]  }
0xf7: {  	[tilespmem:s30], [sflag:$0x1] =	stream.indirect.gather [spmem:s26], $0x1, s12, s17, $0xb8;
	[tilespmem:$0x1EE00] =	vst v63  }
0xf8: {  	s21 =	simm.s32 $0x1400;
	s2 =	rddreg [dreg:$0x5]  }
0xf9: {  	[tilespmem:s21], [sflag:$0x1] =	stream.indirect.gather [spmem:s2], $0x1, s12, s17, $0xb8;
	[tilespmem:$0x1EE00] =	vst v63  }
0xfa: {  	s0 =	simm.s32 $0x1800;
	s26 =	rddreg [dreg:$0x7]  }
0xfb: {  	[tilespmem:s0], [sflag:$0x1] =	stream.indirect.gather [spmem:s26], $0x1, s12, s17, $0xb8;
	[tilespmem:$0x1EE00] =	vst v63  }
0xfc: {  	s30 =	rddreg [dreg:$0x9];
	s21 =	simm.s32 $0x1C00  }
0xfd: {  	[tilespmem:s21], [sflag:$0x1] =	stream.indirect.gather [spmem:s30], $0x1, s12, s17, $0xb8;
	[tilespmem:$0x1EE00] =	vst v63  }
0xfe: {  	s26 =	rddreg [dreg:$0x4];
	s30 =	simm.s32 $0x2000  }
0xff: {  	[tilespmem:s30], [sflag:$0x1] =	stream.indirect.gather [spmem:s26], $0x1, s17, s17, $0xb8;
	[tilespmem:$0x1EE00] =	vst v63  }
0x100: {  	s26 =	rddreg [dreg:$0x6];
	s30 =	simm.s32 $0x2400  }
0x101: {  	[tilespmem:s30], [sflag:$0x1] =	stream.indirect.gather [spmem:s26], $0x1, s17, s17, $0xb8;
	[tilespmem:$0x1EE00] =	vst v63  }
0x102: {  	s26 =	rddreg [dreg:$0x8];
	s30 =	simm.s32 $0x2800  }
0x103: {  	[tilespmem:s30], [sflag:$0x1] =	stream.indirect.gather [spmem:s26], $0x1, s17, s17, $0xb8;
	[tilespmem:$0x1EE00] =	vst v63  }
0x104: {  	s26 =	rddreg [dreg:$0xa];
	s30 =	simm.s32 $0x2C00  }
0x105: {  	[tilespmem:s30], [sflag:$0x1] =	stream.indirect.gather [spmem:s26], $0x1, s17, s17, $0xb8;
	[tilespmem:$0x1EE00] =	vst v63  }
0x106: {  	_ =	swait.ge [sflag:s20], $0x400  }
0x107: {  	[sflag:s20] =	ssyncset.done $0x0  }
0x108: {  	[sflag:s20] =	ssyncadd.s32 $0xFFFFFC00  }
0x109: {  	_ =	swait.ge [sflag:s20], $0x400  }
0x10a: {  	[sflag:s20] =	ssyncset.done $0x0  }
0x10b: {  	[sflag:s20] =	ssyncadd.s32 $0xFFFFFC00  }
0x10c: {  	_ =	swait.ge [sflag:s20], $0x400  }
0x10d: {  	[sflag:s20] =	ssyncset.done $0x0  }
0x10e: {  	[sflag:s20] =	ssyncadd.s32 $0xFFFFFC00  }
0x10f: {  	_ =	swait.ge [sflag:s20], $0x400  }
0x110: {  	[sflag:s20] =	ssyncset.done $0x0  }
0x111: {  	[sflag:s20] =	ssyncadd.s32 $0xFFFFFC00  }
0x112: {  	_ =	swait.ge [sflag:s20], $0x400  }
0x113: {  	[sflag:s20] =	ssyncset.done $0x0  }
0x114: {  	[sflag:s20] =	ssyncadd.s32 $0xFFFFFC00  }
0x115: {  	_ =	swait.ge [sflag:s20], $0x400  }
0x116: {  	[sflag:s20] =	ssyncset.done $0x0  }
0x117: {  	[sflag:s20] =	ssyncadd.s32 $0xFFFFFC00  }
0x118: {  	_ =	swait.ge [sflag:s20], $0x400  }
0x119: {  	[sflag:s20] =	ssyncset.done $0x0  }
0x11a: {  	[sflag:s20] =	ssyncadd.s32 $0xFFFFFC00  }
0x11b: {  	_ =	swait.ge [sflag:s20], $0x400  }
0x11c: {  	[sflag:s20] =	ssyncset.done $0x0  }
0x11d: {  	[sflag:s20] =	ssyncadd.s32 $0xFFFFFC00  }
0x11e: {  	s26 =	sand.u32 $0x3F0, s12;
	v2 =	vld [tilespmem:s0+$0xFFFFF800]  }
0x11f: {  	v3 =	vld [tilespmem:s26+$0x2000];
	_ =	sdelay $0x4  }
0x120: {  	v2 =	vadd.f32 v3, v2;
	_ =	sdelay $0x1  }
0x121: {  	v3 =	vmul.f32 $2.000000030e-01, v2  }
0x122: {  	vm0 =	vge.f32 v2, $0.0e+00  }
0x123: {  	v2 =	vsel vm0, v2, v3  }
0x124: {  	v2 =	vmul.f32 $1.442695020e+00, v2;
	_ =	sdelay $0x1  }
0x125: {  	(erf) = vpow2.f32 v2;
	_ =	sdelay $0x6  }
0x126: {  	s30 =	sadd.s32 $0x0, s13  }
0x127: {  	p0 =	slt.u32 s30, $0x4E200  }
0x128: {  	v2 =	vpsel !p0, $0x0, v1;
	v3 =	vpop (erf)  }
0x129: {  	v3 =	vmul.f32 v3, v2  }
0x12a: {  	s2 =	simm.s32 $0x3800  }
0x12b: {  	[tilespmem:s2+$0xFFFFF800] =	vst v3  }
0x12c: {  	v3 =	vld [tilespmem:s0+$0xFFFFFC00]  }
0x12d: {  	v4 =	vld [tilespmem:s26+$0x2400];
	_ =	sdelay $0x4  }
0x12e: {  	v3 =	vadd.f32 v4, v3;
	_ =	sdelay $0x1  }
0x12f: {  	v4 =	vmul.f32 $2.000000030e-01, v3  }
0x130: {  	vm13 =	vge.f32 v3, $0.0e+00  }
0x131: {  	v3 =	vsel vm13, v3, v4  }
0x132: {  	v3 =	vmul.f32 $1.442695020e+00, v3;
	_ =	sdelay $0x1  }
0x133: {  	(erf) = vpow2.f32 v3;
	_ =	sdelay $0x8  }
0x134: {  	v3 =	vpop (erf)  }
0x135: {  	v3 =	vmul.f32 v3, v2;
	_ =	sdelay $0x1  }
0x136: {  	[tilespmem:s2+$0xFFFFFC00] =	vst v3  }
0x137: {  	v3 =	vld [tilespmem:s0+$0x0]  }
0x138: {  	v62 =	vld [tilespmem:s26+$0x2800];
	_ =	sdelay $0x4  }
0x139: {  	v3 =	vadd.f32 v62, v3;
	_ =	sdelay $0x1  }
0x13a: {  	v4 =	vmul.f32 $2.000000030e-01, v3  }
0x13b: {  	vm14 =	vge.f32 v3, $0.0e+00  }
0x13c: {  	v3 =	vsel vm14, v3, v4  }
0x13d: {  	v3 =	vmul.f32 $1.442695020e+00, v3;
	_ =	sdelay $0x1  }
0x13e: {  	(erf) = vpow2.f32 v3;
	_ =	sdelay $0x8  }
0x13f: {  	v3 =	vpop (erf)  }
0x140: {  	v3 =	vmul.f32 v3, v2;
	_ =	sdelay $0x1  }
0x141: {  	[tilespmem:s2+$0x0] =	vst v3  }
0x142: {  	v3 =	vld [tilespmem:s0+$0x400]  }
0x143: {  	v63 =	vld [tilespmem:s26+$0x2C00];
	_ =	sdelay $0x4  }
0x144: {  	v3 =	vadd.f32 v63, v3;
	_ =	sdelay $0x1  }
0x145: {  	v4 =	vmul.f32 $2.000000030e-01, v3  }
0x146: {  	vm15 =	vge.f32 v3, $0.0e+00  }
0x147: {  	v3 =	vsel vm15, v3, v4  }
0x148: {  	v3 =	vmul.f32 $1.442695020e+00, v3;
	_ =	sdelay $0x1  }
0x149: {  	s29 =	simm.s32 $0x10;
	s26 =	simm.s32 $0x3800;
	(erf) = vpow2.f32 v3  }
.LBB3_5:
0x14a: {  	_ =	sdelay $0x7  }
0x14b: {  	p0 =	sne.s32 s29, $0x3F0;
	s2 =	sadd.s32 $0x10, s2;
	s0 =	sadd.s32 $0x10, s0;
	v3 =	vpop (erf)  }
0x14c: {  	s30 =	smov.u32 s29;
	s29 =	sadd.s32 $0x10, s29;
	v2 =	vmul.f32 v3, v2;
	_ =	sdelay $0x1  }
0x14d: {  	[tilespmem:s26+$0x400] =	vst v2;
	s26 =	smov.u32 s2  }
0x14e: {  	s21 =	sand.u32 $0x3F0, s30;
	v2 =	vld [tilespmem:s0+$0xFFFFF800]  }
0x14f: {  	v3 =	vld [tilespmem:s21+$0x2000];
	_ =	sdelay $0x4  }
0x150: {  	v2 =	vadd.f32 v3, v2;
	_ =	sdelay $0x1  }
0x151: {  	v3 =	vmul.f32 $2.000000030e-01, v2  }
0x152: {  	vm0 =	vge.f32 v2, $0.0e+00  }
0x153: {  	v2 =	vsel vm0, v2, v3  }
0x154: {  	v2 =	vmul.f32 $1.442695020e+00, v2;
	_ =	sdelay $0x1  }
0x155: {  	(erf) = vpow2.f32 v2;
	_ =	sdelay $0x6  }
0x156: {  	s30 =	sadd.s32 s30, s13  }
0x157: {  	p1 =	slt.u32 s30, $0x4E200  }
0x158: {  	v2 =	vpsel !p1, $0x0, v1;
	v3 =	vpop (erf)  }
0x159: {  	v3 =	vmul.f32 v3, v2;
	_ =	sdelay $0x1  }
0x15a: {  	[tilespmem:s2+$0xFFFFF800] =	vst v3  }
0x15b: {  	v3 =	vld [tilespmem:s0+$0xFFFFFC00]  }
0x15c: {  	v4 =	vld [tilespmem:s21+$0x2400];
	_ =	sdelay $0x4  }
0x15d: {  	v3 =	vadd.f32 v4, v3;
	_ =	sdelay $0x1  }
0x15e: {  	vm0 =	vge.f32 v3, $0.0e+00;
	v4 =	vmul.f32 $2.000000030e-01, v3;
	_ =	sdelay $0x1  }
0x15f: {  	v3 =	vsel vm0, v3, v4  }
0x160: {  	v3 =	vmul.f32 $1.442695020e+00, v3;
	_ =	sdelay $0x1  }
0x161: {  	(erf) = vpow2.f32 v3;
	_ =	sdelay $0x8  }
0x162: {  	v3 =	vpop (erf)  }
0x163: {  	v3 =	vmul.f32 v3, v2;
	_ =	sdelay $0x1  }
0x164: {  	[tilespmem:s2+$0xFFFFFC00] =	vst v3  }
0x165: {  	v3 =	vld [tilespmem:s0+$0x0]  }
0x166: {  	v4 =	vld [tilespmem:s21+$0x2800];
	_ =	sdelay $0x4  }
0x167: {  	v3 =	vadd.f32 v4, v3;
	_ =	sdelay $0x1  }
0x168: {  	vm0 =	vge.f32 v3, $0.0e+00;
	v4 =	vmul.f32 $2.000000030e-01, v3;
	_ =	sdelay $0x1  }
0x169: {  	v3 =	vsel vm0, v3, v4  }
0x16a: {  	v3 =	vmul.f32 $1.442695020e+00, v3;
	_ =	sdelay $0x1  }
0x16b: {  	(erf) = vpow2.f32 v3;
	_ =	sdelay $0x8  }
0x16c: {  	v3 =	vpop (erf)  }
0x16d: {  	v3 =	vmul.f32 v3, v2;
	_ =	sdelay $0x1  }
0x16e: {  	[tilespmem:s2+$0x0] =	vst v3  }
0x16f: {  	v3 =	vld [tilespmem:s0+$0x400]  }
0x170: {  	v4 =	vld [tilespmem:s21+$0x2C00];
	_ =	sdelay $0x4  }
0x171: {  	v3 =	vadd.f32 v4, v3;
	_ =	sdelay $0x1  }
0x172: {  	vm0 =	vge.f32 v3, $0.0e+00;
	v4 =	vmul.f32 $2.000000030e-01, v3  }
.Ltmp1:
0x173: {  	(pc) =	sbr.rel @p0 .LBB3_5-.Ltmp1, $3  }
0x174: {  	v3 =	vsel vm0, v3, v4  }
0x175: {  	v3 =	vmul.f32 $1.442695020e+00, v3;
	_ =	sdelay $0x1  }
0x176: {  	(erf) = vpow2.f32 v3  }
0x177: {  	_ =	sdelay $0x7  }
0x178: {  	v3 =	vpop (erf)  }
0x179: {  	v2 =	vmul.f32 v3, v2;
	_ =	sdelay $0x1  }
0x17a: {  	s0 =	simm.s32 $0x3000;
	[tilespmem:s26+$0x400] =	vst v2  }
0x17b: {  	[spmem:s11] =	stream.indirect.scatter.add.f32 [tilespmem:s0], [sflag:$0x2], $0x1, s8, s28, $0xb8;
	[tilespmem:$0x1EE00] =	vst v63  }
0x17c: {  	s30 =	simm.s32 $0x3080  }
0x17d: {  	[spmem:s11] =	stream.indirect.scatter.add.f32 [tilespmem:s30], [sflag:$0x2], $0x1, s3, s28, $0xb8;
	[tilespmem:$0x1EE00] =	vst v63  }
0x17e: {  	s2 =	simm.s32 $0x3100  }
0x17f: {  	[spmem:s11] =	stream.indirect.scatter.add.f32 [tilespmem:s2], [sflag:$0x2], $0x1, s4, s28, $0xb8;
	[tilespmem:$0x1EE00] =	vst v63  }
0x180: {  	s21 =	simm.s32 $0x3180  }
0x181: {  	[spmem:s11] =	stream.indirect.scatter.add.f32 [tilespmem:s21], [sflag:$0x2], $0x1, s5, s28, $0xb8;
	[tilespmem:$0x1EE00] =	vst v63  }
0x182: {  	s26 =	simm.s32 $0x3200  }
0x183: {  	[spmem:s11] =	stream.indirect.scatter.add.f32 [tilespmem:s26], [sflag:$0x2], $0x1, s6, s28, $0xb8;
	[tilespmem:$0x1EE00] =	vst v63  }
0x184: {  	s29 =	simm.s32 $0x3280  }
0x185: {  	[spmem:s11] =	stream.indirect.scatter.add.f32 [tilespmem:s29], [sflag:$0x2], $0x1, s7, s28, $0xb8;
	[tilespmem:$0x1EE00] =	vst v63  }
0x186: {  	s30 =	simm.s32 $0x3300  }
0x187: {  	[spmem:s11] =	stream.indirect.scatter.add.f32 [tilespmem:s30], [sflag:$0x2], $0x1, s9, s28, $0xb8;
	[tilespmem:$0x1EE00] =	vst v63  }
0x188: {  	s2 =	simm.s32 $0x3380  }
0x189: {  	[spmem:s11] =	stream.indirect.scatter.add.f32 [tilespmem:s2], [sflag:$0x2], $0x1, s10, s28, $0xb8;
	[tilespmem:$0x1EE00] =	vst v63  }
0x18a: {  	s21 =	simm.s32 $0x3400  }
0x18b: {  	[spmem:s16] =	stream.indirect.scatter.add.f32 [tilespmem:s21], [sflag:$0x2], $0x1, s8, s28, $0xb8;
	[tilespmem:$0x1EE00] =	vst v63  }
0x18c: {  	s26 =	simm.s32 $0x3480  }
0x18d: {  	[spmem:s16] =	stream.indirect.scatter.add.f32 [tilespmem:s26], [sflag:$0x2], $0x1, s3, s28, $0xb8;
	[tilespmem:$0x1EE00] =	vst v63  }
0x18e: {  	s29 =	simm.s32 $0x3500  }
0x18f: {  	[spmem:s16] =	stream.indirect.scatter.add.f32 [tilespmem:s29], [sflag:$0x2], $0x1, s4, s28, $0xb8;
	[tilespmem:$0x1EE00] =	vst v63  }
0x190: {  	s30 =	simm.s32 $0x3580  }
0x191: {  	[spmem:s16] =	stream.indirect.scatter.add.f32 [tilespmem:s30], [sflag:$0x2], $0x1, s5, s28, $0xb8;
	[tilespmem:$0x1EE00] =	vst v63  }
0x192: {  	s2 =	simm.s32 $0x3600  }
0x193: {  	[spmem:s16] =	stream.indirect.scatter.add.f32 [tilespmem:s2], [sflag:$0x2], $0x1, s6, s28, $0xb8;
	[tilespmem:$0x1EE00] =	vst v63  }
0x194: {  	s21 =	simm.s32 $0x3680  }
0x195: {  	[spmem:s16] =	stream.indirect.scatter.add.f32 [tilespmem:s21], [sflag:$0x2], $0x1, s7, s28, $0xb8;
	[tilespmem:$0x1EE00] =	vst v63  }
0x196: {  	s26 =	simm.s32 $0x3700  }
0x197: {  	[spmem:s16] =	stream.indirect.scatter.add.f32 [tilespmem:s26], [sflag:$0x2], $0x1, s9, s28, $0xb8;
	[tilespmem:$0x1EE00] =	vst v63  }
0x198: {  	s29 =	simm.s32 $0x3780  }
0x199: {  	[spmem:s16] =	stream.indirect.scatter.add.f32 [tilespmem:s29], [sflag:$0x2], $0x1, s10, s28, $0xb8;
	[tilespmem:$0x1EE00] =	vst v63  }
0x19a: {  	s30 =	simm.s32 $0x3800  }
0x19b: {  	[spmem:s18] =	stream.indirect.scatter.add.f32 [tilespmem:s30], [sflag:$0x2], $0x1, s8, s28, $0xb8;
	[tilespmem:$0x1EE00] =	vst v63  }
0x19c: {  	s2 =	simm.s32 $0x3880  }
0x19d: {  	[spmem:s18] =	stream.indirect.scatter.add.f32 [tilespmem:s2], [sflag:$0x2], $0x1, s3, s28, $0xb8;
	[tilespmem:$0x1EE00] =	vst v63  }
0x19e: {  	s21 =	simm.s32 $0x3900  }
0x19f: {  	[spmem:s18] =	stream.indirect.scatter.add.f32 [tilespmem:s21], [sflag:$0x2], $0x1, s4, s28, $0xb8;
	[tilespmem:$0x1EE00] =	vst v63  }
0x1a0: {  	s26 =	simm.s32 $0x3980  }
0x1a1: {  	[spmem:s18] =	stream.indirect.scatter.add.f32 [tilespmem:s26], [sflag:$0x2], $0x1, s5, s28, $0xb8;
	[tilespmem:$0x1EE00] =	vst v63  }
0x1a2: {  	s29 =	simm.s32 $0x3A00  }
0x1a3: {  	[spmem:s18] =	stream.indirect.scatter.add.f32 [tilespmem:s29], [sflag:$0x2], $0x1, s6, s28, $0xb8;
	[tilespmem:$0x1EE00] =	vst v63  }
0x1a4: {  	s30 =	simm.s32 $0x3A80  }
0x1a5: {  	[spmem:s18] =	stream.indirect.scatter.add.f32 [tilespmem:s30], [sflag:$0x2], $0x1, s7, s28, $0xb8;
	[tilespmem:$0x1EE00] =	vst v63  }
0x1a6: {  	s2 =	simm.s32 $0x3B00  }
0x1a7: {  	[spmem:s18] =	stream.indirect.scatter.add.f32 [tilespmem:s2], [sflag:$0x2], $0x1, s9, s28, $0xb8;
	[tilespmem:$0x1EE00] =	vst v63  }
0x1a8: {  	s21 =	simm.s32 $0x3B80  }
0x1a9: {  	[spmem:s18] =	stream.indirect.scatter.add.f32 [tilespmem:s21], [sflag:$0x2], $0x1, s10, s28, $0xb8;
	[tilespmem:$0x1EE00] =	vst v63  }
0x1aa: {  	s26 =	simm.s32 $0x3C00  }
0x1ab: {  	[spmem:s19] =	stream.indirect.scatter.add.f32 [tilespmem:s26], [sflag:$0x2], $0x1, s8, s28, $0xb8;
	[tilespmem:$0x1EE00] =	vst v63  }
0x1ac: {  	s29 =	simm.s32 $0x3C80  }
0x1ad: {  	[spmem:s19] =	stream.indirect.scatter.add.f32 [tilespmem:s29], [sflag:$0x2], $0x1, s3, s28, $0xb8;
	[tilespmem:$0x1EE00] =	vst v63  }
0x1ae: {  	s30 =	simm.s32 $0x3D00  }
0x1af: {  	[spmem:s19] =	stream.indirect.scatter.add.f32 [tilespmem:s30], [sflag:$0x2], $0x1, s4, s28, $0xb8;
	[tilespmem:$0x1EE00] =	vst v63  }
0x1b0: {  	s2 =	simm.s32 $0x3D80  }
0x1b1: {  	[spmem:s19] =	stream.indirect.scatter.add.f32 [tilespmem:s2], [sflag:$0x2], $0x1, s5, s28, $0xb8;
	[tilespmem:$0x1EE00] =	vst v63  }
0x1b2: {  	s21 =	simm.s32 $0x3E00  }
0x1b3: {  	[spmem:s19] =	stream.indirect.scatter.add.f32 [tilespmem:s21], [sflag:$0x2], $0x1, s6, s28, $0xb8;
	[tilespmem:$0x1EE00] =	vst v63  }
0x1b4: {  	s26 =	simm.s32 $0x3E80  }
0x1b5: {  	[spmem:s19] =	stream.indirect.scatter.add.f32 [tilespmem:s26], [sflag:$0x2], $0x1, s7, s28, $0xb8;
	[tilespmem:$0x1EE00] =	vst v63  }
0x1b6: {  	s29 =	simm.s32 $0x3F00  }
0x1b7: {  	[spmem:s19] =	stream.indirect.scatter.add.f32 [tilespmem:s29], [sflag:$0x2], $0x1, s9, s28, $0xb8;
	[tilespmem:$0x1EE00] =	vst v63  }
0x1b8: {  	s30 =	simm.s32 $0x3F80  }
0x1b9: {  	[spmem:s19] =	stream.indirect.scatter.add.f32 [tilespmem:s30], [sflag:$0x2], $0x1, s10, s28, $0xb8;
	[tilespmem:$0x1EE00] =	vst v63  }
0x1ba: {  	_ =	swait.ge [sflag:s25], $0x80  }
0x1bb: {  	[sflag:s25] =	ssyncset.done $0x0  }
0x1bc: {  	[sflag:s25] =	ssyncadd.s32 $0xFFFFFF80  }
0x1bd: {  	_ =	swait.ge [sflag:s25], $0x80  }
0x1be: {  	[sflag:s25] =	ssyncset.done $0x0  }
0x1bf: {  	[sflag:s25] =	ssyncadd.s32 $0xFFFFFF80  }
0x1c0: {  	_ =	swait.ge [sflag:s25], $0x80  }
0x1c1: {  	[sflag:s25] =	ssyncset.done $0x0  }
0x1c2: {  	[sflag:s25] =	ssyncadd.s32 $0xFFFFFF80  }
0x1c3: {  	_ =	swait.ge [sflag:s25], $0x80  }
0x1c4: {  	[sflag:s25] =	ssyncset.done $0x0  }
0x1c5: {  	[sflag:s25] =	ssyncadd.s32 $0xFFFFFF80  }
0x1c6: {  	_ =	swait.ge [sflag:s25], $0x80  }
0x1c7: {  	[sflag:s25] =	ssyncset.done $0x0  }
0x1c8: {  	[sflag:s25] =	ssyncadd.s32 $0xFFFFFF80  }
0x1c9: {  	_ =	swait.ge [sflag:s25], $0x80  }
0x1ca: {  	[sflag:s25] =	ssyncset.done $0x0  }
0x1cb: {  	[sflag:s25] =	ssyncadd.s32 $0xFFFFFF80  }
0x1cc: {  	_ =	swait.ge [sflag:s25], $0x80  }
0x1cd: {  	[sflag:s25] =	ssyncset.done $0x0  }
0x1ce: {  	[sflag:s25] =	ssyncadd.s32 $0xFFFFFF80  }
0x1cf: {  	_ =	swait.ge [sflag:s25], $0x80  }
0x1d0: {  	[sflag:s25] =	ssyncset.done $0x0  }
0x1d1: {  	[sflag:s25] =	ssyncadd.s32 $0xFFFFFF80  }
0x1d2: {  	_ =	swait.ge [sflag:s25], $0x80  }
0x1d3: {  	[sflag:s25] =	ssyncset.done $0x0  }
0x1d4: {  	[sflag:s25] =	ssyncadd.s32 $0xFFFFFF80  }
0x1d5: {  	_ =	swait.ge [sflag:s25], $0x80  }
0x1d6: {  	[sflag:s25] =	ssyncset.done $0x0  }
0x1d7: {  	[sflag:s25] =	ssyncadd.s32 $0xFFFFFF80  }
0x1d8: {  	_ =	swait.ge [sflag:s25], $0x80  }
0x1d9: {  	[sflag:s25] =	ssyncset.done $0x0  }
0x1da: {  	[sflag:s25] =	ssyncadd.s32 $0xFFFFFF80  }
0x1db: {  	_ =	swait.ge [sflag:s25], $0x80  }
0x1dc: {  	[sflag:s25] =	ssyncset.done $0x0  }
0x1dd: {  	[sflag:s25] =	ssyncadd.s32 $0xFFFFFF80  }
0x1de: {  	_ =	swait.ge [sflag:s25], $0x80  }
0x1df: {  	[sflag:s25] =	ssyncset.done $0x0  }
0x1e0: {  	[sflag:s25] =	ssyncadd.s32 $0xFFFFFF80  }
0x1e1: {  	_ =	swait.ge [sflag:s25], $0x80  }
0x1e2: {  	[sflag:s25] =	ssyncset.done $0x0  }
0x1e3: {  	[sflag:s25] =	ssyncadd.s32 $0xFFFFFF80  }
0x1e4: {  	_ =	swait.ge [sflag:s25], $0x80  }
0x1e5: {  	[sflag:s25] =	ssyncset.done $0x0  }
0x1e6: {  	[sflag:s25] =	ssyncadd.s32 $0xFFFFFF80  }
0x1e7: {  	_ =	swait.ge [sflag:s25], $0x80  }
0x1e8: {  	[sflag:s25] =	ssyncset.done $0x0  }
0x1e9: {  	[sflag:s25] =	ssyncadd.s32 $0xFFFFFF80  }
0x1ea: {  	_ =	swait.ge [sflag:s25], $0x80  }
0x1eb: {  	[sflag:s25] =	ssyncset.done $0x0  }
0x1ec: {  	[sflag:s25] =	ssyncadd.s32 $0xFFFFFF80  }
0x1ed: {  	_ =	swait.ge [sflag:s25], $0x80  }
0x1ee: {  	[sflag:s25] =	ssyncset.done $0x0  }
0x1ef: {  	[sflag:s25] =	ssyncadd.s32 $0xFFFFFF80  }
0x1f0: {  	_ =	swait.ge [sflag:s25], $0x80  }
0x1f1: {  	[sflag:s25] =	ssyncset.done $0x0  }
0x1f2: {  	[sflag:s25] =	ssyncadd.s32 $0xFFFFFF80  }
0x1f3: {  	_ =	swait.ge [sflag:s25], $0x80  }
0x1f4: {  	[sflag:s25] =	ssyncset.done $0x0  }
0x1f5: {  	[sflag:s25] =	ssyncadd.s32 $0xFFFFFF80  }
0x1f6: {  	_ =	swait.ge [sflag:s25], $0x80  }
0x1f7: {  	[sflag:s25] =	ssyncset.done $0x0  }
0x1f8: {  	[sflag:s25] =	ssyncadd.s32 $0xFFFFFF80  }
0x1f9: {  	_ =	swait.ge [sflag:s25], $0x80  }
0x1fa: {  	[sflag:s25] =	ssyncset.done $0x0  }
0x1fb: {  	[sflag:s25] =	ssyncadd.s32 $0xFFFFFF80  }
0x1fc: {  	_ =	swait.ge [sflag:s25], $0x80  }
0x1fd: {  	[sflag:s25] =	ssyncset.done $0x0  }
0x1fe: {  	[sflag:s25] =	ssyncadd.s32 $0xFFFFFF80  }
0x1ff: {  	_ =	swait.ge [sflag:s25], $0x80  }
0x200: {  	[sflag:s25] =	ssyncset.done $0x0  }
0x201: {  	[sflag:s25] =	ssyncadd.s32 $0xFFFFFF80  }
0x202: {  	_ =	swait.ge [sflag:s25], $0x80  }
0x203: {  	[sflag:s25] =	ssyncset.done $0x0  }
0x204: {  	[sflag:s25] =	ssyncadd.s32 $0xFFFFFF80  }
0x205: {  	_ =	swait.ge [sflag:s25], $0x80  }
0x206: {  	[sflag:s25] =	ssyncset.done $0x0  }
0x207: {  	[sflag:s25] =	ssyncadd.s32 $0xFFFFFF80  }
0x208: {  	_ =	swait.ge [sflag:s25], $0x80  }
0x209: {  	[sflag:s25] =	ssyncset.done $0x0  }
0x20a: {  	[sflag:s25] =	ssyncadd.s32 $0xFFFFFF80  }
0x20b: {  	_ =	swait.ge [sflag:s25], $0x80  }
0x20c: {  	[sflag:s25] =	ssyncset.done $0x0  }
0x20d: {  	[sflag:s25] =	ssyncadd.s32 $0xFFFFFF80  }
0x20e: {  	_ =	swait.ge [sflag:s25], $0x80  }
0x20f: {  	[sflag:s25] =	ssyncset.done $0x0  }
0x210: {  	[sflag:s25] =	ssyncadd.s32 $0xFFFFFF80  }
0x211: {  	_ =	swait.ge [sflag:s25], $0x80  }
0x212: {  	[sflag:s25] =	ssyncset.done $0x0  }
0x213: {  	s14 =	sadd.s32 $0x1, s14;
	[sflag:s25] =	ssyncadd.s32 $0xFFFFFF80  }
0x214: {  	p0 =	sne.s32 s14, $0x14;
	_ =	swait.ge [sflag:s25], $0x80  }
.Ltmp2:
0x215: {  	[sflag:s25] =	ssyncset.done $0x0;
	(pc) =	sbr.rel @p0 .LBB3_4-.Ltmp2, $4  }
0x216: {  	[sflag:s25] =	ssyncadd.s32 $0xFFFFFF80  }
0x217: {  	_ =	swait.ge [sflag:s25], $0x80  }
0x218: {  	[sflag:s25] =	ssyncset.done $0x0  }
0x219: {  	s13 =	sadd.s32 $0x400, s13;
	[sflag:s25] =	ssyncadd.s32 $0xFFFFFF80  }
0x21a: {  	[bflag:$0x0] =	sbarrier.arrive $0xFFFF  }
0x21b: {  	s13 =	simm.s32 $0x0;
	s12 =	simm.s32 $0x0;
	s14 =	sld [smem:$0x7F0]  }
.LBB3_8:
0x21c: {  	s2 =	sld [smem:$0x7F0];
	_ =	sdelay $0x1  }
0x21d: {  	s0 =	sshll.u32 s12, $0xA  }
0x21e: {  	s0 =	sadd.s32 s0, s2  }
0x21f: {  	s21 =	rddreg [dreg:$0x15];
	s0 =	sshrl.u32 s0, $0x3  }
0x220: {  	s2 =	sadd.s32 s21, s0  }
0x221: {  	[tilespmem:s13], [sflag:$0x3] =	stream.linear.gather [hbm4b:s2+s13], $0x400, $0x38;
	[tilespmem:$0x1EE00] =	vst v63  }
0x222: {  	_ =	swait.ge [sflag:s15], $0x400  }
0x223: {  	[sflag:s15] =	ssyncset.done $0x0;
	s24 =	rddreg [dreg:$0x16]  }
0x224: {  	[sflag:s15] =	ssyncadd.s32 $0xFFFFFC00;
	s2 =	sadd.s32 s24, s0  }
0x225: {  	[tilespmem:s17], [sflag:$0x3] =	stream.linear.gather [hbm4b:s2+s13], $0x400, $0x38;
	[tilespmem:$0x1EE00] =	vst v63  }
0x226: {  	_ =	swait.ge [sflag:s15], $0x400  }
0x227: {  	[sflag:s15] =	ssyncset.done $0x0;
	s26 =	rddreg [dreg:$0x17]  }
0x228: {  	s21 =	simm.s32 $0x800;
	[sflag:s15] =	ssyncadd.s32 $0xFFFFFC00;
	s2 =	sadd.s32 s26, s0  }
0x229: {  	[tilespmem:s21], [sflag:$0x3] =	stream.linear.gather [hbm4b:s2+s13], $0x400, $0x38;
	[tilespmem:$0x1EE00] =	vst v63  }
0x22a: {  	_ =	swait.ge [sflag:s15], $0x400  }
0x22b: {  	[sflag:s15] =	ssyncset.done $0x0  }
0x22c: {  	s0 =	sadd.s32 s23, s0;
	[sflag:s15] =	ssyncadd.s32 $0xFFFFFC00  }
0x22d: {  	[tilespmem:s8], [sflag:$0x3] =	stream.linear.gather [hbm4b:s0+s13], $0x400, $0x38;
	[tilespmem:$0x1EE00] =	vst v63  }
0x22e: {  	_ =	swait.ge [sflag:s15], $0x400  }
0x22f: {  	[sflag:s15] =	ssyncset.done $0x0  }
0x230: {  	[sflag:s15] =	ssyncadd.s32 $0xFFFFFC00  }
0x231: {  	s21 =	simm.s32 $0x1000;
	s2 =	rddreg [dreg:$0x3]  }
0x232: {  	[tilespmem:s21], [sflag:$0x1] =	stream.indirect.gather [spmem:s2], $0x1, s13, s17, $0xb8;
	[tilespmem:$0x1EE00] =	vst v63  }
0x233: {  	s24 =	smov.u32 s23;
	s26 =	simm.s32 $0x1400;
	s23 =	rddreg [dreg:$0x5]  }
0x234: {  	[tilespmem:s26], [sflag:$0x1] =	stream.indirect.gather [spmem:s23], $0x1, s13, s17, $0xb8;
	[tilespmem:$0x1EE00] =	vst v63  }
0x235: {  	s2 =	rddreg [dreg:$0x7];
	s26 =	simm.s32 $0x1800  }
0x236: {  	[tilespmem:s26], [sflag:$0x1] =	stream.indirect.gather [spmem:s2], $0x1, s13, s17, $0xb8;
	[tilespmem:$0x1EE00] =	vst v63  }
0x237: {  	s21 =	rddreg [dreg:$0x9];
	s23 =	simm.s32 $0x1C00  }
0x238: {  	[tilespmem:s23], [sflag:$0x1] =	stream.indirect.gather [spmem:s21], $0x1, s13, s17, $0xb8;
	[tilespmem:$0x1EE00] =	vst v63  }
0x239: {  	s21 =	rddreg [dreg:$0x4];
	s23 =	simm.s32 $0x2000  }
0x23a: {  	[tilespmem:s23], [sflag:$0x1] =	stream.indirect.gather [spmem:s21], $0x1, s17, s17, $0xb8;
	[tilespmem:$0x1EE00] =	vst v63  }
0x23b: {  	s21 =	rddreg [dreg:$0x6];
	s23 =	simm.s32 $0x2400  }
0x23c: {  	[tilespmem:s23], [sflag:$0x1] =	stream.indirect.gather [spmem:s21], $0x1, s17, s17, $0xb8;
	[tilespmem:$0x1EE00] =	vst v63  }
0x23d: {  	s21 =	rddreg [dreg:$0x8];
	s23 =	simm.s32 $0x2800  }
0x23e: {  	[tilespmem:s23], [sflag:$0x1] =	stream.indirect.gather [spmem:s21], $0x1, s17, s17, $0xb8;
	[tilespmem:$0x1EE00] =	vst v63  }
0x23f: {  	s21 =	rddreg [dreg:$0xa];
	s23 =	simm.s32 $0x2C00  }
0x240: {  	[tilespmem:s23], [sflag:$0x1] =	stream.indirect.gather [spmem:s21], $0x1, s17, s17, $0xb8;
	[tilespmem:$0x1EE00] =	vst v63  }
0x241: {  	s21 =	simm.s32 $0x4000  }
0x242: {  	[tilespmem:s21], [sflag:$0x2] =	stream.indirect.gather [spmem:s11], $0x1, s17, s17, $0xb8;
	[tilespmem:$0x1EE00] =	vst v63  }
0x243: {  	s23 =	simm.s32 $0x4400  }
0x244: {  	[tilespmem:s23], [sflag:$0x2] =	stream.indirect.gather [spmem:s16], $0x1, s17, s17, $0xb8;
	[tilespmem:$0x1EE00] =	vst v63  }
0x245: {  	s29 =	simm.s32 $0x4800  }
0x246: {  	[tilespmem:s29], [sflag:$0x2] =	stream.indirect.gather [spmem:s18], $0x1, s17, s17, $0xb8;
	[tilespmem:$0x1EE00] =	vst v63  }
0x247: {  	s2 =	simm.s32 $0x4C00  }
0x248: {  	[tilespmem:s2], [sflag:$0x2] =	stream.indirect.gather [spmem:s19], $0x1, s17, s17, $0xb8;
	[tilespmem:$0x1EE00] =	vst v63  }
0x249: {  	_ =	swait.ge [sflag:s20], $0x400  }
0x24a: {  	[sflag:s20] =	ssyncset.done $0x0  }
0x24b: {  	[sflag:s20] =	ssyncadd.s32 $0xFFFFFC00  }
0x24c: {  	_ =	swait.ge [sflag:s20], $0x400  }
0x24d: {  	[sflag:s20] =	ssyncset.done $0x0  }
0x24e: {  	[sflag:s20] =	ssyncadd.s32 $0xFFFFFC00  }
0x24f: {  	_ =	swait.ge [sflag:s20], $0x400  }
0x250: {  	[sflag:s20] =	ssyncset.done $0x0  }
0x251: {  	[sflag:s20] =	ssyncadd.s32 $0xFFFFFC00  }
0x252: {  	_ =	swait.ge [sflag:s20], $0x400  }
0x253: {  	[sflag:s20] =	ssyncset.done $0x0  }
0x254: {  	[sflag:s20] =	ssyncadd.s32 $0xFFFFFC00  }
0x255: {  	_ =	swait.ge [sflag:s20], $0x400  }
0x256: {  	[sflag:s20] =	ssyncset.done $0x0  }
0x257: {  	[sflag:s20] =	ssyncadd.s32 $0xFFFFFC00  }
0x258: {  	_ =	swait.ge [sflag:s20], $0x400  }
0x259: {  	[sflag:s20] =	ssyncset.done $0x0  }
0x25a: {  	[sflag:s20] =	ssyncadd.s32 $0xFFFFFC00  }
0x25b: {  	_ =	swait.ge [sflag:s20], $0x400  }
0x25c: {  	[sflag:s20] =	ssyncset.done $0x0  }
0x25d: {  	[sflag:s20] =	ssyncadd.s32 $0xFFFFFC00  }
0x25e: {  	_ =	swait.ge [sflag:s20], $0x400  }
0x25f: {  	[sflag:s20] =	ssyncset.done $0x0  }
0x260: {  	[sflag:s20] =	ssyncadd.s32 $0xFFFFFC00  }
0x261: {  	_ =	swait.ge [sflag:s25], $0x400  }
0x262: {  	[sflag:s25] =	ssyncset.done $0x0  }
0x263: {  	[sflag:s25] =	ssyncadd.s32 $0xFFFFFC00  }
0x264: {  	_ =	swait.ge [sflag:s25], $0x400  }
0x265: {  	[sflag:s25] =	ssyncset.done $0x0  }
0x266: {  	[sflag:s25] =	ssyncadd.s32 $0xFFFFFC00  }
0x267: {  	_ =	swait.ge [sflag:s25], $0x400  }
0x268: {  	[sflag:s25] =	ssyncset.done $0x0  }
0x269: {  	[sflag:s25] =	ssyncadd.s32 $0xFFFFFC00  }
0x26a: {  	_ =	swait.ge [sflag:s25], $0x400  }
0x26b: {  	[sflag:s25] =	ssyncset.done $0x0  }
0x26c: {  	[sflag:s25] =	ssyncadd.s32 $0xFFFFFC00  }
0x26d: {  	s21 =	sand.u32 $0x3F0, s13;
	v2 =	vld [tilespmem:s26+$0xFFFFF800]  }
0x26e: {  	v3 =	vld [tilespmem:s21+$0x2000];
	_ =	sdelay $0x4  }
0x26f: {  	v2 =	vadd.f32 v3, v2;
	_ =	sdelay $0x1  }
0x270: {  	v4 =	vld [tilespmem:s29+$0xFFFFF800];
	v3 =	vmul.f32 $2.000000030e-01, v2  }
0x271: {  	vm0 =	vge.f32 v2, $0.0e+00  }
0x272: {  	v2 =	vsel vm0, v2, v3  }
0x273: {  	v2 =	vmul.f32 $1.442695020e+00, v2;
	_ =	sdelay $0x1  }
0x274: {  	v3 =	vadd.f32 $1.000000020e-16, v4;
	(erf) = vpow2.f32 v2;
	_ =	sdelay $0x1  }
0x275: {  	(erf) = vrcp.f32 v3;
	_ =	sdelay $0x4  }
0x276: {  	s23 =	sadd.s32 $0x0, s14  }
0x277: {  	p0 =	slt.u32 s23, $0x4E200  }
0x278: {  	v2 =	vpsel !p0, $0x0, v1;
	v3 =	vpop (erf)  }
0x279: {  	v3 =	vmul.f32 v3, v2  }
0x27a: {  	v4 =	vpop (erf)  }
0x27b: {  	v3 =	vmul.f32 v3, v4  }
0x27c: {  	s0 =	simm.s32 $0x3800  }
0x27d: {  	[tilespmem:s0+$0xFFFFF800] =	vst v3  }
0x27e: {  	v3 =	vld [tilespmem:s26+$0xFFFFFC00]  }
0x27f: {  	v4 =	vld [tilespmem:s21+$0x2400];
	_ =	sdelay $0x4  }
0x280: {  	v3 =	vadd.f32 v4, v3;
	_ =	sdelay $0x1  }
0x281: {  	v4 =	vld [tilespmem:s29+$0xFFFFFC00];
	v5 =	vmul.f32 $2.000000030e-01, v3  }
0x282: {  	vm13 =	vge.f32 v3, $0.0e+00  }
0x283: {  	v3 =	vsel vm13, v3, v5  }
0x284: {  	v3 =	vmul.f32 $1.442695020e+00, v3;
	_ =	sdelay $0x1  }
0x285: {  	v4 =	vadd.f32 $1.000000020e-16, v4;
	(erf) = vpow2.f32 v3;
	_ =	sdelay $0x1  }
0x286: {  	(erf) = vrcp.f32 v4;
	_ =	sdelay $0x6  }
0x287: {  	v3 =	vpop (erf)  }
0x288: {  	v3 =	vmul.f32 v3, v2  }
0x289: {  	v4 =	vpop (erf)  }
0x28a: {  	v3 =	vmul.f32 v3, v4;
	_ =	sdelay $0x1  }
0x28b: {  	[tilespmem:s0+$0xFFFFFC00] =	vst v3  }
0x28c: {  	v3 =	vld [tilespmem:s26+$0x0]  }
0x28d: {  	v4 =	vld [tilespmem:s21+$0x2800];
	_ =	sdelay $0x4  }
0x28e: {  	v3 =	vadd.f32 v4, v3;
	_ =	sdelay $0x1  }
0x28f: {  	v4 =	vld [tilespmem:s29+$0x0];
	v5 =	vmul.f32 $2.000000030e-01, v3  }
0x290: {  	vm14 =	vge.f32 v3, $0.0e+00  }
0x291: {  	v3 =	vsel vm14, v3, v5  }
0x292: {  	v3 =	vmul.f32 $1.442695020e+00, v3;
	_ =	sdelay $0x1  }
0x293: {  	v4 =	vadd.f32 $1.000000020e-16, v4;
	(erf) = vpow2.f32 v3;
	_ =	sdelay $0x1  }
0x294: {  	(erf) = vrcp.f32 v4;
	_ =	sdelay $0x6  }
0x295: {  	v3 =	vpop (erf)  }
0x296: {  	v3 =	vmul.f32 v3, v2  }
0x297: {  	v4 =	vpop (erf)  }
0x298: {  	v3 =	vmul.f32 v3, v4;
	_ =	sdelay $0x1  }
0x299: {  	[tilespmem:s0+$0x0] =	vst v3  }
0x29a: {  	v3 =	vld [tilespmem:s26+$0x400]  }
0x29b: {  	v4 =	vld [tilespmem:s21+$0x2C00];
	_ =	sdelay $0x3  }
0x29c: {  	v5 =	vld [tilespmem:s29+$0x400]  }
0x29d: {  	v3 =	vadd.f32 v4, v3;
	_ =	sdelay $0x1  }
0x29e: {  	v4 =	vmul.f32 $2.000000030e-01, v3  }
0x29f: {  	vm15 =	vge.f32 v3, $0.0e+00  }
0x2a0: {  	v5 =	vadd.f32 $1.000000020e-16, v5;
	v3 =	vsel vm15, v3, v4  }
0x2a1: {  	v3 =	vmul.f32 $1.442695020e+00, v3  }
0x2a2: {  	(erf) = vrcp.f32 v5  }
0x2a3: {  	(erf) = vpow2.f32 v3;
	_ =	sdelay $0x7  }
0x2a4: {  	v3 =	vpop (erf)  }
0x2a5: {  	v4 =	vpop (erf)  }
0x2a6: {  	s30 =	simm.s32 $0x3800;
	s2 =	simm.s32 $0x10;
	v2 =	vmul.f32 v4, v2  }
.LBB3_9:
0x2a7: {  	s26 =	sadd.s32 $0x10, s26;
	s0 =	sadd.s32 $0x10, s0;
	s29 =	sadd.s32 $0x10, s29  }
0x2a8: {  	p0 =	sne.s32 s2, $0x3F0;
	s23 =	smov.u32 s2;
	s2 =	sadd.s32 $0x10, s2;
	v2 =	vmul.f32 v2, v3  }
0x2a9: {  	_ = 	snop  }
0x2aa: {  	[tilespmem:s30+$0x400] =	vst v2;
	s30 =	smov.u32 s0  }
0x2ab: {  	s21 =	sand.u32 $0x3F0, s23;
	v2 =	vld [tilespmem:s26+$0xFFFFF800]  }
0x2ac: {  	v3 =	vld [tilespmem:s21+$0x2000];
	_ =	sdelay $0x4  }
0x2ad: {  	v2 =	vadd.f32 v3, v2;
	_ =	sdelay $0x1  }
0x2ae: {  	v3 =	vmul.f32 $2.000000030e-01, v2;
	v4 =	vld [tilespmem:s29+$0xFFFFF800]  }
0x2af: {  	vm0 =	vge.f32 v2, $0.0e+00  }
0x2b0: {  	v2 =	vsel vm0, v2, v3  }
0x2b1: {  	v2 =	vmul.f32 $1.442695020e+00, v2;
	_ =	sdelay $0x1  }
0x2b2: {  	v3 =	vadd.f32 $1.000000020e-16, v4;
	(erf) = vpow2.f32 v2;
	_ =	sdelay $0x1  }
0x2b3: {  	(erf) = vrcp.f32 v3;
	_ =	sdelay $0x4  }
0x2b4: {  	s23 =	sadd.s32 s23, s14  }
0x2b5: {  	p1 =	slt.u32 s23, $0x4E200  }
0x2b6: {  	v2 =	vpsel !p1, $0x0, v1;
	v3 =	vpop (erf)  }
0x2b7: {  	v3 =	vmul.f32 v3, v2  }
0x2b8: {  	v4 =	vpop (erf)  }
0x2b9: {  	v3 =	vmul.f32 v3, v4;
	_ =	sdelay $0x1  }
0x2ba: {  	[tilespmem:s0+$0xFFFFF800] =	vst v3  }
0x2bb: {  	v3 =	vld [tilespmem:s26+$0xFFFFFC00]  }
0x2bc: {  	v4 =	vld [tilespmem:s21+$0x2400];
	_ =	sdelay $0x4  }
0x2bd: {  	v3 =	vadd.f32 v4, v3  }
0x2be: {  	v4 =	vld [tilespmem:s29+$0xFFFFFC00]  }
0x2bf: {  	vm0 =	vge.f32 v3, $0.0e+00;
	v5 =	vmul.f32 $2.000000030e-01, v3;
	_ =	sdelay $0x1  }
0x2c0: {  	v3 =	vsel vm0, v3, v5  }
0x2c1: {  	v3 =	vmul.f32 $1.442695020e+00, v3  }
0x2c2: {  	v4 =	vadd.f32 $1.000000020e-16, v4  }
0x2c3: {  	(erf) = vpow2.f32 v3  }
0x2c4: {  	(erf) = vrcp.f32 v4;
	_ =	sdelay $0x7  }
0x2c5: {  	v3 =	vpop (erf)  }
0x2c6: {  	v3 =	vmul.f32 v3, v2;
	v4 =	vpop (erf);
	_ =	sdelay $0x1  }
0x2c7: {  	v3 =	vmul.f32 v3, v4;
	_ =	sdelay $0x1  }
0x2c8: {  	[tilespmem:s0+$0xFFFFFC00] =	vst v3  }
0x2c9: {  	v3 =	vld [tilespmem:s26+$0x0]  }
0x2ca: {  	v4 =	vld [tilespmem:s21+$0x2800];
	_ =	sdelay $0x4  }
0x2cb: {  	v3 =	vadd.f32 v4, v3;
	v4 =	vld [tilespmem:s29+$0x0];
	_ =	sdelay $0x1  }
0x2cc: {  	vm0 =	vge.f32 v3, $0.0e+00;
	v5 =	vmul.f32 $2.000000030e-01, v3;
	_ =	sdelay $0x1  }
0x2cd: {  	v3 =	vsel vm0, v3, v5  }
0x2ce: {  	v3 =	vmul.f32 $1.442695020e+00, v3;
	v4 =	vadd.f32 $1.000000020e-16, v4;
	_ =	sdelay $0x1  }
0x2cf: {  	(erf) = vpow2.f32 v3;
	_ =	sdelay $0x1  }
0x2d0: {  	(erf) = vrcp.f32 v4;
	_ =	sdelay $0x6  }
0x2d1: {  	v3 =	vpop (erf)  }
0x2d2: {  	v3 =	vmul.f32 v3, v2  }
0x2d3: {  	v4 =	vpop (erf)  }
0x2d4: {  	v3 =	vmul.f32 v3, v4;
	_ =	sdelay $0x1  }
0x2d5: {  	[tilespmem:s0+$0x0] =	vst v3  }
0x2d6: {  	v3 =	vld [tilespmem:s26+$0x400]  }
0x2d7: {  	v4 =	vld [tilespmem:s21+$0x2C00]  }
0x2d8: {  	v5 =	vld [tilespmem:s29+$0x400];
	_ =	sdelay $0x3  }
0x2d9: {  	v3 =	vadd.f32 v4, v3  }
0x2da: {  	v4 =	vadd.f32 $1.000000020e-16, v5  }
0x2db: {  	vm0 =	vge.f32 v3, $0.0e+00;
	v5 =	vmul.f32 $2.000000030e-01, v3;
	_ =	sdelay $0x1  }
0x2dc: {  	v3 =	vsel vm0, v3, v5  }
0x2dd: {  	v3 =	vmul.f32 $1.442695020e+00, v3  }
0x2de: {  	(erf) = vrcp.f32 v4  }
0x2df: {  	(erf) = vpow2.f32 v3;
	_ =	sdelay $0x5  }
.Ltmp3:
0x2e0: {  	(pc) =	sbr.rel @p0 .LBB3_9-.Ltmp3, $4  }
0x2e1: {  	_ = 	snop  }
0x2e2: {  	v3 =	vpop (erf)  }
0x2e3: {  	v4 =	vpop (erf)  }
0x2e4: {  	v2 =	vmul.f32 v4, v2  }
0x2e5: {  	_ = 	snop  }
0x2e6: {  	v2 =	vmul.f32 v2, v3;
	_ =	sdelay $0x1  }
0x2e7: {  	s0 =	simm.s32 $0x0;
	s2 =	simm.s32 $0x3000;
	[tilespmem:s30+$0x400] =	vst v2  }
.LBB3_11:
0x2e8: {  	s21 =	sshll.u32 s0, $0x7  }
0x2e9: {  	s23 =	sadd.s32 $0x800, s21  }
0x2ea: {  	[tilespmem:s31], [sflag:$0x1] =	stream.indirect.gather [hbm4b:s22+s28], $0x80, s23, s28, $0xb8;
	[tilespmem:$0x1EE00] =	vst v63  }
0x2eb: {  	_ =	swait.ge [sflag:s20], $0x4000  }
0x2ec: {  	[sflag:s20] =	ssyncset.done $0x0  }
0x2ed: {  	s29 =	sadd.s32 $0x0, s2;
	[sflag:s20] =	ssyncadd.s32 $0xFFFFC000  }
0x2ee: {  	s26 =	simm.s32 $0x5040;
	s30 =	simm.s32 $0x4;
	v2 =	vld.msk [tilespmem:s29+$0x0 ss:$0x0], $0xffff  }
.LBB3_12:
0x2ef: {  	p0 =	sne.s32 s30, $0x1FC;
	v3 =	vld [tilespmem:s26+$0xFFFFFFC0]  }
0x2f0: {  	v4 =	vld [tilespmem:s26+$0xFFFFFFD0];
	_ =	sdelay $0x3  }
0x2f1: {  	v3 =	vmul.f32 v2, v3  }
0x2f2: {  	v2 =	vmul.f32 v4, v2  }
0x2f3: {  	[tilespmem:s26+$0xFFFFFFC0] =	vst v3  }
0x2f4: {  	[tilespmem:s26+$0xFFFFFFD0] =	vst v2  }
0x2f5: {  	v2 =	vld.msk [tilespmem:s29+$0x400 ss:$0x0], $0xffff  }
0x2f6: {  	v3 =	vld [tilespmem:s26+$0xFFFFFFE0]  }
0x2f7: {  	v4 =	vld [tilespmem:s26+$0xFFFFFFF0];
	_ =	sdelay $0x3  }
0x2f8: {  	v3 =	vmul.f32 v2, v3  }
0x2f9: {  	v2 =	vmul.f32 v4, v2  }
0x2fa: {  	[tilespmem:s26+$0xFFFFFFE0] =	vst v3  }
0x2fb: {  	[tilespmem:s26+$0xFFFFFFF0] =	vst v2;
	v2 =	vld [tilespmem:s26+$0x10]  }
0x2fc: {  	v3 =	vld.msk [tilespmem:s29+$0x800 ss:$0x0], $0xffff  }
0x2fd: {  	v4 =	vld [tilespmem:s26+$0x0];
	_ =	sdelay $0x4  }
0x2fe: {  	v2 =	vmul.f32 v2, v3;
	v4 =	vmul.f32 v3, v4;
	_ =	sdelay $0x1  }
0x2ff: {  	[tilespmem:s26+$0x10] =	vst v2  }
0x300: {  	[tilespmem:s26+$0x0] =	vst v4;
	v2 =	vld [tilespmem:s26+$0x30]  }
0x301: {  	v3 =	vld.msk [tilespmem:s29+$0xC00 ss:$0x0], $0xffff  }
0x302: {  	v4 =	vld [tilespmem:s26+$0x20];
	_ =	sdelay $0x4  }
.Ltmp4:
0x303: {  	v2 =	vmul.f32 v2, v3;
	v4 =	vmul.f32 v3, v4;
	(pc) =	sbr.rel @p0 .LBB3_12-.Ltmp4, $4  }
0x304: {  	_ = 	snop  }
0x305: {  	s23 =	sshra.s32 s30, $0x2;
	[tilespmem:s26+$0x20] =	vst v4  }
0x306: {  	s29 =	sadd.s32 s23, s2;
	[tilespmem:s26+$0x30] =	vst v2  }
0x307: {  	s30 =	sadd.s32 $0x4, s30;
	s26 =	sadd.s32 $0x80, s26;
	v2 =	vld.msk [tilespmem:s29+$0x0 ss:$0x0], $0xffff  }
0x308: {  	v3 =	vld [tilespmem:s26+$0xFFFFFFC0]  }
0x309: {  	v4 =	vld [tilespmem:s26+$0xFFFFFFD0];
	_ =	sdelay $0x3  }
0x30a: {  	v3 =	vmul.f32 v2, v3  }
0x30b: {  	v2 =	vmul.f32 v4, v2  }
0x30c: {  	[tilespmem:s26+$0xFFFFFFC0] =	vst v3  }
0x30d: {  	[tilespmem:s26+$0xFFFFFFD0] =	vst v2;
	v3 =	vld [tilespmem:s26+$0xFFFFFFE0]  }
0x30e: {  	v2 =	vld.msk [tilespmem:s29+$0x400 ss:$0x0], $0xffff  }
0x30f: {  	v61 =	vld [tilespmem:s26+$0xFFFFFFF0];
	_ =	sdelay $0x3  }
0x310: {  	v3 =	vmul.f32 v2, v3  }
0x311: {  	v2 =	vmul.f32 v61, v2  }
0x312: {  	[tilespmem:s26+$0xFFFFFFE0] =	vst v3  }
0x313: {  	[tilespmem:s26+$0xFFFFFFF0] =	vst v2;
	v2 =	vld [tilespmem:s26+$0x10]  }
0x314: {  	v3 =	vld.msk [tilespmem:s29+$0x800 ss:$0x0], $0xffff  }
0x315: {  	v62 =	vld [tilespmem:s26+$0x0];
	_ =	sdelay $0x3  }
0x316: {  	v2 =	vmul.f32 v2, v3  }
0x317: {  	v3 =	vmul.f32 v3, v62  }
0x318: {  	[tilespmem:s26+$0x10] =	vst v2  }
0x319: {  	[tilespmem:s26+$0x0] =	vst v3;
	v3 =	vld [tilespmem:s26+$0x20]  }
0x31a: {  	v2 =	vld.msk [tilespmem:s29+$0xC00 ss:$0x0], $0xffff  }
0x31b: {  	v63 =	vld [tilespmem:s26+$0x30];
	_ =	sdelay $0x3  }
0x31c: {  	v3 =	vmul.f32 v2, v3  }
0x31d: {  	s0 =	sadd.s32 $0x1, s0;
	v2 =	vmul.f32 v63, v2  }
0x31e: {  	p0 =	sne.s32 s0, $0x8;
	[tilespmem:s26+$0x20] =	vst v3  }
.Ltmp5:
0x31f: {  	s21 =	sadd.s32 $0xC00, s21;
	[tilespmem:s26+$0x30] =	vst v2;
	(pc) =	sbr.rel @p0 .LBB3_11-.Ltmp5, $4  }
0x320: {  	[spmem:s1] =	stream.indirect.scatter.add.f32 [tilespmem:s31], [sflag:$0x3], $0x80, s21, s28, $0xb8;
	[tilespmem:$0x1EE00] =	vst v63  }
0x321: {  	_ =	swait.ge [sflag:s15], $0x4000  }
0x322: {  	[sflag:s15] =	ssyncset.done $0x0  }
0x323: {  	s2 =	sadd.s32 $0x80, s2;
	[sflag:s15] =	ssyncadd.s32 $0xFFFFC000  }
0x324: {  	s12 =	sadd.s32 $0x1, s12  }
0x325: {  	p0 =	sne.s32 s12, $0xA  }
.Ltmp6:
0x326: {  	_ = 	snop;
	(pc) =	sbr.rel @p0 .LBB3_8-.Ltmp6, $2  }
0x327: {  	_ =	sdelay $0x2  }
0x328: {  	s14 =	sadd.s32 $0x400, s14;
	s23 =	smov.u32 s24  }
0x329: {  	[bflag:$0x0] =	sbarrier.arrive $0xFFFF  }
0x32a: {  	s21 =	sld [smem:$0x7FA];
	_ =	sdelay $0x1  }
0x32b: {  	s2 =	rddreg [dreg:$0xf]  }
0x32c: {  	s12 =	rddreg [dreg:$0x18];
	s0 =	sshrl.u32 s21, $0x3  }
0x32d: {  	[hbm:s2], [sflag:s12] =	dma.local [spmem:s0], $0x800  }
0x32e: {  	_ =	swait.ge [sflag:s15], $0x800  }
0x32f: {  	s26 =	sld [smem:$0x7FC];
	_ =	sdelay $0x1  }
0x330: {  	[sflag:s15] =	ssyncset.done $0x0  }
0x331: {  	s24 =	rddreg [dreg:$0x10];
	[sflag:s15] =	ssyncadd.s32 $0xFFFFF800;
	s14 =	sshrl.u32 s26, $0x3  }
0x332: {  	[hbm:s24], [sflag:s12] =	dma.local [spmem:s14], $0x800  }
0x333: {  	_ =	swait.ge [sflag:s15], $0x800  }
0x334: {  	s29 =	sld [smem:$0x7FD];
	_ =	sdelay $0x1  }
0x335: {  	[sflag:s15] =	ssyncset.done $0x0  }
0x336: {  	s13 =	rddreg [dreg:$0x11];
	[sflag:s15] =	ssyncadd.s32 $0xFFFFF800;
	s2 =	sshrl.u32 s29, $0x3  }
0x337: {  	[hbm:s13], [sflag:s12] =	dma.local [spmem:s2], $0x800  }
0x338: {  	_ =	swait.ge [sflag:s15], $0x800  }
0x339: {  	s14 =	sld [smem:$0x7EE];
	_ =	sdelay $0x1  }
0x33a: {  	[sflag:s15] =	ssyncset.done $0x0  }
0x33b: {  	s24 =	rddreg [dreg:$0x13];
	[sflag:s15] =	ssyncadd.s32 $0xFFFFF800;
	s0 =	sshrl.u32 s14, $0x3  }
0x33c: {  	[hbm:s24], [sflag:s12] =	dma.local [spmem:s0], $0x800  }
0x33d: {  	_ =	swait.ge [sflag:s15], $0x800  }
0x33e: {  	s13 =	sld [smem:$0x7EF];
	_ =	sdelay $0x1  }
0x33f: {  	[sflag:s15] =	ssyncset.done $0x0  }
0x340: {  	s14 =	rddreg [dreg:$0x14];
	[sflag:s15] =	ssyncadd.s32 $0xFFFFF800;
	s0 =	sshrl.u32 s13, $0x3  }
0x341: {  	[hbm:s14], [sflag:s12] =	dma.local [spmem:s0], $0x800  }
0x342: {  	_ =	swait.ge [sflag:s15], $0x800  }
0x343: {  	s24 =	sld [smem:$0x7F1]  }
0x344: {  	s30 =	rddreg [dreg:$0xe]  }
0x345: {  	s30 =	sadd.s32 $0x1, s30  }
0x346: {  	p0 =	sne.s32 s30, s24  }
.Ltmp7:
0x347: {  	_ = 	snop;
	(pc) =	sbr.rel @p0 .LBB3_1-.Ltmp7, $3  }
0x348: {  	_ =	sdelay $0x1  }
0x349: {  	[sflag:s15] =	ssyncset.done $0x0  }
0x34a: {  	[sflag:s15] =	ssyncadd.s32 $0xFFFFF800;
	s24 =	sld [smem:$0x7FB]  }
0x34b: {  	_ =	sfence.sel $0x180000  }
0x34c: {  	[bflag:$0x0] =	sbarrier.arrive $0xFFFF  }
0x34d: {  	_ =	strace $0x90000047  }
0x34e: {  	s0 =	stileid.u32;
	[bflag:$0x2] =	sbarrier.arrive $0xFFFF  }
0x34f: {  	p0 =	sne.s32 s0, $0x0;
	s0 =	rddreg [dreg:$0x12]  }
0x350: {  	s0 =	sadd.s32 @!p0 $0x100000, s0  }
0x351: {  	[sflag:s0] =	ssyncadd.tile.s32 @!p0 $0x1;
	_ =	shalt  }
.Lfunc_end3:
_tile_overlayer_lowered:
.L_overlay_start_3:
0x352: {  	(tag) =	ssettag $0x3  }
0x353: {  	s0 =	rddreg [dreg:$0x0];
	s2 =	stileid.u32  }
0x354: {  	s1 =	rddreg [dreg:$0x1];
	p0 =	sne.s32 s2, $0x0  }
0x355: {  	s3 =	rddreg [dreg:$0x2];
	[bflag:$0x3] =	sbarrier.arrive $0xFFFF;
	s2 =	simm.s32 @!p0 $0x1C03  }
0x356: {  	[timem:s3], [sflag:s2] =	dma.local @!p0 [hbm:s0], s1  }
0x357: {  	s0 =	simm.s32 @!p0 $0x3  }
0x358: {  	_ =	swait.ge @!p0 [sflag:s0], s1  }
0x359: {  	s1 =	ssub.s32 @!p0 $0x0, s1;
	[sflag:s0] =	ssyncset.done @!p0 $0x0  }
0x35a: {  	[sflag:s0] =	ssyncadd.s32 @!p0 s1  }
0x35b: {  	[bflag:$0x3] =	sbarrier.arrive $0xFFFF  }
0x35c: {  	_ =	shalt  }

</sc_bundles>
